<compile_context>
chip_gen: v7x
topology: tpu7x:2x2x1
jax: 0.10.2.dev20260603
libtpu: 0.0.44.dev20260713+nightly
codegen_flags: <defaults>
</compile_context>

<pallas_src>
import functools

import jax
import jax.numpy as jnp
from jax import lax
from jax.experimental import pallas as pl
from jax.experimental.pallas import tpu as pltpu
from jax.experimental.pallas import tpu_sc as plsc

N = 10000
E = 320000
D = 128
NC = 2
NS = 16
NW = NC * NS
EPW = E // NW
C = 100
STEPS = EPW // C
PH = (48, 52)
PHMAX = 52
RPT0 = 624
LAST0 = RPT0 * (NS - 1)
RPTL = N - LAST0

_f32 = jnp.float32


def _mesh():
    return plsc.VectorSubcoreMesh(core_axis_name="c", subcore_axis_name="s")



DW = 16


@functools.partial(
    pl.kernel,
    out_type=(
        jax.ShapeDtypeStruct((NC, N, DW), _f32),
        jax.ShapeDtypeStruct((NC, N, DW), _f32),
    ),
    mesh=_mesh(),
    compiler_params=pltpu.CompilerParams(needs_layout_passes=False,
                                         use_tc_tiling_on_sc=False),
    scratch_types=[
        pltpu.VMEM((STEPS, C), jnp.int32),
        pltpu.VMEM((STEPS, C), jnp.int32),
        pltpu.VMEM((C, DW), _f32),
        pltpu.VMEM_SHARED((N, DW), _f32),
        pltpu.VMEM_SHARED((N, DW), _f32),
    ],
)
def _sc_degrees(src_hbm, dst_hbm, onerows_hbm, zdeg_hbm, odeg_hbm, ideg_hbm,
                src_v, dst_v, ones_v, od_sh, id_sh):
    c = lax.axis_index("c")
    s = lax.axis_index("s")
    wid = s * NC + c
    pltpu.sync_copy(src_hbm.at[wid], src_v)
    pltpu.sync_copy(dst_hbm.at[wid], dst_v)
    pltpu.sync_copy(onerows_hbm, ones_v)
    base = pl.multiple_of(s * RPT0, 8)

    @pl.when(s < NS - 1)
    def _():
        pltpu.sync_copy(zdeg_hbm.at[pl.ds(0, RPT0)], od_sh.at[pl.ds(base, RPT0)])
        pltpu.sync_copy(zdeg_hbm.at[pl.ds(0, RPT0)], id_sh.at[pl.ds(base, RPT0)])

    @pl.when(s == NS - 1)
    def _():
        pltpu.sync_copy(zdeg_hbm, od_sh.at[pl.ds(LAST0, RPTL)])
        pltpu.sync_copy(zdeg_hbm, id_sh.at[pl.ds(LAST0, RPTL)])

    plsc.subcore_barrier()

    def body(i, carry):
        pltpu.sync_copy(ones_v, od_sh.at[src_v.at[i]], add=True)
        pltpu.sync_copy(ones_v, id_sh.at[dst_v.at[i]], add=True)
        return carry

    lax.fori_loop(0, STEPS, body, 0)
    plsc.subcore_barrier()

    @pl.when(s < NS - 1)
    def _():
        pltpu.sync_copy(od_sh.at[pl.ds(base, RPT0)],
                        odeg_hbm.at[c, pl.ds(base, RPT0)])
        pltpu.sync_copy(id_sh.at[pl.ds(base, RPT0)],
                        ideg_hbm.at[c, pl.ds(base, RPT0)])

    @pl.when(s == NS - 1)
    def _():
        pltpu.sync_copy(od_sh.at[pl.ds(LAST0, RPTL)],
                        odeg_hbm.at[c, pl.ds(LAST0, RPTL)])
        pltpu.sync_copy(id_sh.at[pl.ds(LAST0, RPTL)],
                        ideg_hbm.at[c, pl.ds(LAST0, RPTL)])


@functools.partial(
    pl.kernel,
    out_type=jax.ShapeDtypeStruct((NC, N, D), _f32),
    mesh=_mesh(),
    compiler_params=pltpu.CompilerParams(needs_layout_passes=False),
    scratch_types=[
        pltpu.VMEM((PHMAX, C), jnp.int32),
        pltpu.VMEM((PHMAX, C), jnp.int32),
        pltpu.VMEM((C, D), _f32),
        pltpu.VMEM((C, D), _f32),
        pltpu.VMEM_SHARED((N, D), _f32),
        pltpu.SemaphoreType.DMA,
        pltpu.SemaphoreType.DMA,
    ],
)
def _sc_agg(xn_hbm, src_hbm, dst_hbm, zrows_hbm, out_hbm,
            src_v, dst_v, rows_a, rows_b, acc_sh, sem_a, sem_b):
    c = lax.axis_index("c")
    s = lax.axis_index("s")
    wid = s * NC + c
    base = pl.multiple_of(s * RPT0, 8)

    @pl.when(s < NS - 1)
    def _():
        pltpu.sync_copy(zrows_hbm.at[pl.ds(0, RPT0)],
                        acc_sh.at[pl.ds(base, RPT0)])

    @pl.when(s == NS - 1)
    def _():
        pltpu.sync_copy(zrows_hbm, acc_sh.at[pl.ds(LAST0, RPTL)])

    plsc.subcore_barrier()

    p0 = 0
    for nchunks in PH:
        pltpu.sync_copy(src_hbm.at[wid, pl.ds(p0, nchunks)],
                        src_v.at[pl.ds(0, nchunks)])
        pltpu.sync_copy(dst_hbm.at[wid, pl.ds(p0, nchunks)],
                        dst_v.at[pl.ds(0, nchunks)])
        pltpu.async_copy(xn_hbm.at[src_v.at[0]], rows_a, sem_a)

        def body(k, carry, nchunks=nchunks):
            g = k * 2
            pltpu.make_async_copy(xn_hbm.at[src_v.at[0]], rows_a, sem_a).wait()
            pltpu.async_copy(xn_hbm.at[src_v.at[g + 1]], rows_b, sem_b)
            pltpu.sync_copy(rows_a, acc_sh.at[dst_v.at[g]], add=True)
            pltpu.make_async_copy(xn_hbm.at[src_v.at[0]], rows_b, sem_b).wait()

            @pl.when(g + 2 < nchunks)
            def _():
                pltpu.async_copy(xn_hbm.at[src_v.at[g + 2]], rows_a, sem_a)

            pltpu.sync_copy(rows_b, acc_sh.at[dst_v.at[g + 1]], add=True)
            return carry

        lax.fori_loop(0, nchunks // 2, body, 0)
        p0 += nchunks
    plsc.subcore_barrier()

    @pl.when(s < NS - 1)
    def _():
        pltpu.sync_copy(acc_sh.at[pl.ds(base, RPT0)],
                        out_hbm.at[c, pl.ds(base, RPT0)])

    @pl.when(s == NS - 1)
    def _():
        pltpu.sync_copy(acc_sh.at[pl.ds(LAST0, RPTL)],
                        out_hbm.at[c, pl.ds(LAST0, RPTL)])



def _expm1(x):
    big = jnp.exp(x) - 1.0
    x2 = x * x
    tail = 1.0 / 6.0 + x * (1.0 / 24.0 + x * (1.0 / 120.0 + x * (1.0 / 720.0 + x * (1.0 / 5040.0))))
    small = x + 0.5 * x2 + x * x2 * tail
    return jnp.where(jnp.abs(x) < 0.35, small, big)


def _selu(x):
    scale = 1.0507009873554805
    alpha = 1.6732632423543772
    return scale * jnp.where(x > 0, x, alpha * _expm1(x))


def _tc_norms_body(od_ref, id_ref, on_ref, in_ref):
    od = jnp.sum(od_ref[...], axis=(0, 2))
    idg = jnp.sum(id_ref[...], axis=(0, 2))
    on_ref[...] = lax.rsqrt(jnp.maximum(od, 1.0))
    in_ref[...] = lax.rsqrt(jnp.maximum(idg, 1.0))


_tc_norms = pl.pallas_call(
    _tc_norms_body,
    out_shape=(jax.ShapeDtypeStruct((N,), _f32),
               jax.ShapeDtypeStruct((N,), _f32)),
)


def _tc_scale_body(x_ref, on_ref, o_ref):
    o_ref[...] = x_ref[...] * on_ref[...]


_tc_scale = pl.pallas_call(
    _tc_scale_body, out_shape=jax.ShapeDtypeStruct((N, D), _f32))


def _tc_layer_body(aggp_ref, inorm_ref, w_ref, b_ref, onorm_ref, o_ref):
    agg = (aggp_ref[0] + aggp_ref[1]) * inorm_ref[...]
    z = jnp.dot(agg, w_ref[...], preferred_element_type=_f32) + b_ref[...]
    o_ref[...] = _selu(z) * onorm_ref[...]


_tc_layer = pl.pallas_call(
    _tc_layer_body, out_shape=jax.ShapeDtypeStruct((N, D), _f32))


def _tc_final_body(aggp_ref, inorm_ref, w3_ref, b3_ref, fg_ref,
                   l1w_ref, l1b_ref, l2w_ref, l2b_ref, l3w_ref, l3b_ref,
                   o_ref):
    agg = (aggp_ref[0] + aggp_ref[1]) * inorm_ref[...]
    x3 = _selu(jnp.dot(agg, w3_ref[...], preferred_element_type=_f32)
               + b3_ref[...])
    emb = jnp.mean(x3, axis=0, keepdims=True)
    y = (jnp.dot(emb, l1w_ref[0:D, :], preferred_element_type=_f32)
         + jnp.dot(fg_ref[...], l1w_ref[D:, :], preferred_element_type=_f32)
         + l1b_ref[...])
    y = _selu(y)
    y = _selu(jnp.dot(y, l2w_ref[...], preferred_element_type=_f32)
              + l2b_ref[...])
    o_ref[...] = (jnp.dot(y, l3w_ref[...], preferred_element_type=_f32,
                          precision=lax.Precision.HIGHEST)
                  + l3b_ref[...])


_tc_final = pl.pallas_call(
    _tc_final_body, out_shape=jax.ShapeDtypeStruct((1, 1), _f32))



def kernel(feats_node, edge_index, feats_graph, W1, b1, W2, b2, W3, b3,
           L1_W, L1_b, L2_W, L2_b, L3_W, L3_b):
    src = edge_index[0].reshape(NW, STEPS, C)
    dst = edge_index[1].reshape(NW, STEPS, C)
    onerows = jnp.zeros((C, DW), _f32).at[:, 0].set(1.0)
    zdeg = jnp.zeros((RPTL, DW), _f32)
    zrows = jnp.zeros((RPTL, D), _f32)

    odeg, ideg = _sc_degrees(src, dst, onerows, zdeg)
    onorm, inorm = _tc_norms(odeg, ideg)
    on_c = onorm.reshape(N, 1)
    in_c = inorm.reshape(N, 1)

    xn = _tc_scale(feats_node, on_c)
    for (w, b) in ((W1, b1), (W2, b2)):
        aggp = _sc_agg(xn, src, dst, zrows)
        xn = _tc_layer(aggp, in_c, w, b, on_c)
    aggp = _sc_agg(xn, src, dst, zrows)
    return _tc_final(aggp, in_c, W3, b3, feats_graph,
                     L1_W, L1_b, L2_W, L2_b, L3_W, L3_b)

# --- scband reference (transcript-rebuilt; emitter-appended) ---
"""Pipeline reference for scband-gcnmodel-26834955665916 (READ-ONLY COPY).

The authoritative reference and input builder live on the scoring server;
editing this copy changes nothing except your own understanding.
"""

import jax, jax.numpy as jnp
import numpy as np

N_NODES = 10000
N_EDGES = 320000
D_FEAT = 128
HIDDEN = 128
EXTRA = 16


def _gcn_layer(x, src, dst, W, b):
    # DGL GraphConv with norm='both': h = D_out^{-1/2} gather, scatter-add to dst, D_in^{-1/2}, then W + b
    out_deg = jnp.zeros((N_NODES,), jnp.float32).at[src].add(1.0)
    in_deg = jnp.zeros((N_NODES,), jnp.float32).at[dst].add(1.0)
    out_norm = jnp.maximum(out_deg, 1.0) ** -0.5
    in_norm = jnp.maximum(in_deg, 1.0) ** -0.5
    h = x * out_norm[:, None]
    agg = jnp.zeros((N_NODES, x.shape[1]), x.dtype).at[dst].add(h[src])
    agg = agg * in_norm[:, None]
    return agg @ W + b


def setup_inputs(seed: int = 0):
    key = jax.random.key(seed)
    ks = jax.random.split(key, 12)
    inp = {}
    inp["feats_node"] = jax.random.normal(ks[0], (N_NODES, D_FEAT), jnp.float32)
    inp["edge_index"] = jax.random.randint(ks[1], (2, N_EDGES), 0, N_NODES, jnp.int32)
    inp["feats_graph"] = jax.random.normal(ks[2], (1, EXTRA), jnp.float32)
    inp["W1"] = 0.5 * jax.random.normal(ks[3], (D_FEAT, HIDDEN), jnp.float32)
    inp["b1"] = jnp.zeros((HIDDEN,), jnp.float32)
    inp["W2"] = 0.5 * jax.random.normal(ks[4], (HIDDEN, HIDDEN), jnp.float32)
    inp["b2"] = jnp.zeros((HIDDEN,), jnp.float32)
    inp["W3"] = 0.5 * jax.random.normal(ks[5], (HIDDEN, HIDDEN), jnp.float32)
    inp["b3"] = jnp.zeros((HIDDEN,), jnp.float32)
    inp["L1_W"] = 0.5 * jax.random.normal(ks[6], (HIDDEN + EXTRA, 2 * HIDDEN), jnp.float32)
    inp["L1_b"] = jnp.zeros((2 * HIDDEN,), jnp.float32)
    inp["L2_W"] = 0.5 * jax.random.normal(ks[7], (2 * HIDDEN, HIDDEN), jnp.float32)
    inp["L2_b"] = jnp.zeros((HIDDEN,), jnp.float32)
    inp["L3_W"] = 0.5 * jax.random.normal(ks[8], (HIDDEN, 1), jnp.float32)
    inp["L3_b"] = jnp.zeros((1,), jnp.float32)
    return inp


def reference(feats_node, edge_index, feats_graph, W1, b1, W2, b2, W3, b3, L1_W, L1_b, L2_W, L2_b, L3_W, L3_b):
    src = edge_index[0]
    dst = edge_index[1]
    x = jax.nn.selu(_gcn_layer(feats_node, src, dst, W1, b1))
    x = jax.nn.selu(_gcn_layer(x, src, dst, W2, b2))
    x = jax.nn.selu(_gcn_layer(x, src, dst, W3, b3))
    embedding = jnp.mean(x, axis=0, keepdims=True)  # AvgPooling readout over single graph
    y = jnp.concatenate([embedding, feats_graph], axis=1)
    y = jax.nn.selu(y @ L1_W + L1_b)
    y = jax.nn.selu(y @ L2_W + L2_b)
    return y @ L3_W + L3_b

if __name__ == "__main__":
    import jax
    _d = setup_inputs()
    print(jax.jit(kernel)(*tuple(_d.values())))

</pallas_src>

<mosaic_0001>
#map = affine_map<(d0, d1) -> (0, 0)>
#map1 = affine_map<(d0, d1) -> (0, 0, 0)>
module attributes {stable_mosaic.version = 14 : i64} {
  func.func @_sc_agg(%arg0: i32, %arg1: i32, %arg2: memref<10000x128xf32, #tpu.memory_space<hbm>>, %arg3: memref<32x100x100xi32, #tpu.memory_space<hbm>>, %arg4: memref<32x100x100xi32, #tpu.memory_space<hbm>>, %arg5: memref<640x128xf32, #tpu.memory_space<hbm>>, %arg6: memref<2x10000x128xf32, #tpu.memory_space<hbm>>, %arg7: memref<52x100xi32, #tpu.memory_space<vmem>>, %arg8: memref<52x100xi32, #tpu.memory_space<vmem>>, %arg9: memref<100x128xf32, #tpu.memory_space<vmem>>, %arg10: memref<100x128xf32, #tpu.memory_space<vmem>>, %arg11: memref<10000x128xf32, #tpu.memory_space<vmem_shared>>, %arg12: memref<!tpu.dma_semaphore, #tpu.memory_space<semaphore_mem>>, %arg13: memref<!tpu.dma_semaphore, #tpu.memory_space<semaphore_mem>>) attributes {dimension_semantics = [#tpu.dimension_semantics<core_parallel>, #tpu.dimension_semantics<subcore_parallel>], iteration_bounds = array<i64: 2, 16>, scalar_prefetch = 0 : i64, scratch_operands = 7 : i64, tpu.core_type = #tpu.core_type<sc_vector_subcore>, window_params = [{transform_indices = #map}, {transform_indices = #map1}, {transform_indices = #map1}, {transform_indices = #map}, {transform_indices = #map1}]} {
    %mul3A = arith.constant 2 : i32
    %mul3A_0 = arith.muli %arg1, %mul3A : i32
    %add3A = arith.addi %mul3A_0, %arg0 : i32
    %mul3A_1 = arith.constant 624 : i32
    %mul3A_2 = arith.muli %arg1, %mul3A_1 : i32
    %multiple_of3A = tpu.assume_multiple %mul3A_2, 8 : i32
    %lt3A = arith.constant 15 : i32
    %lt3A_3 = arith.cmpi slt, %arg1, %lt3A : i32
    %convert_element_type3A = arith.extui %lt3A_3 : i1 to i32
    %cond3A = arith.constant 0 : i32
    %cond3A_4 = arith.cmpi ne, %convert_element_type3A, %cond3A : i32
    scf.if %cond3A_4 {
      "tpu.region"() ({
        %run_scoped3A = tpu.sem_alloc : memref<!tpu.dma_semaphore, #tpu.memory_space<semaphore_mem>>
        %dma_start3A_44 = arith.constant 0 : i32
        %dma_start3A_45 = tpu.memref_slice %arg11[%multiple_of3A, %dma_start3A_44] : memref<10000x128xf32, #tpu.memory_space<vmem_shared>> -> memref<624x128xf32, #tpu.memory_space<vmem_shared>>
        %dma_start3A_46 = arith.constant 0 : i32
        %dma_start3A_47 = arith.constant 0 : i32
        %dma_start3A_48 = tpu.memref_slice %arg5[%dma_start3A_46, %dma_start3A_47] : memref<640x128xf32, #tpu.memory_space<hbm>> -> memref<624x128xf32, #tpu.memory_space<hbm>>
        tpu.enqueue_dma source(%dma_start3A_48 : memref<624x128xf32, #tpu.memory_space<hbm>>) target(%dma_start3A_45 : memref<624x128xf32, #tpu.memory_space<vmem_shared>>) target_semaphore(%run_scoped3A : memref<!tpu.dma_semaphore, #tpu.memory_space<semaphore_mem>>)
        %dma_wait3A = arith.constant 0 : i32
        %dma_wait3A_49 = tpu.memref_slice %arg11[%multiple_of3A, %dma_wait3A] : memref<10000x128xf32, #tpu.memory_space<vmem_shared>> -> memref<624x128xf32, #tpu.memory_space<vmem_shared>>
        %dma_wait3A_50 = arith.constant 0 : i32
        %dma_wait3A_51 = arith.constant 0 : i32
        %dma_wait3A_52 = tpu.memref_slice %arg5[%dma_wait3A_50, %dma_wait3A_51] : memref<640x128xf32, #tpu.memory_space<hbm>> -> memref<624x128xf32, #tpu.memory_space<hbm>>
        tpu.wait_dma2 semaphore(%run_scoped3A : memref<!tpu.dma_semaphore, #tpu.memory_space<semaphore_mem>>) src(%dma_wait3A_52 : memref<624x128xf32, #tpu.memory_space<hbm>>) dst(%dma_wait3A_49 : memref<624x128xf32, #tpu.memory_space<vmem_shared>>)
        tpu.yield
      }) : () -> ()
    } else {
    }
    %eq3A = arith.constant 15 : i32
    %eq3A_5 = arith.cmpi eq, %arg1, %eq3A : i32
    %convert_element_type3A_6 = arith.extui %eq3A_5 : i1 to i32
    %cond3A_7 = arith.constant 0 : i32
    %cond3A_8 = arith.cmpi ne, %convert_element_type3A_6, %cond3A_7 : i32
    scf.if %cond3A_8 {
      "tpu.region"() ({
        %run_scoped3A = tpu.sem_alloc : memref<!tpu.dma_semaphore, #tpu.memory_space<semaphore_mem>>
        %dma_start3A_44 = arith.constant 9360 : i32
        %dma_start3A_45 = arith.constant 0 : i32
        %dma_start3A_46 = tpu.memref_slice %arg11[%dma_start3A_44, %dma_start3A_45] : memref<10000x128xf32, #tpu.memory_space<vmem_shared>> -> memref<640x128xf32, #tpu.memory_space<vmem_shared>>
        tpu.enqueue_dma source(%arg5 : memref<640x128xf32, #tpu.memory_space<hbm>>) target(%dma_start3A_46 : memref<640x128xf32, #tpu.memory_space<vmem_shared>>) target_semaphore(%run_scoped3A : memref<!tpu.dma_semaphore, #tpu.memory_space<semaphore_mem>>)
        %dma_wait3A = arith.constant 9360 : i32
        %dma_wait3A_47 = arith.constant 0 : i32
        %dma_wait3A_48 = tpu.memref_slice %arg11[%dma_wait3A, %dma_wait3A_47] : memref<10000x128xf32, #tpu.memory_space<vmem_shared>> -> memref<640x128xf32, #tpu.memory_space<vmem_shared>>
        tpu.wait_dma2 semaphore(%run_scoped3A : memref<!tpu.dma_semaphore, #tpu.memory_space<semaphore_mem>>) src(%arg5 : memref<640x128xf32, #tpu.memory_space<hbm>>) dst(%dma_wait3A_48 : memref<640x128xf32, #tpu.memory_space<vmem_shared>>)
        tpu.yield
      }) : () -> ()
    } else {
    }
    %barrier3A = arith.constant 0 : index
    tpu.barrier barrier_id(%barrier3A)
    "tpu.region"() ({
      %run_scoped3A = tpu.sem_alloc : memref<!tpu.dma_semaphore, #tpu.memory_space<semaphore_mem>>
      %dma_start3A_44 = arith.constant 0 : i32
      %dma_start3A_45 = arith.constant 0 : i32
      %dma_start3A_46 = tpu.memref_slice %arg7[%dma_start3A_44, %dma_start3A_45] : memref<52x100xi32, #tpu.memory_space<vmem>> -> memref<48x100xi32, #tpu.memory_space<vmem>>
      %dma_start3A_47 = arith.constant 0 : i32
      %dma_start3A_48 = arith.constant 0 : i32
      %dma_start3A_49 = tpu.memref_slice %arg3[%add3A, %dma_start3A_47, %dma_start3A_48] : memref<32x100x100xi32, #tpu.memory_space<hbm>> -> memref<1x48x100xi32, #tpu.memory_space<hbm>>
      %dma_start3A_50 = tpu.memref_squeeze %dma_start3A_49 : memref<1x48x100xi32, #tpu.memory_space<hbm>> -> memref<48x100xi32, #tpu.memory_space<hbm>>
      %dma_start3A_51 = arith.constant 0 : i32
      %dma_start3A_52 = arith.constant 0 : i32
      %dma_start3A_53 = tpu.memref_slice %arg7[%dma_start3A_51, %dma_start3A_52] : memref<52x100xi32, #tpu.memory_space<vmem>> -> memref<48x100xi32, #tpu.memory_space<vmem>>
      %dma_start3A_54 = arith.constant 0 : i32
      %dma_start3A_55 = arith.constant 0 : i32
      %dma_start3A_56 = tpu.memref_slice %arg3[%add3A, %dma_start3A_54, %dma_start3A_55] : memref<32x100x100xi32, #tpu.memory_space<hbm>> -> memref<1x48x100xi32, #tpu.memory_space<hbm>>
      %dma_start3A_57 = tpu.memref_squeeze %dma_start3A_56 : memref<1x48x100xi32, #tpu.memory_space<hbm>> -> memref<48x100xi32, #tpu.memory_space<hbm>>
      tpu.enqueue_dma source(%dma_start3A_57 : memref<48x100xi32, #tpu.memory_space<hbm>>) target(%dma_start3A_53 : memref<48x100xi32, #tpu.memory_space<vmem>>) target_semaphore(%run_scoped3A : memref<!tpu.dma_semaphore, #tpu.memory_space<semaphore_mem>>)
      %dma_wait3A = arith.constant 0 : i32
      %dma_wait3A_58 = arith.constant 0 : i32
      %dma_wait3A_59 = tpu.memref_slice %arg7[%dma_wait3A, %dma_wait3A_58] : memref<52x100xi32, #tpu.memory_space<vmem>> -> memref<48x100xi32, #tpu.memory_space<vmem>>
      %dma_wait3A_60 = arith.constant 0 : i32
      %dma_wait3A_61 = arith.constant 0 : i32
      %dma_wait3A_62 = tpu.memref_slice %arg3[%add3A, %dma_wait3A_60, %dma_wait3A_61] : memref<32x100x100xi32, #tpu.memory_space<hbm>> -> memref<1x48x100xi32, #tpu.memory_space<hbm>>
      %dma_wait3A_63 = tpu.memref_squeeze %dma_wait3A_62 : memref<1x48x100xi32, #tpu.memory_space<hbm>> -> memref<48x100xi32, #tpu.memory_space<hbm>>
      %dma_wait3A_64 = arith.constant 0 : i32
      %dma_wait3A_65 = arith.constant 0 : i32
      %dma_wait3A_66 = tpu.memref_slice %arg7[%dma_wait3A_64, %dma_wait3A_65] : memref<52x100xi32, #tpu.memory_space<vmem>> -> memref<48x100xi32, #tpu.memory_space<vmem>>
      %dma_wait3A_67 = arith.constant 0 : i32
      %dma_wait3A_68 = arith.constant 0 : i32
      %dma_wait3A_69 = tpu.memref_slice %arg3[%add3A, %dma_wait3A_67, %dma_wait3A_68] : memref<32x100x100xi32, #tpu.memory_space<hbm>> -> memref<1x48x100xi32, #tpu.memory_space<hbm>>
      %dma_wait3A_70 = tpu.memref_squeeze %dma_wait3A_69 : memref<1x48x100xi32, #tpu.memory_space<hbm>> -> memref<48x100xi32, #tpu.memory_space<hbm>>
      tpu.wait_dma2 semaphore(%run_scoped3A : memref<!tpu.dma_semaphore, #tpu.memory_space<semaphore_mem>>) src(%dma_wait3A_70 : memref<48x100xi32, #tpu.memory_space<hbm>>) dst(%dma_wait3A_66 : memref<48x100xi32, #tpu.memory_space<vmem>>)
      tpu.yield
    }) : () -> ()
    "tpu.region"() ({
      %run_scoped3A = tpu.sem_alloc : memref<!tpu.dma_semaphore, #tpu.memory_space<semaphore_mem>>
      %dma_start3A_44 = arith.constant 0 : i32
      %dma_start3A_45 = arith.constant 0 : i32
      %dma_start3A_46 = tpu.memref_slice %arg8[%dma_start3A_44, %dma_start3A_45] : memref<52x100xi32, #tpu.memory_space<vmem>> -> memref<48x100xi32, #tpu.memory_space<vmem>>
      %dma_start3A_47 = arith.constant 0 : i32
      %dma_start3A_48 = arith.constant 0 : i32
      %dma_start3A_49 = tpu.memref_slice %arg4[%add3A, %dma_start3A_47, %dma_start3A_48] : memref<32x100x100xi32, #tpu.memory_space<hbm>> -> memref<1x48x100xi32, #tpu.memory_space<hbm>>
      %dma_start3A_50 = tpu.memref_squeeze %dma_start3A_49 : memref<1x48x100xi32, #tpu.memory_space<hbm>> -> memref<48x100xi32, #tpu.memory_space<hbm>>
      %dma_start3A_51 = arith.constant 0 : i32
      %dma_start3A_52 = arith.constant 0 : i32
      %dma_start3A_53 = tpu.memref_slice %arg8[%dma_start3A_51, %dma_start3A_52] : memref<52x100xi32, #tpu.memory_space<vmem>> -> memref<48x100xi32, #tpu.memory_space<vmem>>
      %dma_start3A_54 = arith.constant 0 : i32
      %dma_start3A_55 = arith.constant 0 : i32
      %dma_start3A_56 = tpu.memref_slice %arg4[%add3A, %dma_start3A_54, %dma_start3A_55] : memref<32x100x100xi32, #tpu.memory_space<hbm>> -> memref<1x48x100xi32, #tpu.memory_space<hbm>>
      %dma_start3A_57 = tpu.memref_squeeze %dma_start3A_56 : memref<1x48x100xi32, #tpu.memory_space<hbm>> -> memref<48x100xi32, #tpu.memory_space<hbm>>
      tpu.enqueue_dma source(%dma_start3A_57 : memref<48x100xi32, #tpu.memory_space<hbm>>) target(%dma_start3A_53 : memref<48x100xi32, #tpu.memory_space<vmem>>) target_semaphore(%run_scoped3A : memref<!tpu.dma_semaphore, #tpu.memory_space<semaphore_mem>>)
      %dma_wait3A = arith.constant 0 : i32
      %dma_wait3A_58 = arith.constant 0 : i32
      %dma_wait3A_59 = tpu.memref_slice %arg8[%dma_wait3A, %dma_wait3A_58] : memref<52x100xi32, #tpu.memory_space<vmem>> -> memref<48x100xi32, #tpu.memory_space<vmem>>
      %dma_wait3A_60 = arith.constant 0 : i32
      %dma_wait3A_61 = arith.constant 0 : i32
      %dma_wait3A_62 = tpu.memref_slice %arg4[%add3A, %dma_wait3A_60, %dma_wait3A_61] : memref<32x100x100xi32, #tpu.memory_space<hbm>> -> memref<1x48x100xi32, #tpu.memory_space<hbm>>
      %dma_wait3A_63 = tpu.memref_squeeze %dma_wait3A_62 : memref<1x48x100xi32, #tpu.memory_space<hbm>> -> memref<48x100xi32, #tpu.memory_space<hbm>>
      %dma_wait3A_64 = arith.constant 0 : i32
      %dma_wait3A_65 = arith.constant 0 : i32
      %dma_wait3A_66 = tpu.memref_slice %arg8[%dma_wait3A_64, %dma_wait3A_65] : memref<52x100xi32, #tpu.memory_space<vmem>> -> memref<48x100xi32, #tpu.memory_space<vmem>>
      %dma_wait3A_67 = arith.constant 0 : i32
      %dma_wait3A_68 = arith.constant 0 : i32
      %dma_wait3A_69 = tpu.memref_slice %arg4[%add3A, %dma_wait3A_67, %dma_wait3A_68] : memref<32x100x100xi32, #tpu.memory_space<hbm>> -> memref<1x48x100xi32, #tpu.memory_space<hbm>>
      %dma_wait3A_70 = tpu.memref_squeeze %dma_wait3A_69 : memref<1x48x100xi32, #tpu.memory_space<hbm>> -> memref<48x100xi32, #tpu.memory_space<hbm>>
      tpu.wait_dma2 semaphore(%run_scoped3A : memref<!tpu.dma_semaphore, #tpu.memory_space<semaphore_mem>>) src(%dma_wait3A_70 : memref<48x100xi32, #tpu.memory_space<hbm>>) dst(%dma_wait3A_66 : memref<48x100xi32, #tpu.memory_space<vmem>>)
      tpu.yield
    }) : () -> ()
    %dma_start3A = arith.constant 0 : i32
    %dma_start3A_9 = arith.constant 0 : i32
    %dma_start3A_10 = tpu.memref_slice %arg7[%dma_start3A, %dma_start3A_9] : memref<52x100xi32, #tpu.memory_space<vmem>> -> memref<1x100xi32, #tpu.memory_space<vmem>>
    %dma_start3A_11 = tpu.memref_squeeze %dma_start3A_10 : memref<1x100xi32, #tpu.memory_space<vmem>> -> memref<100xi32, #tpu.memory_space<vmem>>
    %dma_start3A_12 = arith.constant 0 : i32
    %dma_start3A_13 = arith.constant 0 : i32
    %dma_start3A_14 = tpu.memref_slice %arg2[%dma_start3A_12, %dma_start3A_13] : memref<10000x128xf32, #tpu.memory_space<hbm>> -> memref<10000x128xf32, #tpu.memory_space<hbm>>
    tpu.enqueue_indirect_dma source(%dma_start3A_14 : memref<10000x128xf32, #tpu.memory_space<hbm>>) target(%arg9 : memref<100x128xf32, #tpu.memory_space<vmem>>) offsets(%dma_start3A_11 : memref<100xi32, #tpu.memory_space<vmem>>) semaphore(%arg12 : memref<!tpu.dma_semaphore, #tpu.memory_space<semaphore_mem>>)
    %scan3A = arith.constant 0 : i32
    %scan3A_15 = arith.constant 0 : i32
    %scan3A_16 = arith.constant 24 : i32
    %scan3A_17 = arith.addi %scan3A_15, %scan3A_16 : i32
    %scan3A_18 = arith.constant 1 : i32
    scf.for %scan3A_44 = %scan3A_15 to %scan3A_17 step %scan3A_18  : i32 {
      %mul3A_45 = arith.constant 2 : i32
      %mul3A_46 = arith.muli %scan3A_44, %mul3A_45 : i32
      %dma_wait3A = arith.constant 0 : i32
      %dma_wait3A_47 = arith.constant 0 : i32
      %dma_wait3A_48 = tpu.memref_slice %arg7[%dma_wait3A, %dma_wait3A_47] : memref<52x100xi32, #tpu.memory_space<vmem>> -> memref<1x100xi32, #tpu.memory_space<vmem>>
      %dma_wait3A_49 = tpu.memref_squeeze %dma_wait3A_48 : memref<1x100xi32, #tpu.memory_space<vmem>> -> memref<100xi32, #tpu.memory_space<vmem>>
      %dma_wait3A_50 = arith.constant 0 : i32
      %dma_wait3A_51 = arith.constant 0 : i32
      %dma_wait3A_52 = tpu.memref_slice %arg2[%dma_wait3A_50, %dma_wait3A_51] : memref<10000x128xf32, #tpu.memory_space<hbm>> -> memref<10000x128xf32, #tpu.memory_space<hbm>>
      tpu.wait_indirect_dma semaphore(%arg12 : memref<!tpu.dma_semaphore, #tpu.memory_space<semaphore_mem>>) src(%dma_wait3A_52 : memref<10000x128xf32, #tpu.memory_space<hbm>>) dst(%arg9 : memref<100x128xf32, #tpu.memory_space<vmem>>)
      %add3A_53 = arith.constant 1 : i32
      %add3A_54 = arith.addi %mul3A_46, %add3A_53 : i32
      %dma_start3A_55 = arith.constant 0 : i32
      %dma_start3A_56 = tpu.memref_slice %arg7[%add3A_54, %dma_start3A_55] : memref<52x100xi32, #tpu.memory_space<vmem>> -> memref<1x100xi32, #tpu.memory_space<vmem>>
      %dma_start3A_57 = tpu.memref_squeeze %dma_start3A_56 : memref<1x100xi32, #tpu.memory_space<vmem>> -> memref<100xi32, #tpu.memory_space<vmem>>
      %dma_start3A_58 = arith.constant 0 : i32
      %dma_start3A_59 = arith.constant 0 : i32
      %dma_start3A_60 = tpu.memref_slice %arg2[%dma_start3A_58, %dma_start3A_59] : memref<10000x128xf32, #tpu.memory_space<hbm>> -> memref<10000x128xf32, #tpu.memory_space<hbm>>
      tpu.enqueue_indirect_dma source(%dma_start3A_60 : memref<10000x128xf32, #tpu.memory_space<hbm>>) target(%arg10 : memref<100x128xf32, #tpu.memory_space<vmem>>) offsets(%dma_start3A_57 : memref<100xi32, #tpu.memory_space<vmem>>) semaphore(%arg13 : memref<!tpu.dma_semaphore, #tpu.memory_space<semaphore_mem>>)
      "tpu.region"() ({
        %run_scoped3A = tpu.sem_alloc : memref<!tpu.dma_semaphore, #tpu.memory_space<semaphore_mem>>
        %dma_start3A_77 = arith.constant 0 : i32
        %dma_start3A_78 = tpu.memref_slice %arg8[%mul3A_46, %dma_start3A_77] : memref<52x100xi32, #tpu.memory_space<vmem>> -> memref<1x100xi32, #tpu.memory_space<vmem>>
        %dma_start3A_79 = tpu.memref_squeeze %dma_start3A_78 : memref<1x100xi32, #tpu.memory_space<vmem>> -> memref<100xi32, #tpu.memory_space<vmem>>
        %dma_start3A_80 = arith.constant 0 : i32
        %dma_start3A_81 = arith.constant 0 : i32
        %dma_start3A_82 = tpu.memref_slice %arg11[%dma_start3A_80, %dma_start3A_81] : memref<10000x128xf32, #tpu.memory_space<vmem_shared>> -> memref<10000x128xf32, #tpu.memory_space<vmem_shared>>
        tpu.enqueue_indirect_dma source(%arg9 : memref<100x128xf32, #tpu.memory_space<vmem>>) target(%dma_start3A_82 : memref<10000x128xf32, #tpu.memory_space<vmem_shared>>) offsets(%dma_start3A_79 : memref<100xi32, #tpu.memory_space<vmem>>) semaphore(%run_scoped3A : memref<!tpu.dma_semaphore, #tpu.memory_space<semaphore_mem>>) {add = true}
        %dma_wait3A_83 = arith.constant 0 : i32
        %dma_wait3A_84 = tpu.memref_slice %arg8[%mul3A_46, %dma_wait3A_83] : memref<52x100xi32, #tpu.memory_space<vmem>> -> memref<1x100xi32, #tpu.memory_space<vmem>>
        %dma_wait3A_85 = tpu.memref_squeeze %dma_wait3A_84 : memref<1x100xi32, #tpu.memory_space<vmem>> -> memref<100xi32, #tpu.memory_space<vmem>>
        %dma_wait3A_86 = arith.constant 0 : i32
        %dma_wait3A_87 = arith.constant 0 : i32
        %dma_wait3A_88 = tpu.memref_slice %arg11[%dma_wait3A_86, %dma_wait3A_87] : memref<10000x128xf32, #tpu.memory_space<vmem_shared>> -> memref<10000x128xf32, #tpu.memory_space<vmem_shared>>
        tpu.wait_indirect_dma semaphore(%run_scoped3A : memref<!tpu.dma_semaphore, #tpu.memory_space<semaphore_mem>>) src(%arg9 : memref<100x128xf32, #tpu.memory_space<vmem>>) dst(%dma_wait3A_88 : memref<10000x128xf32, #tpu.memory_space<vmem_shared>>)
        tpu.yield
      }) : () -> ()
      %dma_wait3A_61 = arith.constant 0 : i32
      %dma_wait3A_62 = arith.constant 0 : i32
      %dma_wait3A_63 = tpu.memref_slice %arg7[%dma_wait3A_61, %dma_wait3A_62] : memref<52x100xi32, #tpu.memory_space<vmem>> -> memref<1x100xi32, #tpu.memory_space<vmem>>
      %dma_wait3A_64 = tpu.memref_squeeze %dma_wait3A_63 : memref<1x100xi32, #tpu.memory_space<vmem>> -> memref<100xi32, #tpu.memory_space<vmem>>
      %dma_wait3A_65 = arith.constant 0 : i32
      %dma_wait3A_66 = arith.constant 0 : i32
      %dma_wait3A_67 = tpu.memref_slice %arg2[%dma_wait3A_65, %dma_wait3A_66] : memref<10000x128xf32, #tpu.memory_space<hbm>> -> memref<10000x128xf32, #tpu.memory_space<hbm>>
      tpu.wait_indirect_dma semaphore(%arg13 : memref<!tpu.dma_semaphore, #tpu.memory_space<semaphore_mem>>) src(%dma_wait3A_67 : memref<10000x128xf32, #tpu.memory_space<hbm>>) dst(%arg10 : memref<100x128xf32, #tpu.memory_space<vmem>>)
      %add3A_68 = arith.constant 2 : i32
      %add3A_69 = arith.addi %mul3A_46, %add3A_68 : i32
      %lt3A_70 = arith.constant 48 : i32
      %lt3A_71 = arith.cmpi slt, %add3A_69, %lt3A_70 : i32
      %convert_element_type3A_72 = arith.extui %lt3A_71 : i1 to i32
      %cond3A_73 = arith.constant 0 : i32
      %cond3A_74 = arith.cmpi ne, %convert_element_type3A_72, %cond3A_73 : i32
      scf.if %cond3A_74 {
        %add3A_77 = arith.constant 2 : i32
        %add3A_78 = arith.addi %mul3A_46, %add3A_77 : i32
        %dma_start3A_79 = arith.constant 0 : i32
        %dma_start3A_80 = tpu.memref_slice %arg7[%add3A_78, %dma_start3A_79] : memref<52x100xi32, #tpu.memory_space<vmem>> -> memref<1x100xi32, #tpu.memory_space<vmem>>
        %dma_start3A_81 = tpu.memref_squeeze %dma_start3A_80 : memref<1x100xi32, #tpu.memory_space<vmem>> -> memref<100xi32, #tpu.memory_space<vmem>>
        %dma_start3A_82 = arith.constant 0 : i32
        %dma_start3A_83 = arith.constant 0 : i32
        %dma_start3A_84 = tpu.memref_slice %arg2[%dma_start3A_82, %dma_start3A_83] : memref<10000x128xf32, #tpu.memory_space<hbm>> -> memref<10000x128xf32, #tpu.memory_space<hbm>>
        tpu.enqueue_indirect_dma source(%dma_start3A_84 : memref<10000x128xf32, #tpu.memory_space<hbm>>) target(%arg9 : memref<100x128xf32, #tpu.memory_space<vmem>>) offsets(%dma_start3A_81 : memref<100xi32, #tpu.memory_space<vmem>>) semaphore(%arg12 : memref<!tpu.dma_semaphore, #tpu.memory_space<semaphore_mem>>)
      } else {
      }
      %add3A_75 = arith.constant 1 : i32
      %add3A_76 = arith.addi %mul3A_46, %add3A_75 : i32
      "tpu.region"() ({
        %run_scoped3A = tpu.sem_alloc : memref<!tpu.dma_semaphore, #tpu.memory_space<semaphore_mem>>
        %dma_start3A_77 = arith.constant 0 : i32
        %dma_start3A_78 = tpu.memref_slice %arg8[%add3A_76, %dma_start3A_77] : memref<52x100xi32, #tpu.memory_space<vmem>> -> memref<1x100xi32, #tpu.memory_space<vmem>>
        %dma_start3A_79 = tpu.memref_squeeze %dma_start3A_78 : memref<1x100xi32, #tpu.memory_space<vmem>> -> memref<100xi32, #tpu.memory_space<vmem>>
        %dma_start3A_80 = arith.constant 0 : i32
        %dma_start3A_81 = arith.constant 0 : i32
        %dma_start3A_82 = tpu.memref_slice %arg11[%dma_start3A_80, %dma_start3A_81] : memref<10000x128xf32, #tpu.memory_space<vmem_shared>> -> memref<10000x128xf32, #tpu.memory_space<vmem_shared>>
        tpu.enqueue_indirect_dma source(%arg10 : memref<100x128xf32, #tpu.memory_space<vmem>>) target(%dma_start3A_82 : memref<10000x128xf32, #tpu.memory_space<vmem_shared>>) offsets(%dma_start3A_79 : memref<100xi32, #tpu.memory_space<vmem>>) semaphore(%run_scoped3A : memref<!tpu.dma_semaphore, #tpu.memory_space<semaphore_mem>>) {add = true}
        %dma_wait3A_83 = arith.constant 0 : i32
        %dma_wait3A_84 = tpu.memref_slice %arg8[%add3A_76, %dma_wait3A_83] : memref<52x100xi32, #tpu.memory_space<vmem>> -> memref<1x100xi32, #tpu.memory_space<vmem>>
        %dma_wait3A_85 = tpu.memref_squeeze %dma_wait3A_84 : memref<1x100xi32, #tpu.memory_space<vmem>> -> memref<100xi32, #tpu.memory_space<vmem>>
        %dma_wait3A_86 = arith.constant 0 : i32
        %dma_wait3A_87 = arith.constant 0 : i32
        %dma_wait3A_88 = tpu.memref_slice %arg11[%dma_wait3A_86, %dma_wait3A_87] : memref<10000x128xf32, #tpu.memory_space<vmem_shared>> -> memref<10000x128xf32, #tpu.memory_space<vmem_shared>>
        tpu.wait_indirect_dma semaphore(%run_scoped3A : memref<!tpu.dma_semaphore, #tpu.memory_space<semaphore_mem>>) src(%arg10 : memref<100x128xf32, #tpu.memory_space<vmem>>) dst(%dma_wait3A_88 : memref<10000x128xf32, #tpu.memory_space<vmem_shared>>)
        tpu.yield
      }) : () -> ()
    }
    %scan3A_19 = arith.constant 24 : i32
    "tpu.region"() ({
      %run_scoped3A = tpu.sem_alloc : memref<!tpu.dma_semaphore, #tpu.memory_space<semaphore_mem>>
      %dma_start3A_44 = arith.constant 0 : i32
      %dma_start3A_45 = arith.constant 0 : i32
      %dma_start3A_46 = tpu.memref_slice %arg7[%dma_start3A_44, %dma_start3A_45] : memref<52x100xi32, #tpu.memory_space<vmem>> -> memref<52x100xi32, #tpu.memory_space<vmem>>
      %dma_start3A_47 = arith.constant 48 : i32
      %dma_start3A_48 = arith.constant 0 : i32
      %dma_start3A_49 = tpu.memref_slice %arg3[%add3A, %dma_start3A_47, %dma_start3A_48] : memref<32x100x100xi32, #tpu.memory_space<hbm>> -> memref<1x52x100xi32, #tpu.memory_space<hbm>>
      %dma_start3A_50 = tpu.memref_squeeze %dma_start3A_49 : memref<1x52x100xi32, #tpu.memory_space<hbm>> -> memref<52x100xi32, #tpu.memory_space<hbm>>
      %dma_start3A_51 = arith.constant 0 : i32
      %dma_start3A_52 = arith.constant 0 : i32
      %dma_start3A_53 = tpu.memref_slice %arg7[%dma_start3A_51, %dma_start3A_52] : memref<52x100xi32, #tpu.memory_space<vmem>> -> memref<52x100xi32, #tpu.memory_space<vmem>>
      %dma_start3A_54 = arith.constant 48 : i32
      %dma_start3A_55 = arith.constant 0 : i32
      %dma_start3A_56 = tpu.memref_slice %arg3[%add3A, %dma_start3A_54, %dma_start3A_55] : memref<32x100x100xi32, #tpu.memory_space<hbm>> -> memref<1x52x100xi32, #tpu.memory_space<hbm>>
      %dma_start3A_57 = tpu.memref_squeeze %dma_start3A_56 : memref<1x52x100xi32, #tpu.memory_space<hbm>> -> memref<52x100xi32, #tpu.memory_space<hbm>>
      tpu.enqueue_dma source(%dma_start3A_57 : memref<52x100xi32, #tpu.memory_space<hbm>>) target(%dma_start3A_53 : memref<52x100xi32, #tpu.memory_space<vmem>>) target_semaphore(%run_scoped3A : memref<!tpu.dma_semaphore, #tpu.memory_space<semaphore_mem>>)
      %dma_wait3A = arith.constant 0 : i32
      %dma_wait3A_58 = arith.constant 0 : i32
      %dma_wait3A_59 = tpu.memref_slice %arg7[%dma_wait3A, %dma_wait3A_58] : memref<52x100xi32, #tpu.memory_space<vmem>> -> memref<52x100xi32, #tpu.memory_space<vmem>>
      %dma_wait3A_60 = arith.constant 48 : i32
      %dma_wait3A_61 = arith.constant 0 : i32
      %dma_wait3A_62 = tpu.memref_slice %arg3[%add3A, %dma_wait3A_60, %dma_wait3A_61] : memref<32x100x100xi32, #tpu.memory_space<hbm>> -> memref<1x52x100xi32, #tpu.memory_space<hbm>>
      %dma_wait3A_63 = tpu.memref_squeeze %dma_wait3A_62 : memref<1x52x100xi32, #tpu.memory_space<hbm>> -> memref<52x100xi32, #tpu.memory_space<hbm>>
      %dma_wait3A_64 = arith.constant 0 : i32
      %dma_wait3A_65 = arith.constant 0 : i32
      %dma_wait3A_66 = tpu.memref_slice %arg7[%dma_wait3A_64, %dma_wait3A_65] : memref<52x100xi32, #tpu.memory_space<vmem>> -> memref<52x100xi32, #tpu.memory_space<vmem>>
      %dma_wait3A_67 = arith.constant 48 : i32
      %dma_wait3A_68 = arith.constant 0 : i32
      %dma_wait3A_69 = tpu.memref_slice %arg3[%add3A, %dma_wait3A_67, %dma_wait3A_68] : memref<32x100x100xi32, #tpu.memory_space<hbm>> -> memref<1x52x100xi32, #tpu.memory_space<hbm>>
      %dma_wait3A_70 = tpu.memref_squeeze %dma_wait3A_69 : memref<1x52x100xi32, #tpu.memory_space<hbm>> -> memref<52x100xi32, #tpu.memory_space<hbm>>
      tpu.wait_dma2 semaphore(%run_scoped3A : memref<!tpu.dma_semaphore, #tpu.memory_space<semaphore_mem>>) src(%dma_wait3A_70 : memref<52x100xi32, #tpu.memory_space<hbm>>) dst(%dma_wait3A_66 : memref<52x100xi32, #tpu.memory_space<vmem>>)
      tpu.yield
    }) : () -> ()
    "tpu.region"() ({
      %run_scoped3A = tpu.sem_alloc : memref<!tpu.dma_semaphore, #tpu.memory_space<semaphore_mem>>
      %dma_start3A_44 = arith.constant 0 : i32
      %dma_start3A_45 = arith.constant 0 : i32
      %dma_start3A_46 = tpu.memref_slice %arg8[%dma_start3A_44, %dma_start3A_45] : memref<52x100xi32, #tpu.memory_space<vmem>> -> memref<52x100xi32, #tpu.memory_space<vmem>>
      %dma_start3A_47 = arith.constant 48 : i32
      %dma_start3A_48 = arith.constant 0 : i32
      %dma_start3A_49 = tpu.memref_slice %arg4[%add3A, %dma_start3A_47, %dma_start3A_48] : memref<32x100x100xi32, #tpu.memory_space<hbm>> -> memref<1x52x100xi32, #tpu.memory_space<hbm>>
      %dma_start3A_50 = tpu.memref_squeeze %dma_start3A_49 : memref<1x52x100xi32, #tpu.memory_space<hbm>> -> memref<52x100xi32, #tpu.memory_space<hbm>>
      %dma_start3A_51 = arith.constant 0 : i32
      %dma_start3A_52 = arith.constant 0 : i32
      %dma_start3A_53 = tpu.memref_slice %arg8[%dma_start3A_51, %dma_start3A_52] : memref<52x100xi32, #tpu.memory_space<vmem>> -> memref<52x100xi32, #tpu.memory_space<vmem>>
      %dma_start3A_54 = arith.constant 48 : i32
      %dma_start3A_55 = arith.constant 0 : i32
      %dma_start3A_56 = tpu.memref_slice %arg4[%add3A, %dma_start3A_54, %dma_start3A_55] : memref<32x100x100xi32, #tpu.memory_space<hbm>> -> memref<1x52x100xi32, #tpu.memory_space<hbm>>
      %dma_start3A_57 = tpu.memref_squeeze %dma_start3A_56 : memref<1x52x100xi32, #tpu.memory_space<hbm>> -> memref<52x100xi32, #tpu.memory_space<hbm>>
      tpu.enqueue_dma source(%dma_start3A_57 : memref<52x100xi32, #tpu.memory_space<hbm>>) target(%dma_start3A_53 : memref<52x100xi32, #tpu.memory_space<vmem>>) target_semaphore(%run_scoped3A : memref<!tpu.dma_semaphore, #tpu.memory_space<semaphore_mem>>)
      %dma_wait3A = arith.constant 0 : i32
      %dma_wait3A_58 = arith.constant 0 : i32
      %dma_wait3A_59 = tpu.memref_slice %arg8[%dma_wait3A, %dma_wait3A_58] : memref<52x100xi32, #tpu.memory_space<vmem>> -> memref<52x100xi32, #tpu.memory_space<vmem>>
      %dma_wait3A_60 = arith.constant 48 : i32
      %dma_wait3A_61 = arith.constant 0 : i32
      %dma_wait3A_62 = tpu.memref_slice %arg4[%add3A, %dma_wait3A_60, %dma_wait3A_61] : memref<32x100x100xi32, #tpu.memory_space<hbm>> -> memref<1x52x100xi32, #tpu.memory_space<hbm>>
      %dma_wait3A_63 = tpu.memref_squeeze %dma_wait3A_62 : memref<1x52x100xi32, #tpu.memory_space<hbm>> -> memref<52x100xi32, #tpu.memory_space<hbm>>
      %dma_wait3A_64 = arith.constant 0 : i32
      %dma_wait3A_65 = arith.constant 0 : i32
      %dma_wait3A_66 = tpu.memref_slice %arg8[%dma_wait3A_64, %dma_wait3A_65] : memref<52x100xi32, #tpu.memory_space<vmem>> -> memref<52x100xi32, #tpu.memory_space<vmem>>
      %dma_wait3A_67 = arith.constant 48 : i32
      %dma_wait3A_68 = arith.constant 0 : i32
      %dma_wait3A_69 = tpu.memref_slice %arg4[%add3A, %dma_wait3A_67, %dma_wait3A_68] : memref<32x100x100xi32, #tpu.memory_space<hbm>> -> memref<1x52x100xi32, #tpu.memory_space<hbm>>
      %dma_wait3A_70 = tpu.memref_squeeze %dma_wait3A_69 : memref<1x52x100xi32, #tpu.memory_space<hbm>> -> memref<52x100xi32, #tpu.memory_space<hbm>>
      tpu.wait_dma2 semaphore(%run_scoped3A : memref<!tpu.dma_semaphore, #tpu.memory_space<semaphore_mem>>) src(%dma_wait3A_70 : memref<52x100xi32, #tpu.memory_space<hbm>>) dst(%dma_wait3A_66 : memref<52x100xi32, #tpu.memory_space<vmem>>)
      tpu.yield
    }) : () -> ()
    %dma_start3A_20 = arith.constant 0 : i32
    %dma_start3A_21 = arith.constant 0 : i32
    %dma_start3A_22 = tpu.memref_slice %arg7[%dma_start3A_20, %dma_start3A_21] : memref<52x100xi32, #tpu.memory_space<vmem>> -> memref<1x100xi32, #tpu.memory_space<vmem>>
    %dma_start3A_23 = tpu.memref_squeeze %dma_start3A_22 : memref<1x100xi32, #tpu.memory_space<vmem>> -> memref<100xi32, #tpu.memory_space<vmem>>
    %dma_start3A_24 = arith.constant 0 : i32
    %dma_start3A_25 = arith.constant 0 : i32
    %dma_start3A_26 = tpu.memref_slice %arg2[%dma_start3A_24, %dma_start3A_25] : memref<10000x128xf32, #tpu.memory_space<hbm>> -> memref<10000x128xf32, #tpu.memory_space<hbm>>
    tpu.enqueue_indirect_dma source(%dma_start3A_26 : memref<10000x128xf32, #tpu.memory_space<hbm>>) target(%arg9 : memref<100x128xf32, #tpu.memory_space<vmem>>) offsets(%dma_start3A_23 : memref<100xi32, #tpu.memory_space<vmem>>) semaphore(%arg12 : memref<!tpu.dma_semaphore, #tpu.memory_space<semaphore_mem>>)
    %scan3A_27 = arith.constant 0 : i32
    %scan3A_28 = arith.constant 0 : i32
    %scan3A_29 = arith.constant 26 : i32
    %scan3A_30 = arith.addi %scan3A_28, %scan3A_29 : i32
    %scan3A_31 = arith.constant 1 : i32
    scf.for %scan3A_44 = %scan3A_28 to %scan3A_30 step %scan3A_31  : i32 {
      %mul3A_45 = arith.constant 2 : i32
      %mul3A_46 = arith.muli %scan3A_44, %mul3A_45 : i32
      %dma_wait3A = arith.constant 0 : i32
      %dma_wait3A_47 = arith.constant 0 : i32
      %dma_wait3A_48 = tpu.memref_slice %arg7[%dma_wait3A, %dma_wait3A_47] : memref<52x100xi32, #tpu.memory_space<vmem>> -> memref<1x100xi32, #tpu.memory_space<vmem>>
      %dma_wait3A_49 = tpu.memref_squeeze %dma_wait3A_48 : memref<1x100xi32, #tpu.memory_space<vmem>> -> memref<100xi32, #tpu.memory_space<vmem>>
      %dma_wait3A_50 = arith.constant 0 : i32
      %dma_wait3A_51 = arith.constant 0 : i32
      %dma_wait3A_52 = tpu.memref_slice %arg2[%dma_wait3A_50, %dma_wait3A_51] : memref<10000x128xf32, #tpu.memory_space<hbm>> -> memref<10000x128xf32, #tpu.memory_space<hbm>>
      tpu.wait_indirect_dma semaphore(%arg12 : memref<!tpu.dma_semaphore, #tpu.memory_space<semaphore_mem>>) src(%dma_wait3A_52 : memref<10000x128xf32, #tpu.memory_space<hbm>>) dst(%arg9 : memref<100x128xf32, #tpu.memory_space<vmem>>)
      %add3A_53 = arith.constant 1 : i32
      %add3A_54 = arith.addi %mul3A_46, %add3A_53 : i32
      %dma_start3A_55 = arith.constant 0 : i32
      %dma_start3A_56 = tpu.memref_slice %arg7[%add3A_54, %dma_start3A_55] : memref<52x100xi32, #tpu.memory_space<vmem>> -> memref<1x100xi32, #tpu.memory_space<vmem>>
      %dma_start3A_57 = tpu.memref_squeeze %dma_start3A_56 : memref<1x100xi32, #tpu.memory_space<vmem>> -> memref<100xi32, #tpu.memory_space<vmem>>
      %dma_start3A_58 = arith.constant 0 : i32
      %dma_start3A_59 = arith.constant 0 : i32
      %dma_start3A_60 = tpu.memref_slice %arg2[%dma_start3A_58, %dma_start3A_59] : memref<10000x128xf32, #tpu.memory_space<hbm>> -> memref<10000x128xf32, #tpu.memory_space<hbm>>
      tpu.enqueue_indirect_dma source(%dma_start3A_60 : memref<10000x128xf32, #tpu.memory_space<hbm>>) target(%arg10 : memref<100x128xf32, #tpu.memory_space<vmem>>) offsets(%dma_start3A_57 : memref<100xi32, #tpu.memory_space<vmem>>) semaphore(%arg13 : memref<!tpu.dma_semaphore, #tpu.memory_space<semaphore_mem>>)
      "tpu.region"() ({
        %run_scoped3A = tpu.sem_alloc : memref<!tpu.dma_semaphore, #tpu.memory_space<semaphore_mem>>
        %dma_start3A_77 = arith.constant 0 : i32
        %dma_start3A_78 = tpu.memref_slice %arg8[%mul3A_46, %dma_start3A_77] : memref<52x100xi32, #tpu.memory_space<vmem>> -> memref<1x100xi32, #tpu.memory_space<vmem>>
        %dma_start3A_79 = tpu.memref_squeeze %dma_start3A_78 : memref<1x100xi32, #tpu.memory_space<vmem>> -> memref<100xi32, #tpu.memory_space<vmem>>
        %dma_start3A_80 = arith.constant 0 : i32
        %dma_start3A_81 = arith.constant 0 : i32
        %dma_start3A_82 = tpu.memref_slice %arg11[%dma_start3A_80, %dma_start3A_81] : memref<10000x128xf32, #tpu.memory_space<vmem_shared>> -> memref<10000x128xf32, #tpu.memory_space<vmem_shared>>
        tpu.enqueue_indirect_dma source(%arg9 : memref<100x128xf32, #tpu.memory_space<vmem>>) target(%dma_start3A_82 : memref<10000x128xf32, #tpu.memory_space<vmem_shared>>) offsets(%dma_start3A_79 : memref<100xi32, #tpu.memory_space<vmem>>) semaphore(%run_scoped3A : memref<!tpu.dma_semaphore, #tpu.memory_space<semaphore_mem>>) {add = true}
        %dma_wait3A_83 = arith.constant 0 : i32
        %dma_wait3A_84 = tpu.memref_slice %arg8[%mul3A_46, %dma_wait3A_83] : memref<52x100xi32, #tpu.memory_space<vmem>> -> memref<1x100xi32, #tpu.memory_space<vmem>>
        %dma_wait3A_85 = tpu.memref_squeeze %dma_wait3A_84 : memref<1x100xi32, #tpu.memory_space<vmem>> -> memref<100xi32, #tpu.memory_space<vmem>>
        %dma_wait3A_86 = arith.constant 0 : i32
        %dma_wait3A_87 = arith.constant 0 : i32
        %dma_wait3A_88 = tpu.memref_slice %arg11[%dma_wait3A_86, %dma_wait3A_87] : memref<10000x128xf32, #tpu.memory_space<vmem_shared>> -> memref<10000x128xf32, #tpu.memory_space<vmem_shared>>
        tpu.wait_indirect_dma semaphore(%run_scoped3A : memref<!tpu.dma_semaphore, #tpu.memory_space<semaphore_mem>>) src(%arg9 : memref<100x128xf32, #tpu.memory_space<vmem>>) dst(%dma_wait3A_88 : memref<10000x128xf32, #tpu.memory_space<vmem_shared>>)
        tpu.yield
      }) : () -> ()
      %dma_wait3A_61 = arith.constant 0 : i32
      %dma_wait3A_62 = arith.constant 0 : i32
      %dma_wait3A_63 = tpu.memref_slice %arg7[%dma_wait3A_61, %dma_wait3A_62] : memref<52x100xi32, #tpu.memory_space<vmem>> -> memref<1x100xi32, #tpu.memory_space<vmem>>
      %dma_wait3A_64 = tpu.memref_squeeze %dma_wait3A_63 : memref<1x100xi32, #tpu.memory_space<vmem>> -> memref<100xi32, #tpu.memory_space<vmem>>
      %dma_wait3A_65 = arith.constant 0 : i32
      %dma_wait3A_66 = arith.constant 0 : i32
      %dma_wait3A_67 = tpu.memref_slice %arg2[%dma_wait3A_65, %dma_wait3A_66] : memref<10000x128xf32, #tpu.memory_space<hbm>> -> memref<10000x128xf32, #tpu.memory_space<hbm>>
      tpu.wait_indirect_dma semaphore(%arg13 : memref<!tpu.dma_semaphore, #tpu.memory_space<semaphore_mem>>) src(%dma_wait3A_67 : memref<10000x128xf32, #tpu.memory_space<hbm>>) dst(%arg10 : memref<100x128xf32, #tpu.memory_space<vmem>>)
      %add3A_68 = arith.constant 2 : i32
      %add3A_69 = arith.addi %mul3A_46, %add3A_68 : i32
      %lt3A_70 = arith.constant 52 : i32
      %lt3A_71 = arith.cmpi slt, %add3A_69, %lt3A_70 : i32
      %convert_element_type3A_72 = arith.extui %lt3A_71 : i1 to i32
      %cond3A_73 = arith.constant 0 : i32
      %cond3A_74 = arith.cmpi ne, %convert_element_type3A_72, %cond3A_73 : i32
      scf.if %cond3A_74 {
        %add3A_77 = arith.constant 2 : i32
        %add3A_78 = arith.addi %mul3A_46, %add3A_77 : i32
        %dma_start3A_79 = arith.constant 0 : i32
        %dma_start3A_80 = tpu.memref_slice %arg7[%add3A_78, %dma_start3A_79] : memref<52x100xi32, #tpu.memory_space<vmem>> -> memref<1x100xi32, #tpu.memory_space<vmem>>
        %dma_start3A_81 = tpu.memref_squeeze %dma_start3A_80 : memref<1x100xi32, #tpu.memory_space<vmem>> -> memref<100xi32, #tpu.memory_space<vmem>>
        %dma_start3A_82 = arith.constant 0 : i32
        %dma_start3A_83 = arith.constant 0 : i32
        %dma_start3A_84 = tpu.memref_slice %arg2[%dma_start3A_82, %dma_start3A_83] : memref<10000x128xf32, #tpu.memory_space<hbm>> -> memref<10000x128xf32, #tpu.memory_space<hbm>>
        tpu.enqueue_indirect_dma source(%dma_start3A_84 : memref<10000x128xf32, #tpu.memory_space<hbm>>) target(%arg9 : memref<100x128xf32, #tpu.memory_space<vmem>>) offsets(%dma_start3A_81 : memref<100xi32, #tpu.memory_space<vmem>>) semaphore(%arg12 : memref<!tpu.dma_semaphore, #tpu.memory_space<semaphore_mem>>)
      } else {
      }
      %add3A_75 = arith.constant 1 : i32
      %add3A_76 = arith.addi %mul3A_46, %add3A_75 : i32
      "tpu.region"() ({
        %run_scoped3A = tpu.sem_alloc : memref<!tpu.dma_semaphore, #tpu.memory_space<semaphore_mem>>
        %dma_start3A_77 = arith.constant 0 : i32
        %dma_start3A_78 = tpu.memref_slice %arg8[%add3A_76, %dma_start3A_77] : memref<52x100xi32, #tpu.memory_space<vmem>> -> memref<1x100xi32, #tpu.memory_space<vmem>>
        %dma_start3A_79 = tpu.memref_squeeze %dma_start3A_78 : memref<1x100xi32, #tpu.memory_space<vmem>> -> memref<100xi32, #tpu.memory_space<vmem>>
        %dma_start3A_80 = arith.constant 0 : i32
        %dma_start3A_81 = arith.constant 0 : i32
        %dma_start3A_82 = tpu.memref_slice %arg11[%dma_start3A_80, %dma_start3A_81] : memref<10000x128xf32, #tpu.memory_space<vmem_shared>> -> memref<10000x128xf32, #tpu.memory_space<vmem_shared>>
        tpu.enqueue_indirect_dma source(%arg10 : memref<100x128xf32, #tpu.memory_space<vmem>>) target(%dma_start3A_82 : memref<10000x128xf32, #tpu.memory_space<vmem_shared>>) offsets(%dma_start3A_79 : memref<100xi32, #tpu.memory_space<vmem>>) semaphore(%run_scoped3A : memref<!tpu.dma_semaphore, #tpu.memory_space<semaphore_mem>>) {add = true}
        %dma_wait3A_83 = arith.constant 0 : i32
        %dma_wait3A_84 = tpu.memref_slice %arg8[%add3A_76, %dma_wait3A_83] : memref<52x100xi32, #tpu.memory_space<vmem>> -> memref<1x100xi32, #tpu.memory_space<vmem>>
        %dma_wait3A_85 = tpu.memref_squeeze %dma_wait3A_84 : memref<1x100xi32, #tpu.memory_space<vmem>> -> memref<100xi32, #tpu.memory_space<vmem>>
        %dma_wait3A_86 = arith.constant 0 : i32
        %dma_wait3A_87 = arith.constant 0 : i32
        %dma_wait3A_88 = tpu.memref_slice %arg11[%dma_wait3A_86, %dma_wait3A_87] : memref<10000x128xf32, #tpu.memory_space<vmem_shared>> -> memref<10000x128xf32, #tpu.memory_space<vmem_shared>>
        tpu.wait_indirect_dma semaphore(%run_scoped3A : memref<!tpu.dma_semaphore, #tpu.memory_space<semaphore_mem>>) src(%arg10 : memref<100x128xf32, #tpu.memory_space<vmem>>) dst(%dma_wait3A_88 : memref<10000x128xf32, #tpu.memory_space<vmem_shared>>)
        tpu.yield
      }) : () -> ()
    }
    %scan3A_32 = arith.constant 26 : i32
    %barrier3A_33 = arith.constant 0 : index
    tpu.barrier barrier_id(%barrier3A_33)
    %lt3A_34 = arith.constant 15 : i32
    %lt3A_35 = arith.cmpi slt, %arg1, %lt3A_34 : i32
    %convert_element_type3A_36 = arith.extui %lt3A_35 : i1 to i32
    %cond3A_37 = arith.constant 0 : i32
    %cond3A_38 = arith.cmpi ne, %convert_element_type3A_36, %cond3A_37 : i32
    scf.if %cond3A_38 {
      "tpu.region"() ({
        %run_scoped3A = tpu.sem_alloc : memref<!tpu.dma_semaphore, #tpu.memory_space<semaphore_mem>>
        %dma_start3A_44 = arith.constant 0 : i32
        %dma_start3A_45 = tpu.memref_slice %arg6[%arg0, %multiple_of3A, %dma_start3A_44] : memref<2x10000x128xf32, #tpu.memory_space<hbm>> -> memref<1x624x128xf32, #tpu.memory_space<hbm>>
        %dma_start3A_46 = tpu.memref_squeeze %dma_start3A_45 : memref<1x624x128xf32, #tpu.memory_space<hbm>> -> memref<624x128xf32, #tpu.memory_space<hbm>>
        %dma_start3A_47 = arith.constant 0 : i32
        %dma_start3A_48 = tpu.memref_slice %arg11[%multiple_of3A, %dma_start3A_47] : memref<10000x128xf32, #tpu.memory_space<vmem_shared>> -> memref<624x128xf32, #tpu.memory_space<vmem_shared>>
        tpu.enqueue_dma source(%dma_start3A_48 : memref<624x128xf32, #tpu.memory_space<vmem_shared>>) target(%dma_start3A_46 : memref<624x128xf32, #tpu.memory_space<hbm>>) target_semaphore(%run_scoped3A : memref<!tpu.dma_semaphore, #tpu.memory_space<semaphore_mem>>)
        %dma_wait3A = arith.constant 0 : i32
        %dma_wait3A_49 = tpu.memref_slice %arg6[%arg0, %multiple_of3A, %dma_wait3A] : memref<2x10000x128xf32, #tpu.memory_space<hbm>> -> memref<1x624x128xf32, #tpu.memory_space<hbm>>
        %dma_wait3A_50 = tpu.memref_squeeze %dma_wait3A_49 : memref<1x624x128xf32, #tpu.memory_space<hbm>> -> memref<624x128xf32, #tpu.memory_space<hbm>>
        %dma_wait3A_51 = arith.constant 0 : i32
        %dma_wait3A_52 = tpu.memref_slice %arg11[%multiple_of3A, %dma_wait3A_51] : memref<10000x128xf32, #tpu.memory_space<vmem_shared>> -> memref<624x128xf32, #tpu.memory_space<vmem_shared>>
        tpu.wait_dma2 semaphore(%run_scoped3A : memref<!tpu.dma_semaphore, #tpu.memory_space<semaphore_mem>>) src(%dma_wait3A_52 : memref<624x128xf32, #tpu.memory_space<vmem_shared>>) dst(%dma_wait3A_50 : memref<624x128xf32, #tpu.memory_space<hbm>>)
        tpu.yield
      }) : () -> ()
    } else {
    }
    %eq3A_39 = arith.constant 15 : i32
    %eq3A_40 = arith.cmpi eq, %arg1, %eq3A_39 : i32
    %convert_element_type3A_41 = arith.extui %eq3A_40 : i1 to i32
    %cond3A_42 = arith.constant 0 : i32
    %cond3A_43 = arith.cmpi ne, %convert_element_type3A_41, %cond3A_42 : i32
    scf.if %cond3A_43 {
      "tpu.region"() ({
        %run_scoped3A = tpu.sem_alloc : memref<!tpu.dma_semaphore, #tpu.memory_space<semaphore_mem>>
        %dma_start3A_44 = arith.constant 9360 : i32
        %dma_start3A_45 = arith.constant 0 : i32
        %dma_start3A_46 = tpu.memref_slice %arg6[%arg0, %dma_start3A_44, %dma_start3A_45] : memref<2x10000x128xf32, #tpu.memory_space<hbm>> -> memref<1x640x128xf32, #tpu.memory_space<hbm>>
        %dma_start3A_47 = tpu.memref_squeeze %dma_start3A_46 : memref<1x640x128xf32, #tpu.memory_space<hbm>> -> memref<640x128xf32, #tpu.memory_space<hbm>>
        %dma_start3A_48 = arith.constant 9360 : i32
        %dma_start3A_49 = arith.constant 0 : i32
        %dma_start3A_50 = tpu.memref_slice %arg11[%dma_start3A_48, %dma_start3A_49] : memref<10000x128xf32, #tpu.memory_space<vmem_shared>> -> memref<640x128xf32, #tpu.memory_space<vmem_shared>>
        tpu.enqueue_dma source(%dma_start3A_50 : memref<640x128xf32, #tpu.memory_space<vmem_shared>>) target(%dma_start3A_47 : memref<640x128xf32, #tpu.memory_space<hbm>>) target_semaphore(%run_scoped3A : memref<!tpu.dma_semaphore, #tpu.memory_space<semaphore_mem>>)
        %dma_wait3A = arith.constant 9360 : i32
        %dma_wait3A_51 = arith.constant 0 : i32
        %dma_wait3A_52 = tpu.memref_slice %arg6[%arg0, %dma_wait3A, %dma_wait3A_51] : memref<2x10000x128xf32, #tpu.memory_space<hbm>> -> memref<1x640x128xf32, #tpu.memory_space<hbm>>
        %dma_wait3A_53 = tpu.memref_squeeze %dma_wait3A_52 : memref<1x640x128xf32, #tpu.memory_space<hbm>> -> memref<640x128xf32, #tpu.memory_space<hbm>>
        %dma_wait3A_54 = arith.constant 9360 : i32
        %dma_wait3A_55 = arith.constant 0 : i32
        %dma_wait3A_56 = tpu.memref_slice %arg11[%dma_wait3A_54, %dma_wait3A_55] : memref<10000x128xf32, #tpu.memory_space<vmem_shared>> -> memref<640x128xf32, #tpu.memory_space<vmem_shared>>
        tpu.wait_dma2 semaphore(%run_scoped3A : memref<!tpu.dma_semaphore, #tpu.memory_space<semaphore_mem>>) src(%dma_wait3A_56 : memref<640x128xf32, #tpu.memory_space<vmem_shared>>) dst(%dma_wait3A_53 : memref<640x128xf32, #tpu.memory_space<hbm>>)
        tpu.yield
      }) : () -> ()
    } else {
    }
    return
  }
}

#map = affine_map<(d0, d1) -> (0, 0, 0)>
#map1 = affine_map<(d0, d1) -> (0, 0)>
module attributes {stable_mosaic.version = 14 : i64} {
  func.func @_sc_degrees(%arg0: i32, %arg1: i32, %arg2: memref<32x100x100xi32, #tpu.memory_space<hbm>>, %arg3: memref<32x100x100xi32, #tpu.memory_space<hbm>>, %arg4: memref<100x16xf32, #tpu.memory_space<hbm>>, %arg5: memref<640x16xf32, #tpu.memory_space<hbm>>, %arg6: memref<2x10000x16xf32, #tpu.memory_space<hbm>>, %arg7: memref<2x10000x16xf32, #tpu.memory_space<hbm>>, %arg8: memref<100x100xi32, #tpu.memory_space<vmem>>, %arg9: memref<100x100xi32, #tpu.memory_space<vmem>>, %arg10: memref<100x16xf32, #tpu.memory_space<vmem>>, %arg11: memref<10000x16xf32, #tpu.memory_space<vmem_shared>>, %arg12: memref<10000x16xf32, #tpu.memory_space<vmem_shared>>) attributes {dimension_semantics = [#tpu.dimension_semantics<core_parallel>, #tpu.dimension_semantics<subcore_parallel>], iteration_bounds = array<i64: 2, 16>, scalar_prefetch = 0 : i64, scratch_operands = 5 : i64, tpu.core_type = #tpu.core_type<sc_vector_subcore>, window_params = [{transform_indices = #map}, {transform_indices = #map}, {transform_indices = #map1}, {transform_indices = #map1}, {transform_indices = #map}, {transform_indices = #map}]} {
    %mul3A = arith.constant 2 : i32
    %mul3A_0 = arith.muli %arg1, %mul3A : i32
    %add3A = arith.addi %mul3A_0, %arg0 : i32
    "tpu.region"() ({
      %run_scoped3A = tpu.sem_alloc : memref<!tpu.dma_semaphore, #tpu.memory_space<semaphore_mem>>
      %dma_start3A = arith.constant 0 : i32
      %dma_start3A_25 = arith.constant 0 : i32
      %dma_start3A_26 = tpu.memref_slice %arg2[%add3A, %dma_start3A, %dma_start3A_25] : memref<32x100x100xi32, #tpu.memory_space<hbm>> -> memref<1x100x100xi32, #tpu.memory_space<hbm>>
      %dma_start3A_27 = tpu.memref_squeeze %dma_start3A_26 : memref<1x100x100xi32, #tpu.memory_space<hbm>> -> memref<100x100xi32, #tpu.memory_space<hbm>>
      %dma_start3A_28 = arith.constant 0 : i32
      %dma_start3A_29 = arith.constant 0 : i32
      %dma_start3A_30 = tpu.memref_slice %arg2[%add3A, %dma_start3A_28, %dma_start3A_29] : memref<32x100x100xi32, #tpu.memory_space<hbm>> -> memref<1x100x100xi32, #tpu.memory_space<hbm>>
      %dma_start3A_31 = tpu.memref_squeeze %dma_start3A_30 : memref<1x100x100xi32, #tpu.memory_space<hbm>> -> memref<100x100xi32, #tpu.memory_space<hbm>>
      tpu.enqueue_dma source(%dma_start3A_31 : memref<100x100xi32, #tpu.memory_space<hbm>>) target(%arg8 : memref<100x100xi32, #tpu.memory_space<vmem>>) target_semaphore(%run_scoped3A : memref<!tpu.dma_semaphore, #tpu.memory_space<semaphore_mem>>)
      %dma_wait3A = arith.constant 0 : i32
      %dma_wait3A_32 = arith.constant 0 : i32
      %dma_wait3A_33 = tpu.memref_slice %arg2[%add3A, %dma_wait3A, %dma_wait3A_32] : memref<32x100x100xi32, #tpu.memory_space<hbm>> -> memref<1x100x100xi32, #tpu.memory_space<hbm>>
      %dma_wait3A_34 = tpu.memref_squeeze %dma_wait3A_33 : memref<1x100x100xi32, #tpu.memory_space<hbm>> -> memref<100x100xi32, #tpu.memory_space<hbm>>
      %dma_wait3A_35 = arith.constant 0 : i32
      %dma_wait3A_36 = arith.constant 0 : i32
      %dma_wait3A_37 = tpu.memref_slice %arg2[%add3A, %dma_wait3A_35, %dma_wait3A_36] : memref<32x100x100xi32, #tpu.memory_space<hbm>> -> memref<1x100x100xi32, #tpu.memory_space<hbm>>
      %dma_wait3A_38 = tpu.memref_squeeze %dma_wait3A_37 : memref<1x100x100xi32, #tpu.memory_space<hbm>> -> memref<100x100xi32, #tpu.memory_space<hbm>>
      tpu.wait_dma2 semaphore(%run_scoped3A : memref<!tpu.dma_semaphore, #tpu.memory_space<semaphore_mem>>) src(%dma_wait3A_38 : memref<100x100xi32, #tpu.memory_space<hbm>>) dst(%arg8 : memref<100x100xi32, #tpu.memory_space<vmem>>)
      tpu.yield
    }) : () -> ()
    "tpu.region"() ({
      %run_scoped3A = tpu.sem_alloc : memref<!tpu.dma_semaphore, #tpu.memory_space<semaphore_mem>>
      %dma_start3A = arith.constant 0 : i32
      %dma_start3A_25 = arith.constant 0 : i32
      %dma_start3A_26 = tpu.memref_slice %arg3[%add3A, %dma_start3A, %dma_start3A_25] : memref<32x100x100xi32, #tpu.memory_space<hbm>> -> memref<1x100x100xi32, #tpu.memory_space<hbm>>
      %dma_start3A_27 = tpu.memref_squeeze %dma_start3A_26 : memref<1x100x100xi32, #tpu.memory_space<hbm>> -> memref<100x100xi32, #tpu.memory_space<hbm>>
      %dma_start3A_28 = arith.constant 0 : i32
      %dma_start3A_29 = arith.constant 0 : i32
      %dma_start3A_30 = tpu.memref_slice %arg3[%add3A, %dma_start3A_28, %dma_start3A_29] : memref<32x100x100xi32, #tpu.memory_space<hbm>> -> memref<1x100x100xi32, #tpu.memory_space<hbm>>
      %dma_start3A_31 = tpu.memref_squeeze %dma_start3A_30 : memref<1x100x100xi32, #tpu.memory_space<hbm>> -> memref<100x100xi32, #tpu.memory_space<hbm>>
      tpu.enqueue_dma source(%dma_start3A_31 : memref<100x100xi32, #tpu.memory_space<hbm>>) target(%arg9 : memref<100x100xi32, #tpu.memory_space<vmem>>) target_semaphore(%run_scoped3A : memref<!tpu.dma_semaphore, #tpu.memory_space<semaphore_mem>>)
      %dma_wait3A = arith.constant 0 : i32
      %dma_wait3A_32 = arith.constant 0 : i32
      %dma_wait3A_33 = tpu.memref_slice %arg3[%add3A, %dma_wait3A, %dma_wait3A_32] : memref<32x100x100xi32, #tpu.memory_space<hbm>> -> memref<1x100x100xi32, #tpu.memory_space<hbm>>
      %dma_wait3A_34 = tpu.memref_squeeze %dma_wait3A_33 : memref<1x100x100xi32, #tpu.memory_space<hbm>> -> memref<100x100xi32, #tpu.memory_space<hbm>>
      %dma_wait3A_35 = arith.constant 0 : i32
      %dma_wait3A_36 = arith.constant 0 : i32
      %dma_wait3A_37 = tpu.memref_slice %arg3[%add3A, %dma_wait3A_35, %dma_wait3A_36] : memref<32x100x100xi32, #tpu.memory_space<hbm>> -> memref<1x100x100xi32, #tpu.memory_space<hbm>>
      %dma_wait3A_38 = tpu.memref_squeeze %dma_wait3A_37 : memref<1x100x100xi32, #tpu.memory_space<hbm>> -> memref<100x100xi32, #tpu.memory_space<hbm>>
      tpu.wait_dma2 semaphore(%run_scoped3A : memref<!tpu.dma_semaphore, #tpu.memory_space<semaphore_mem>>) src(%dma_wait3A_38 : memref<100x100xi32, #tpu.memory_space<hbm>>) dst(%arg9 : memref<100x100xi32, #tpu.memory_space<vmem>>)
      tpu.yield
    }) : () -> ()
    "tpu.region"() ({
      %run_scoped3A = tpu.sem_alloc : memref<!tpu.dma_semaphore, #tpu.memory_space<semaphore_mem>>
      tpu.enqueue_dma source(%arg4 : memref<100x16xf32, #tpu.memory_space<hbm>>) target(%arg10 : memref<100x16xf32, #tpu.memory_space<vmem>>) target_semaphore(%run_scoped3A : memref<!tpu.dma_semaphore, #tpu.memory_space<semaphore_mem>>)
      tpu.wait_dma2 semaphore(%run_scoped3A : memref<!tpu.dma_semaphore, #tpu.memory_space<semaphore_mem>>) src(%arg4 : memref<100x16xf32, #tpu.memory_space<hbm>>) dst(%arg10 : memref<100x16xf32, #tpu.memory_space<vmem>>)
      tpu.yield
    }) : () -> ()
    %mul3A_1 = arith.constant 624 : i32
    %mul3A_2 = arith.muli %arg1, %mul3A_1 : i32
    %multiple_of3A = tpu.assume_multiple %mul3A_2, 8 : i32
    %lt3A = arith.constant 15 : i32
    %lt3A_3 = arith.cmpi slt, %arg1, %lt3A : i32
    %convert_element_type3A = arith.extui %lt3A_3 : i1 to i32
    %cond3A = arith.constant 0 : i32
    %cond3A_4 = arith.cmpi ne, %convert_element_type3A, %cond3A : i32
    scf.if %cond3A_4 {
      "tpu.region"() ({
        %run_scoped3A = tpu.sem_alloc : memref<!tpu.dma_semaphore, #tpu.memory_space<semaphore_mem>>
        %dma_start3A = arith.constant 0 : i32
        %dma_start3A_25 = tpu.memref_slice %arg11[%multiple_of3A, %dma_start3A] : memref<10000x16xf32, #tpu.memory_space<vmem_shared>> -> memref<624x16xf32, #tpu.memory_space<vmem_shared>>
        %dma_start3A_26 = arith.constant 0 : i32
        %dma_start3A_27 = arith.constant 0 : i32
        %dma_start3A_28 = tpu.memref_slice %arg5[%dma_start3A_26, %dma_start3A_27] : memref<640x16xf32, #tpu.memory_space<hbm>> -> memref<624x16xf32, #tpu.memory_space<hbm>>
        tpu.enqueue_dma source(%dma_start3A_28 : memref<624x16xf32, #tpu.memory_space<hbm>>) target(%dma_start3A_25 : memref<624x16xf32, #tpu.memory_space<vmem_shared>>) target_semaphore(%run_scoped3A : memref<!tpu.dma_semaphore, #tpu.memory_space<semaphore_mem>>)
        %dma_wait3A = arith.constant 0 : i32
        %dma_wait3A_29 = tpu.memref_slice %arg11[%multiple_of3A, %dma_wait3A] : memref<10000x16xf32, #tpu.memory_space<vmem_shared>> -> memref<624x16xf32, #tpu.memory_space<vmem_shared>>
        %dma_wait3A_30 = arith.constant 0 : i32
        %dma_wait3A_31 = arith.constant 0 : i32
        %dma_wait3A_32 = tpu.memref_slice %arg5[%dma_wait3A_30, %dma_wait3A_31] : memref<640x16xf32, #tpu.memory_space<hbm>> -> memref<624x16xf32, #tpu.memory_space<hbm>>
        tpu.wait_dma2 semaphore(%run_scoped3A : memref<!tpu.dma_semaphore, #tpu.memory_space<semaphore_mem>>) src(%dma_wait3A_32 : memref<624x16xf32, #tpu.memory_space<hbm>>) dst(%dma_wait3A_29 : memref<624x16xf32, #tpu.memory_space<vmem_shared>>)
        tpu.yield
      }) : () -> ()
      "tpu.region"() ({
        %run_scoped3A = tpu.sem_alloc : memref<!tpu.dma_semaphore, #tpu.memory_space<semaphore_mem>>
        %dma_start3A = arith.constant 0 : i32
        %dma_start3A_25 = tpu.memref_slice %arg12[%multiple_of3A, %dma_start3A] : memref<10000x16xf32, #tpu.memory_space<vmem_shared>> -> memref<624x16xf32, #tpu.memory_space<vmem_shared>>
        %dma_start3A_26 = arith.constant 0 : i32
        %dma_start3A_27 = arith.constant 0 : i32
        %dma_start3A_28 = tpu.memref_slice %arg5[%dma_start3A_26, %dma_start3A_27] : memref<640x16xf32, #tpu.memory_space<hbm>> -> memref<624x16xf32, #tpu.memory_space<hbm>>
        tpu.enqueue_dma source(%dma_start3A_28 : memref<624x16xf32, #tpu.memory_space<hbm>>) target(%dma_start3A_25 : memref<624x16xf32, #tpu.memory_space<vmem_shared>>) target_semaphore(%run_scoped3A : memref<!tpu.dma_semaphore, #tpu.memory_space<semaphore_mem>>)
        %dma_wait3A = arith.constant 0 : i32
        %dma_wait3A_29 = tpu.memref_slice %arg12[%multiple_of3A, %dma_wait3A] : memref<10000x16xf32, #tpu.memory_space<vmem_shared>> -> memref<624x16xf32, #tpu.memory_space<vmem_shared>>
        %dma_wait3A_30 = arith.constant 0 : i32
        %dma_wait3A_31 = arith.constant 0 : i32
        %dma_wait3A_32 = tpu.memref_slice %arg5[%dma_wait3A_30, %dma_wait3A_31] : memref<640x16xf32, #tpu.memory_space<hbm>> -> memref<624x16xf32, #tpu.memory_space<hbm>>
        tpu.wait_dma2 semaphore(%run_scoped3A : memref<!tpu.dma_semaphore, #tpu.memory_space<semaphore_mem>>) src(%dma_wait3A_32 : memref<624x16xf32, #tpu.memory_space<hbm>>) dst(%dma_wait3A_29 : memref<624x16xf32, #tpu.memory_space<vmem_shared>>)
        tpu.yield
      }) : () -> ()
    } else {
    }
    %eq3A = arith.constant 15 : i32
    %eq3A_5 = arith.cmpi eq, %arg1, %eq3A : i32
    %convert_element_type3A_6 = arith.extui %eq3A_5 : i1 to i32
    %cond3A_7 = arith.constant 0 : i32
    %cond3A_8 = arith.cmpi ne, %convert_element_type3A_6, %cond3A_7 : i32
    scf.if %cond3A_8 {
      "tpu.region"() ({
        %run_scoped3A = tpu.sem_alloc : memref<!tpu.dma_semaphore, #tpu.memory_space<semaphore_mem>>
        %dma_start3A = arith.constant 9360 : i32
        %dma_start3A_25 = arith.constant 0 : i32
        %dma_start3A_26 = tpu.memref_slice %arg11[%dma_start3A, %dma_start3A_25] : memref<10000x16xf32, #tpu.memory_space<vmem_shared>> -> memref<640x16xf32, #tpu.memory_space<vmem_shared>>
        tpu.enqueue_dma source(%arg5 : memref<640x16xf32, #tpu.memory_space<hbm>>) target(%dma_start3A_26 : memref<640x16xf32, #tpu.memory_space<vmem_shared>>) target_semaphore(%run_scoped3A : memref<!tpu.dma_semaphore, #tpu.memory_space<semaphore_mem>>)
        %dma_wait3A = arith.constant 9360 : i32
        %dma_wait3A_27 = arith.constant 0 : i32
        %dma_wait3A_28 = tpu.memref_slice %arg11[%dma_wait3A, %dma_wait3A_27] : memref<10000x16xf32, #tpu.memory_space<vmem_shared>> -> memref<640x16xf32, #tpu.memory_space<vmem_shared>>
        tpu.wait_dma2 semaphore(%run_scoped3A : memref<!tpu.dma_semaphore, #tpu.memory_space<semaphore_mem>>) src(%arg5 : memref<640x16xf32, #tpu.memory_space<hbm>>) dst(%dma_wait3A_28 : memref<640x16xf32, #tpu.memory_space<vmem_shared>>)
        tpu.yield
      }) : () -> ()
      "tpu.region"() ({
        %run_scoped3A = tpu.sem_alloc : memref<!tpu.dma_semaphore, #tpu.memory_space<semaphore_mem>>
        %dma_start3A = arith.constant 9360 : i32
        %dma_start3A_25 = arith.constant 0 : i32
        %dma_start3A_26 = tpu.memref_slice %arg12[%dma_start3A, %dma_start3A_25] : memref<10000x16xf32, #tpu.memory_space<vmem_shared>> -> memref<640x16xf32, #tpu.memory_space<vmem_shared>>
        tpu.enqueue_dma source(%arg5 : memref<640x16xf32, #tpu.memory_space<hbm>>) target(%dma_start3A_26 : memref<640x16xf32, #tpu.memory_space<vmem_shared>>) target_semaphore(%run_scoped3A : memref<!tpu.dma_semaphore, #tpu.memory_space<semaphore_mem>>)
        %dma_wait3A = arith.constant 9360 : i32
        %dma_wait3A_27 = arith.constant 0 : i32
        %dma_wait3A_28 = tpu.memref_slice %arg12[%dma_wait3A, %dma_wait3A_27] : memref<10000x16xf32, #tpu.memory_space<vmem_shared>> -> memref<640x16xf32, #tpu.memory_space<vmem_shared>>
        tpu.wait_dma2 semaphore(%run_scoped3A : memref<!tpu.dma_semaphore, #tpu.memory_space<semaphore_mem>>) src(%arg5 : memref<640x16xf32, #tpu.memory_space<hbm>>) dst(%dma_wait3A_28 : memref<640x16xf32, #tpu.memory_space<vmem_shared>>)
        tpu.yield
      }) : () -> ()
    } else {
    }
    %barrier3A = arith.constant 0 : index
    tpu.barrier barrier_id(%barrier3A)
    %scan3A = arith.constant 0 : i32
    %scan3A_9 = arith.constant 0 : i32
    %scan3A_10 = arith.constant 100 : i32
    %scan3A_11 = arith.addi %scan3A_9, %scan3A_10 : i32
    %scan3A_12 = arith.constant 1 : i32
    scf.for %scan3A_25 = %scan3A_9 to %scan3A_11 step %scan3A_12  : i32 {
      "tpu.region"() ({
        %run_scoped3A = tpu.sem_alloc : memref<!tpu.dma_semaphore, #tpu.memory_space<semaphore_mem>>
        %dma_start3A = arith.constant 0 : i32
        %dma_start3A_26 = tpu.memref_slice %arg8[%scan3A_25, %dma_start3A] : memref<100x100xi32, #tpu.memory_space<vmem>> -> memref<1x100xi32, #tpu.memory_space<vmem>>
        %dma_start3A_27 = tpu.memref_squeeze %dma_start3A_26 : memref<1x100xi32, #tpu.memory_space<vmem>> -> memref<100xi32, #tpu.memory_space<vmem>>
        %dma_start3A_28 = arith.constant 0 : i32
        %dma_start3A_29 = arith.constant 0 : i32
        %dma_start3A_30 = tpu.memref_slice %arg11[%dma_start3A_28, %dma_start3A_29] : memref<10000x16xf32, #tpu.memory_space<vmem_shared>> -> memref<10000x16xf32, #tpu.memory_space<vmem_shared>>
        tpu.enqueue_indirect_dma source(%arg10 : memref<100x16xf32, #tpu.memory_space<vmem>>) target(%dma_start3A_30 : memref<10000x16xf32, #tpu.memory_space<vmem_shared>>) offsets(%dma_start3A_27 : memref<100xi32, #tpu.memory_space<vmem>>) semaphore(%run_scoped3A : memref<!tpu.dma_semaphore, #tpu.memory_space<semaphore_mem>>) {add = true}
        %dma_wait3A = arith.constant 0 : i32
        %dma_wait3A_31 = tpu.memref_slice %arg8[%scan3A_25, %dma_wait3A] : memref<100x100xi32, #tpu.memory_space<vmem>> -> memref<1x100xi32, #tpu.memory_space<vmem>>
        %dma_wait3A_32 = tpu.memref_squeeze %dma_wait3A_31 : memref<1x100xi32, #tpu.memory_space<vmem>> -> memref<100xi32, #tpu.memory_space<vmem>>
        %dma_wait3A_33 = arith.constant 0 : i32
        %dma_wait3A_34 = arith.constant 0 : i32
        %dma_wait3A_35 = tpu.memref_slice %arg11[%dma_wait3A_33, %dma_wait3A_34] : memref<10000x16xf32, #tpu.memory_space<vmem_shared>> -> memref<10000x16xf32, #tpu.memory_space<vmem_shared>>
        tpu.wait_indirect_dma semaphore(%run_scoped3A : memref<!tpu.dma_semaphore, #tpu.memory_space<semaphore_mem>>) src(%arg10 : memref<100x16xf32, #tpu.memory_space<vmem>>) dst(%dma_wait3A_35 : memref<10000x16xf32, #tpu.memory_space<vmem_shared>>)
        tpu.yield
      }) : () -> ()
      "tpu.region"() ({
        %run_scoped3A = tpu.sem_alloc : memref<!tpu.dma_semaphore, #tpu.memory_space<semaphore_mem>>
        %dma_start3A = arith.constant 0 : i32
        %dma_start3A_26 = tpu.memref_slice %arg9[%scan3A_25, %dma_start3A] : memref<100x100xi32, #tpu.memory_space<vmem>> -> memref<1x100xi32, #tpu.memory_space<vmem>>
        %dma_start3A_27 = tpu.memref_squeeze %dma_start3A_26 : memref<1x100xi32, #tpu.memory_space<vmem>> -> memref<100xi32, #tpu.memory_space<vmem>>
        %dma_start3A_28 = arith.constant 0 : i32
        %dma_start3A_29 = arith.constant 0 : i32
        %dma_start3A_30 = tpu.memref_slice %arg12[%dma_start3A_28, %dma_start3A_29] : memref<10000x16xf32, #tpu.memory_space<vmem_shared>> -> memref<10000x16xf32, #tpu.memory_space<vmem_shared>>
        tpu.enqueue_indirect_dma source(%arg10 : memref<100x16xf32, #tpu.memory_space<vmem>>) target(%dma_start3A_30 : memref<10000x16xf32, #tpu.memory_space<vmem_shared>>) offsets(%dma_start3A_27 : memref<100xi32, #tpu.memory_space<vmem>>) semaphore(%run_scoped3A : memref<!tpu.dma_semaphore, #tpu.memory_space<semaphore_mem>>) {add = true}
        %dma_wait3A = arith.constant 0 : i32
        %dma_wait3A_31 = tpu.memref_slice %arg9[%scan3A_25, %dma_wait3A] : memref<100x100xi32, #tpu.memory_space<vmem>> -> memref<1x100xi32, #tpu.memory_space<vmem>>
        %dma_wait3A_32 = tpu.memref_squeeze %dma_wait3A_31 : memref<1x100xi32, #tpu.memory_space<vmem>> -> memref<100xi32, #tpu.memory_space<vmem>>
        %dma_wait3A_33 = arith.constant 0 : i32
        %dma_wait3A_34 = arith.constant 0 : i32
        %dma_wait3A_35 = tpu.memref_slice %arg12[%dma_wait3A_33, %dma_wait3A_34] : memref<10000x16xf32, #tpu.memory_space<vmem_shared>> -> memref<10000x16xf32, #tpu.memory_space<vmem_shared>>
        tpu.wait_indirect_dma semaphore(%run_scoped3A : memref<!tpu.dma_semaphore, #tpu.memory_space<semaphore_mem>>) src(%arg10 : memref<100x16xf32, #tpu.memory_space<vmem>>) dst(%dma_wait3A_35 : memref<10000x16xf32, #tpu.memory_space<vmem_shared>>)
        tpu.yield
      }) : () -> ()
    }
    %scan3A_13 = arith.constant 100 : i32
    %barrier3A_14 = arith.constant 0 : index
    tpu.barrier barrier_id(%barrier3A_14)
    %lt3A_15 = arith.constant 15 : i32
    %lt3A_16 = arith.cmpi slt, %arg1, %lt3A_15 : i32
    %convert_element_type3A_17 = arith.extui %lt3A_16 : i1 to i32
    %cond3A_18 = arith.constant 0 : i32
    %cond3A_19 = arith.cmpi ne, %convert_element_type3A_17, %cond3A_18 : i32
    scf.if %cond3A_19 {
      "tpu.region"() ({
        %run_scoped3A = tpu.sem_alloc : memref<!tpu.dma_semaphore, #tpu.memory_space<semaphore_mem>>
        %dma_start3A = arith.constant 0 : i32
        %dma_start3A_25 = tpu.memref_slice %arg6[%arg0, %multiple_of3A, %dma_start3A] : memref<2x10000x16xf32, #tpu.memory_space<hbm>> -> memref<1x624x16xf32, #tpu.memory_space<hbm>>
        %dma_start3A_26 = tpu.memref_squeeze %dma_start3A_25 : memref<1x624x16xf32, #tpu.memory_space<hbm>> -> memref<624x16xf32, #tpu.memory_space<hbm>>
        %dma_start3A_27 = arith.constant 0 : i32
        %dma_start3A_28 = tpu.memref_slice %arg11[%multiple_of3A, %dma_start3A_27] : memref<10000x16xf32, #tpu.memory_space<vmem_shared>> -> memref<624x16xf32, #tpu.memory_space<vmem_shared>>
        tpu.enqueue_dma source(%dma_start3A_28 : memref<624x16xf32, #tpu.memory_space<vmem_shared>>) target(%dma_start3A_26 : memref<624x16xf32, #tpu.memory_space<hbm>>) target_semaphore(%run_scoped3A : memref<!tpu.dma_semaphore, #tpu.memory_space<semaphore_mem>>)
        %dma_wait3A = arith.constant 0 : i32
        %dma_wait3A_29 = tpu.memref_slice %arg6[%arg0, %multiple_of3A, %dma_wait3A] : memref<2x10000x16xf32, #tpu.memory_space<hbm>> -> memref<1x624x16xf32, #tpu.memory_space<hbm>>
        %dma_wait3A_30 = tpu.memref_squeeze %dma_wait3A_29 : memref<1x624x16xf32, #tpu.memory_space<hbm>> -> memref<624x16xf32, #tpu.memory_space<hbm>>
        %dma_wait3A_31 = arith.constant 0 : i32
        %dma_wait3A_32 = tpu.memref_slice %arg11[%multiple_of3A, %dma_wait3A_31] : memref<10000x16xf32, #tpu.memory_space<vmem_shared>> -> memref<624x16xf32, #tpu.memory_space<vmem_shared>>
        tpu.wait_dma2 semaphore(%run_scoped3A : memref<!tpu.dma_semaphore, #tpu.memory_space<semaphore_mem>>) src(%dma_wait3A_32 : memref<624x16xf32, #tpu.memory_space<vmem_shared>>) dst(%dma_wait3A_30 : memref<624x16xf32, #tpu.memory_space<hbm>>)
        tpu.yield
      }) : () -> ()
      "tpu.region"() ({
        %run_scoped3A = tpu.sem_alloc : memref<!tpu.dma_semaphore, #tpu.memory_space<semaphore_mem>>
        %dma_start3A = arith.constant 0 : i32
        %dma_start3A_25 = tpu.memref_slice %arg7[%arg0, %multiple_of3A, %dma_start3A] : memref<2x10000x16xf32, #tpu.memory_space<hbm>> -> memref<1x624x16xf32, #tpu.memory_space<hbm>>
        %dma_start3A_26 = tpu.memref_squeeze %dma_start3A_25 : memref<1x624x16xf32, #tpu.memory_space<hbm>> -> memref<624x16xf32, #tpu.memory_space<hbm>>
        %dma_start3A_27 = arith.constant 0 : i32
        %dma_start3A_28 = tpu.memref_slice %arg12[%multiple_of3A, %dma_start3A_27] : memref<10000x16xf32, #tpu.memory_space<vmem_shared>> -> memref<624x16xf32, #tpu.memory_space<vmem_shared>>
        tpu.enqueue_dma source(%dma_start3A_28 : memref<624x16xf32, #tpu.memory_space<vmem_shared>>) target(%dma_start3A_26 : memref<624x16xf32, #tpu.memory_space<hbm>>) target_semaphore(%run_scoped3A : memref<!tpu.dma_semaphore, #tpu.memory_space<semaphore_mem>>)
        %dma_wait3A = arith.constant 0 : i32
        %dma_wait3A_29 = tpu.memref_slice %arg7[%arg0, %multiple_of3A, %dma_wait3A] : memref<2x10000x16xf32, #tpu.memory_space<hbm>> -> memref<1x624x16xf32, #tpu.memory_space<hbm>>
        %dma_wait3A_30 = tpu.memref_squeeze %dma_wait3A_29 : memref<1x624x16xf32, #tpu.memory_space<hbm>> -> memref<624x16xf32, #tpu.memory_space<hbm>>
        %dma_wait3A_31 = arith.constant 0 : i32
        %dma_wait3A_32 = tpu.memref_slice %arg12[%multiple_of3A, %dma_wait3A_31] : memref<10000x16xf32, #tpu.memory_space<vmem_shared>> -> memref<624x16xf32, #tpu.memory_space<vmem_shared>>
        tpu.wait_dma2 semaphore(%run_scoped3A : memref<!tpu.dma_semaphore, #tpu.memory_space<semaphore_mem>>) src(%dma_wait3A_32 : memref<624x16xf32, #tpu.memory_space<vmem_shared>>) dst(%dma_wait3A_30 : memref<624x16xf32, #tpu.memory_space<hbm>>)
        tpu.yield
      }) : () -> ()
    } else {
    }
    %eq3A_20 = arith.constant 15 : i32
    %eq3A_21 = arith.cmpi eq, %arg1, %eq3A_20 : i32
    %convert_element_type3A_22 = arith.extui %eq3A_21 : i1 to i32
    %cond3A_23 = arith.constant 0 : i32
    %cond3A_24 = arith.cmpi ne, %convert_element_type3A_22, %cond3A_23 : i32
    scf.if %cond3A_24 {
      "tpu.region"() ({
        %run_scoped3A = tpu.sem_alloc : memref<!tpu.dma_semaphore, #tpu.memory_space<semaphore_mem>>
        %dma_start3A = arith.constant 9360 : i32
        %dma_start3A_25 = arith.constant 0 : i32
        %dma_start3A_26 = tpu.memref_slice %arg6[%arg0, %dma_start3A, %dma_start3A_25] : memref<2x10000x16xf32, #tpu.memory_space<hbm>> -> memref<1x640x16xf32, #tpu.memory_space<hbm>>
        %dma_start3A_27 = tpu.memref_squeeze %dma_start3A_26 : memref<1x640x16xf32, #tpu.memory_space<hbm>> -> memref<640x16xf32, #tpu.memory_space<hbm>>
        %dma_start3A_28 = arith.constant 9360 : i32
        %dma_start3A_29 = arith.constant 0 : i32
        %dma_start3A_30 = tpu.memref_slice %arg11[%dma_start3A_28, %dma_start3A_29] : memref<10000x16xf32, #tpu.memory_space<vmem_shared>> -> memref<640x16xf32, #tpu.memory_space<vmem_shared>>
        tpu.enqueue_dma source(%dma_start3A_30 : memref<640x16xf32, #tpu.memory_space<vmem_shared>>) target(%dma_start3A_27 : memref<640x16xf32, #tpu.memory_space<hbm>>) target_semaphore(%run_scoped3A : memref<!tpu.dma_semaphore, #tpu.memory_space<semaphore_mem>>)
        %dma_wait3A = arith.constant 9360 : i32
        %dma_wait3A_31 = arith.constant 0 : i32
        %dma_wait3A_32 = tpu.memref_slice %arg6[%arg0, %dma_wait3A, %dma_wait3A_31] : memref<2x10000x16xf32, #tpu.memory_space<hbm>> -> memref<1x640x16xf32, #tpu.memory_space<hbm>>
        %dma_wait3A_33 = tpu.memref_squeeze %dma_wait3A_32 : memref<1x640x16xf32, #tpu.memory_space<hbm>> -> memref<640x16xf32, #tpu.memory_space<hbm>>
        %dma_wait3A_34 = arith.constant 9360 : i32
        %dma_wait3A_35 = arith.constant 0 : i32
        %dma_wait3A_36 = tpu.memref_slice %arg11[%dma_wait3A_34, %dma_wait3A_35] : memref<10000x16xf32, #tpu.memory_space<vmem_shared>> -> memref<640x16xf32, #tpu.memory_space<vmem_shared>>
        tpu.wait_dma2 semaphore(%run_scoped3A : memref<!tpu.dma_semaphore, #tpu.memory_space<semaphore_mem>>) src(%dma_wait3A_36 : memref<640x16xf32, #tpu.memory_space<vmem_shared>>) dst(%dma_wait3A_33 : memref<640x16xf32, #tpu.memory_space<hbm>>)
        tpu.yield
      }) : () -> ()
      "tpu.region"() ({
        %run_scoped3A = tpu.sem_alloc : memref<!tpu.dma_semaphore, #tpu.memory_space<semaphore_mem>>
        %dma_start3A = arith.constant 9360 : i32
        %dma_start3A_25 = arith.constant 0 : i32
        %dma_start3A_26 = tpu.memref_slice %arg7[%arg0, %dma_start3A, %dma_start3A_25] : memref<2x10000x16xf32, #tpu.memory_space<hbm>> -> memref<1x640x16xf32, #tpu.memory_space<hbm>>
        %dma_start3A_27 = tpu.memref_squeeze %dma_start3A_26 : memref<1x640x16xf32, #tpu.memory_space<hbm>> -> memref<640x16xf32, #tpu.memory_space<hbm>>
        %dma_start3A_28 = arith.constant 9360 : i32
        %dma_start3A_29 = arith.constant 0 : i32
        %dma_start3A_30 = tpu.memref_slice %arg12[%dma_start3A_28, %dma_start3A_29] : memref<10000x16xf32, #tpu.memory_space<vmem_shared>> -> memref<640x16xf32, #tpu.memory_space<vmem_shared>>
        tpu.enqueue_dma source(%dma_start3A_30 : memref<640x16xf32, #tpu.memory_space<vmem_shared>>) target(%dma_start3A_27 : memref<640x16xf32, #tpu.memory_space<hbm>>) target_semaphore(%run_scoped3A : memref<!tpu.dma_semaphore, #tpu.memory_space<semaphore_mem>>)
        %dma_wait3A = arith.constant 9360 : i32
        %dma_wait3A_31 = arith.constant 0 : i32
        %dma_wait3A_32 = tpu.memref_slice %arg7[%arg0, %dma_wait3A, %dma_wait3A_31] : memref<2x10000x16xf32, #tpu.memory_space<hbm>> -> memref<1x640x16xf32, #tpu.memory_space<hbm>>
        %dma_wait3A_33 = tpu.memref_squeeze %dma_wait3A_32 : memref<1x640x16xf32, #tpu.memory_space<hbm>> -> memref<640x16xf32, #tpu.memory_space<hbm>>
        %dma_wait3A_34 = arith.constant 9360 : i32
        %dma_wait3A_35 = arith.constant 0 : i32
        %dma_wait3A_36 = tpu.memref_slice %arg12[%dma_wait3A_34, %dma_wait3A_35] : memref<10000x16xf32, #tpu.memory_space<vmem_shared>> -> memref<640x16xf32, #tpu.memory_space<vmem_shared>>
        tpu.wait_dma2 semaphore(%run_scoped3A : memref<!tpu.dma_semaphore, #tpu.memory_space<semaphore_mem>>) src(%dma_wait3A_36 : memref<640x16xf32, #tpu.memory_space<vmem_shared>>) dst(%dma_wait3A_33 : memref<640x16xf32, #tpu.memory_space<hbm>>)
        tpu.yield
      }) : () -> ()
    } else {
    }
    return
  }
}

#map = affine_map<(d0, d1) -> (0, 0)>
#map1 = affine_map<(d0, d1) -> (0, 0, 0)>
module attributes {stable_mosaic.version = 14 : i64} {
  func.func @_sc_agg(%arg0: i32, %arg1: i32, %arg2: memref<10000x128xf32, #tpu.memory_space<hbm>>, %arg3: memref<32x100x100xi32, #tpu.memory_space<hbm>>, %arg4: memref<32x100x100xi32, #tpu.memory_space<hbm>>, %arg5: memref<640x128xf32, #tpu.memory_space<hbm>>, %arg6: memref<2x10000x128xf32, #tpu.memory_space<hbm>>, %arg7: memref<52x100xi32, #tpu.memory_space<vmem>>, %arg8: memref<52x100xi32, #tpu.memory_space<vmem>>, %arg9: memref<100x128xf32, #tpu.memory_space<vmem>>, %arg10: memref<100x128xf32, #tpu.memory_space<vmem>>, %arg11: memref<10000x128xf32, #tpu.memory_space<vmem_shared>>, %arg12: memref<!tpu.dma_semaphore, #tpu.memory_space<semaphore_mem>>, %arg13: memref<!tpu.dma_semaphore, #tpu.memory_space<semaphore_mem>>) attributes {dimension_semantics = [#tpu.dimension_semantics<core_parallel>, #tpu.dimension_semantics<subcore_parallel>], iteration_bounds = array<i64: 2, 16>, scalar_prefetch = 0 : i64, scratch_operands = 7 : i64, tpu.core_type = #tpu.core_type<sc_vector_subcore>, window_params = [{transform_indices = #map}, {transform_indices = #map1}, {transform_indices = #map1}, {transform_indices = #map}, {transform_indices = #map1}]} {
    %mul3A = arith.constant 2 : i32
    %mul3A_0 = arith.muli %arg1, %mul3A : i32
    %add3A = arith.addi %mul3A_0, %arg0 : i32
    %mul3A_1 = arith.constant 624 : i32
    %mul3A_2 = arith.muli %arg1, %mul3A_1 : i32
    %multiple_of3A = tpu.assume_multiple %mul3A_2, 8 : i32
    %lt3A = arith.constant 15 : i32
    %lt3A_3 = arith.cmpi slt, %arg1, %lt3A : i32
    %convert_element_type3A = arith.extui %lt3A_3 : i1 to i32
    %cond3A = arith.constant 0 : i32
    %cond3A_4 = arith.cmpi ne, %convert_element_type3A, %cond3A : i32
    scf.if %cond3A_4 {
      "tpu.region"() ({
        %run_scoped3A = tpu.sem_alloc : memref<!tpu.dma_semaphore, #tpu.memory_space<semaphore_mem>>
        %dma_start3A_44 = arith.constant 0 : i32
        %dma_start3A_45 = tpu.memref_slice %arg11[%multiple_of3A, %dma_start3A_44] : memref<10000x128xf32, #tpu.memory_space<vmem_shared>> -> memref<624x128xf32, #tpu.memory_space<vmem_shared>>
        %dma_start3A_46 = arith.constant 0 : i32
        %dma_start3A_47 = arith.constant 0 : i32
        %dma_start3A_48 = tpu.memref_slice %arg5[%dma_start3A_46, %dma_start3A_47] : memref<640x128xf32, #tpu.memory_space<hbm>> -> memref<624x128xf32, #tpu.memory_space<hbm>>
        tpu.enqueue_dma source(%dma_start3A_48 : memref<624x128xf32, #tpu.memory_space<hbm>>) target(%dma_start3A_45 : memref<624x128xf32, #tpu.memory_space<vmem_shared>>) target_semaphore(%run_scoped3A : memref<!tpu.dma_semaphore, #tpu.memory_space<semaphore_mem>>)
        %dma_wait3A = arith.constant 0 : i32
        %dma_wait3A_49 = tpu.memref_slice %arg11[%multiple_of3A, %dma_wait3A] : memref<10000x128xf32, #tpu.memory_space<vmem_shared>> -> memref<624x128xf32, #tpu.memory_space<vmem_shared>>
        %dma_wait3A_50 = arith.constant 0 : i32
        %dma_wait3A_51 = arith.constant 0 : i32
        %dma_wait3A_52 = tpu.memref_slice %arg5[%dma_wait3A_50, %dma_wait3A_51] : memref<640x128xf32, #tpu.memory_space<hbm>> -> memref<624x128xf32, #tpu.memory_space<hbm>>
        tpu.wait_dma2 semaphore(%run_scoped3A : memref<!tpu.dma_semaphore, #tpu.memory_space<semaphore_mem>>) src(%dma_wait3A_52 : memref<624x128xf32, #tpu.memory_space<hbm>>) dst(%dma_wait3A_49 : memref<624x128xf32, #tpu.memory_space<vmem_shared>>)
        tpu.yield
      }) : () -> ()
    } else {
    }
    %eq3A = arith.constant 15 : i32
    %eq3A_5 = arith.cmpi eq, %arg1, %eq3A : i32
    %convert_element_type3A_6 = arith.extui %eq3A_5 : i1 to i32
    %cond3A_7 = arith.constant 0 : i32
    %cond3A_8 = arith.cmpi ne, %convert_element_type3A_6, %cond3A_7 : i32
    scf.if %cond3A_8 {
      "tpu.region"() ({
        %run_scoped3A = tpu.sem_alloc : memref<!tpu.dma_semaphore, #tpu.memory_space<semaphore_mem>>
        %dma_start3A_44 = arith.constant 9360 : i32
        %dma_start3A_45 = arith.constant 0 : i32
        %dma_start3A_46 = tpu.memref_slice %arg11[%dma_start3A_44, %dma_start3A_45] : memref<10000x128xf32, #tpu.memory_space<vmem_shared>> -> memref<640x128xf32, #tpu.memory_space<vmem_shared>>
        tpu.enqueue_dma source(%arg5 : memref<640x128xf32, #tpu.memory_space<hbm>>) target(%dma_start3A_46 : memref<640x128xf32, #tpu.memory_space<vmem_shared>>) target_semaphore(%run_scoped3A : memref<!tpu.dma_semaphore, #tpu.memory_space<semaphore_mem>>)
        %dma_wait3A = arith.constant 9360 : i32
        %dma_wait3A_47 = arith.constant 0 : i32
        %dma_wait3A_48 = tpu.memref_slice %arg11[%dma_wait3A, %dma_wait3A_47] : memref<10000x128xf32, #tpu.memory_space<vmem_shared>> -> memref<640x128xf32, #tpu.memory_space<vmem_shared>>
        tpu.wait_dma2 semaphore(%run_scoped3A : memref<!tpu.dma_semaphore, #tpu.memory_space<semaphore_mem>>) src(%arg5 : memref<640x128xf32, #tpu.memory_space<hbm>>) dst(%dma_wait3A_48 : memref<640x128xf32, #tpu.memory_space<vmem_shared>>)
        tpu.yield
      }) : () -> ()
    } else {
    }
    %barrier3A = arith.constant 0 : index
    tpu.barrier barrier_id(%barrier3A)
    "tpu.region"() ({
      %run_scoped3A = tpu.sem_alloc : memref<!tpu.dma_semaphore, #tpu.memory_space<semaphore_mem>>
      %dma_start3A_44 = arith.constant 0 : i32
      %dma_start3A_45 = arith.constant 0 : i32
      %dma_start3A_46 = tpu.memref_slice %arg7[%dma_start3A_44, %dma_start3A_45] : memref<52x100xi32, #tpu.memory_space<vmem>> -> memref<48x100xi32, #tpu.memory_space<vmem>>
      %dma_start3A_47 = arith.constant 0 : i32
      %dma_start3A_48 = arith.constant 0 : i32
      %dma_start3A_49 = tpu.memref_slice %arg3[%add3A, %dma_start3A_47, %dma_start3A_48] : memref<32x100x100xi32, #tpu.memory_space<hbm>> -> memref<1x48x100xi32, #tpu.memory_space<hbm>>
      %dma_start3A_50 = tpu.memref_squeeze %dma_start3A_49 : memref<1x48x100xi32, #tpu.memory_space<hbm>> -> memref<48x100xi32, #tpu.memory_space<hbm>>
      %dma_start3A_51 = arith.constant 0 : i32
      %dma_start3A_52 = arith.constant 0 : i32
      %dma_start3A_53 = tpu.memref_slice %arg7[%dma_start3A_51, %dma_start3A_52] : memref<52x100xi32, #tpu.memory_space<vmem>> -> memref<48x100xi32, #tpu.memory_space<vmem>>
      %dma_start3A_54 = arith.constant 0 : i32
      %dma_start3A_55 = arith.constant 0 : i32
      %dma_start3A_56 = tpu.memref_slice %arg3[%add3A, %dma_start3A_54, %dma_start3A_55] : memref<32x100x100xi32, #tpu.memory_space<hbm>> -> memref<1x48x100xi32, #tpu.memory_space<hbm>>
      %dma_start3A_57 = tpu.memref_squeeze %dma_start3A_56 : memref<1x48x100xi32, #tpu.memory_space<hbm>> -> memref<48x100xi32, #tpu.memory_space<hbm>>
      tpu.enqueue_dma source(%dma_start3A_57 : memref<48x100xi32, #tpu.memory_space<hbm>>) target(%dma_start3A_53 : memref<48x100xi32, #tpu.memory_space<vmem>>) target_semaphore(%run_scoped3A : memref<!tpu.dma_semaphore, #tpu.memory_space<semaphore_mem>>)
      %dma_wait3A = arith.constant 0 : i32
      %dma_wait3A_58 = arith.constant 0 : i32
      %dma_wait3A_59 = tpu.memref_slice %arg7[%dma_wait3A, %dma_wait3A_58] : memref<52x100xi32, #tpu.memory_space<vmem>> -> memref<48x100xi32, #tpu.memory_space<vmem>>
      %dma_wait3A_60 = arith.constant 0 : i32
      %dma_wait3A_61 = arith.constant 0 : i32
      %dma_wait3A_62 = tpu.memref_slice %arg3[%add3A, %dma_wait3A_60, %dma_wait3A_61] : memref<32x100x100xi32, #tpu.memory_space<hbm>> -> memref<1x48x100xi32, #tpu.memory_space<hbm>>
      %dma_wait3A_63 = tpu.memref_squeeze %dma_wait3A_62 : memref<1x48x100xi32, #tpu.memory_space<hbm>> -> memref<48x100xi32, #tpu.memory_space<hbm>>
      %dma_wait3A_64 = arith.constant 0 : i32
      %dma_wait3A_65 = arith.constant 0 : i32
      %dma_wait3A_66 = tpu.memref_slice %arg7[%dma_wait3A_64, %dma_wait3A_65] : memref<52x100xi32, #tpu.memory_space<vmem>> -> memref<48x100xi32, #tpu.memory_space<vmem>>
      %dma_wait3A_67 = arith.constant 0 : i32
      %dma_wait3A_68 = arith.constant 0 : i32
      %dma_wait3A_69 = tpu.memref_slice %arg3[%add3A, %dma_wait3A_67, %dma_wait3A_68] : memref<32x100x100xi32, #tpu.memory_space<hbm>> -> memref<1x48x100xi32, #tpu.memory_space<hbm>>
      %dma_wait3A_70 = tpu.memref_squeeze %dma_wait3A_69 : memref<1x48x100xi32, #tpu.memory_space<hbm>> -> memref<48x100xi32, #tpu.memory_space<hbm>>
      tpu.wait_dma2 semaphore(%run_scoped3A : memref<!tpu.dma_semaphore, #tpu.memory_space<semaphore_mem>>) src(%dma_wait3A_70 : memref<48x100xi32, #tpu.memory_space<hbm>>) dst(%dma_wait3A_66 : memref<48x100xi32, #tpu.memory_space<vmem>>)
      tpu.yield
    }) : () -> ()
    "tpu.region"() ({
      %run_scoped3A = tpu.sem_alloc : memref<!tpu.dma_semaphore, #tpu.memory_space<semaphore_mem>>
      %dma_start3A_44 = arith.constant 0 : i32
      %dma_start3A_45 = arith.constant 0 : i32
      %dma_start3A_46 = tpu.memref_slice %arg8[%dma_start3A_44, %dma_start3A_45] : memref<52x100xi32, #tpu.memory_space<vmem>> -> memref<48x100xi32, #tpu.memory_space<vmem>>
      %dma_start3A_47 = arith.constant 0 : i32
      %dma_start3A_48 = arith.constant 0 : i32
      %dma_start3A_49 = tpu.memref_slice %arg4[%add3A, %dma_start3A_47, %dma_start3A_48] : memref<32x100x100xi32, #tpu.memory_space<hbm>> -> memref<1x48x100xi32, #tpu.memory_space<hbm>>
      %dma_start3A_50 = tpu.memref_squeeze %dma_start3A_49 : memref<1x48x100xi32, #tpu.memory_space<hbm>> -> memref<48x100xi32, #tpu.memory_space<hbm>>
      %dma_start3A_51 = arith.constant 0 : i32
      %dma_start3A_52 = arith.constant 0 : i32
      %dma_start3A_53 = tpu.memref_slice %arg8[%dma_start3A_51, %dma_start3A_52] : memref<52x100xi32, #tpu.memory_space<vmem>> -> memref<48x100xi32, #tpu.memory_space<vmem>>
      %dma_start3A_54 = arith.constant 0 : i32
      %dma_start3A_55 = arith.constant 0 : i32
      %dma_start3A_56 = tpu.memref_slice %arg4[%add3A, %dma_start3A_54, %dma_start3A_55] : memref<32x100x100xi32, #tpu.memory_space<hbm>> -> memref<1x48x100xi32, #tpu.memory_space<hbm>>
      %dma_start3A_57 = tpu.memref_squeeze %dma_start3A_56 : memref<1x48x100xi32, #tpu.memory_space<hbm>> -> memref<48x100xi32, #tpu.memory_space<hbm>>
      tpu.enqueue_dma source(%dma_start3A_57 : memref<48x100xi32, #tpu.memory_space<hbm>>) target(%dma_start3A_53 : memref<48x100xi32, #tpu.memory_space<vmem>>) target_semaphore(%run_scoped3A : memref<!tpu.dma_semaphore, #tpu.memory_space<semaphore_mem>>)
      %dma_wait3A = arith.constant 0 : i32
      %dma_wait3A_58 = arith.constant 0 : i32
      %dma_wait3A_59 = tpu.memref_slice %arg8[%dma_wait3A, %dma_wait3A_58] : memref<52x100xi32, #tpu.memory_space<vmem>> -> memref<48x100xi32, #tpu.memory_space<vmem>>
      %dma_wait3A_60 = arith.constant 0 : i32
      %dma_wait3A_61 = arith.constant 0 : i32
      %dma_wait3A_62 = tpu.memref_slice %arg4[%add3A, %dma_wait3A_60, %dma_wait3A_61] : memref<32x100x100xi32, #tpu.memory_space<hbm>> -> memref<1x48x100xi32, #tpu.memory_space<hbm>>
      %dma_wait3A_63 = tpu.memref_squeeze %dma_wait3A_62 : memref<1x48x100xi32, #tpu.memory_space<hbm>> -> memref<48x100xi32, #tpu.memory_space<hbm>>
      %dma_wait3A_64 = arith.constant 0 : i32
      %dma_wait3A_65 = arith.constant 0 : i32
      %dma_wait3A_66 = tpu.memref_slice %arg8[%dma_wait3A_64, %dma_wait3A_65] : memref<52x100xi32, #tpu.memory_space<vmem>> -> memref<48x100xi32, #tpu.memory_space<vmem>>
      %dma_wait3A_67 = arith.constant 0 : i32
      %dma_wait3A_68 = arith.constant 0 : i32
      %dma_wait3A_69 = tpu.memref_slice %arg4[%add3A, %dma_wait3A_67, %dma_wait3A_68] : memref<32x100x100xi32, #tpu.memory_space<hbm>> -> memref<1x48x100xi32, #tpu.memory_space<hbm>>
      %dma_wait3A_70 = tpu.memref_squeeze %dma_wait3A_69 : memref<1x48x100xi32, #tpu.memory_space<hbm>> -> memref<48x100xi32, #tpu.memory_space<hbm>>
      tpu.wait_dma2 semaphore(%run_scoped3A : memref<!tpu.dma_semaphore, #tpu.memory_space<semaphore_mem>>) src(%dma_wait3A_70 : memref<48x100xi32, #tpu.memory_space<hbm>>) dst(%dma_wait3A_66 : memref<48x100xi32, #tpu.memory_space<vmem>>)
      tpu.yield
    }) : () -> ()
    %dma_start3A = arith.constant 0 : i32
    %dma_start3A_9 = arith.constant 0 : i32
    %dma_start3A_10 = tpu.memref_slice %arg7[%dma_start3A, %dma_start3A_9] : memref<52x100xi32, #tpu.memory_space<vmem>> -> memref<1x100xi32, #tpu.memory_space<vmem>>
    %dma_start3A_11 = tpu.memref_squeeze %dma_start3A_10 : memref<1x100xi32, #tpu.memory_space<vmem>> -> memref<100xi32, #tpu.memory_space<vmem>>
    %dma_start3A_12 = arith.constant 0 : i32
    %dma_start3A_13 = arith.constant 0 : i32
    %dma_start3A_14 = tpu.memref_slice %arg2[%dma_start3A_12, %dma_start3A_13] : memref<10000x128xf32, #tpu.memory_space<hbm>> -> memref<10000x128xf32, #tpu.memory_space<hbm>>
    tpu.enqueue_indirect_dma source(%dma_start3A_14 : memref<10000x128xf32, #tpu.memory_space<hbm>>) target(%arg9 : memref<100x128xf32, #tpu.memory_space<vmem>>) offsets(%dma_start3A_11 : memref<100xi32, #tpu.memory_space<vmem>>) semaphore(%arg12 : memref<!tpu.dma_semaphore, #tpu.memory_space<semaphore_mem>>)
    %scan3A = arith.constant 0 : i32
    %scan3A_15 = arith.constant 0 : i32
    %scan3A_16 = arith.constant 24 : i32
    %scan3A_17 = arith.addi %scan3A_15, %scan3A_16 : i32
    %scan3A_18 = arith.constant 1 : i32
    scf.for %scan3A_44 = %scan3A_15 to %scan3A_17 step %scan3A_18  : i32 {
      %mul3A_45 = arith.constant 2 : i32
      %mul3A_46 = arith.muli %scan3A_44, %mul3A_45 : i32
      %dma_wait3A = arith.constant 0 : i32
      %dma_wait3A_47 = arith.constant 0 : i32
      %dma_wait3A_48 = tpu.memref_slice %arg7[%dma_wait3A, %dma_wait3A_47] : memref<52x100xi32, #tpu.memory_space<vmem>> -> memref<1x100xi32, #tpu.memory_space<vmem>>
      %dma_wait3A_49 = tpu.memref_squeeze %dma_wait3A_48 : memref<1x100xi32, #tpu.memory_space<vmem>> -> memref<100xi32, #tpu.memory_space<vmem>>
      %dma_wait3A_50 = arith.constant 0 : i32
      %dma_wait3A_51 = arith.constant 0 : i32
      %dma_wait3A_52 = tpu.memref_slice %arg2[%dma_wait3A_50, %dma_wait3A_51] : memref<10000x128xf32, #tpu.memory_space<hbm>> -> memref<10000x128xf32, #tpu.memory_space<hbm>>
      tpu.wait_indirect_dma semaphore(%arg12 : memref<!tpu.dma_semaphore, #tpu.memory_space<semaphore_mem>>) src(%dma_wait3A_52 : memref<10000x128xf32, #tpu.memory_space<hbm>>) dst(%arg9 : memref<100x128xf32, #tpu.memory_space<vmem>>)
      %add3A_53 = arith.constant 1 : i32
      %add3A_54 = arith.addi %mul3A_46, %add3A_53 : i32
      %dma_start3A_55 = arith.constant 0 : i32
      %dma_start3A_56 = tpu.memref_slice %arg7[%add3A_54, %dma_start3A_55] : memref<52x100xi32, #tpu.memory_space<vmem>> -> memref<1x100xi32, #tpu.memory_space<vmem>>
      %dma_start3A_57 = tpu.memref_squeeze %dma_start3A_56 : memref<1x100xi32, #tpu.memory_space<vmem>> -> memref<100xi32, #tpu.memory_space<vmem>>
      %dma_start3A_58 = arith.constant 0 : i32
      %dma_start3A_59 = arith.constant 0 : i32
      %dma_start3A_60 = tpu.memref_slice %arg2[%dma_start3A_58, %dma_start3A_59] : memref<10000x128xf32, #tpu.memory_space<hbm>> -> memref<10000x128xf32, #tpu.memory_space<hbm>>
      tpu.enqueue_indirect_dma source(%dma_start3A_60 : memref<10000x128xf32, #tpu.memory_space<hbm>>) target(%arg10 : memref<100x128xf32, #tpu.memory_space<vmem>>) offsets(%dma_start3A_57 : memref<100xi32, #tpu.memory_space<vmem>>) semaphore(%arg13 : memref<!tpu.dma_semaphore, #tpu.memory_space<semaphore_mem>>)
      "tpu.region"() ({
        %run_scoped3A = tpu.sem_alloc : memref<!tpu.dma_semaphore, #tpu.memory_space<semaphore_mem>>
        %dma_start3A_77 = arith.constant 0 : i32
        %dma_start3A_78 = tpu.memref_slice %arg8[%mul3A_46, %dma_start3A_77] : memref<52x100xi32, #tpu.memory_space<vmem>> -> memref<1x100xi32, #tpu.memory_space<vmem>>
        %dma_start3A_79 = tpu.memref_squeeze %dma_start3A_78 : memref<1x100xi32, #tpu.memory_space<vmem>> -> memref<100xi32, #tpu.memory_space<vmem>>
        %dma_start3A_80 = arith.constant 0 : i32
        %dma_start3A_81 = arith.constant 0 : i32
        %dma_start3A_82 = tpu.memref_slice %arg11[%dma_start3A_80, %dma_start3A_81] : memref<10000x128xf32, #tpu.memory_space<vmem_shared>> -> memref<10000x128xf32, #tpu.memory_space<vmem_shared>>
        tpu.enqueue_indirect_dma source(%arg9 : memref<100x128xf32, #tpu.memory_space<vmem>>) target(%dma_start3A_82 : memref<10000x128xf32, #tpu.memory_space<vmem_shared>>) offsets(%dma_start3A_79 : memref<100xi32, #tpu.memory_space<vmem>>) semaphore(%run_scoped3A : memref<!tpu.dma_semaphore, #tpu.memory_space<semaphore_mem>>) {add = true}
        %dma_wait3A_83 = arith.constant 0 : i32
        %dma_wait3A_84 = tpu.memref_slice %arg8[%mul3A_46, %dma_wait3A_83] : memref<52x100xi32, #tpu.memory_space<vmem>> -> memref<1x100xi32, #tpu.memory_space<vmem>>
        %dma_wait3A_85 = tpu.memref_squeeze %dma_wait3A_84 : memref<1x100xi32, #tpu.memory_space<vmem>> -> memref<100xi32, #tpu.memory_space<vmem>>
        %dma_wait3A_86 = arith.constant 0 : i32
        %dma_wait3A_87 = arith.constant 0 : i32
        %dma_wait3A_88 = tpu.memref_slice %arg11[%dma_wait3A_86, %dma_wait3A_87] : memref<10000x128xf32, #tpu.memory_space<vmem_shared>> -> memref<10000x128xf32, #tpu.memory_space<vmem_shared>>
        tpu.wait_indirect_dma semaphore(%run_scoped3A : memref<!tpu.dma_semaphore, #tpu.memory_space<semaphore_mem>>) src(%arg9 : memref<100x128xf32, #tpu.memory_space<vmem>>) dst(%dma_wait3A_88 : memref<10000x128xf32, #tpu.memory_space<vmem_shared>>)
        tpu.yield
      }) : () -> ()
      %dma_wait3A_61 = arith.constant 0 : i32
      %dma_wait3A_62 = arith.constant 0 : i32
      %dma_wait3A_63 = tpu.memref_slice %arg7[%dma_wait3A_61, %dma_wait3A_62] : memref<52x100xi32, #tpu.memory_space<vmem>> -> memref<1x100xi32, #tpu.memory_space<vmem>>
      %dma_wait3A_64 = tpu.memref_squeeze %dma_wait3A_63 : memref<1x100xi32, #tpu.memory_space<vmem>> -> memref<100xi32, #tpu.memory_space<vmem>>
      %dma_wait3A_65 = arith.constant 0 : i32
      %dma_wait3A_66 = arith.constant 0 : i32
      %dma_wait3A_67 = tpu.memref_slice %arg2[%dma_wait3A_65, %dma_wait3A_66] : memref<10000x128xf32, #tpu.memory_space<hbm>> -> memref<10000x128xf32, #tpu.memory_space<hbm>>
      tpu.wait_indirect_dma semaphore(%arg13 : memref<!tpu.dma_semaphore, #tpu.memory_space<semaphore_mem>>) src(%dma_wait3A_67 : memref<10000x128xf32, #tpu.memory_space<hbm>>) dst(%arg10 : memref<100x128xf32, #tpu.memory_space<vmem>>)
      %add3A_68 = arith.constant 2 : i32
      %add3A_69 = arith.addi %mul3A_46, %add3A_68 : i32
      %lt3A_70 = arith.constant 48 : i32
      %lt3A_71 = arith.cmpi slt, %add3A_69, %lt3A_70 : i32
      %convert_element_type3A_72 = arith.extui %lt3A_71 : i1 to i32
      %cond3A_73 = arith.constant 0 : i32
      %cond3A_74 = arith.cmpi ne, %convert_element_type3A_72, %cond3A_73 : i32
      scf.if %cond3A_74 {
        %add3A_77 = arith.constant 2 : i32
        %add3A_78 = arith.addi %mul3A_46, %add3A_77 : i32
        %dma_start3A_79 = arith.constant 0 : i32
        %dma_start3A_80 = tpu.memref_slice %arg7[%add3A_78, %dma_start3A_79] : memref<52x100xi32, #tpu.memory_space<vmem>> -> memref<1x100xi32, #tpu.memory_space<vmem>>
        %dma_start3A_81 = tpu.memref_squeeze %dma_start3A_80 : memref<1x100xi32, #tpu.memory_space<vmem>> -> memref<100xi32, #tpu.memory_space<vmem>>
        %dma_start3A_82 = arith.constant 0 : i32
        %dma_start3A_83 = arith.constant 0 : i32
        %dma_start3A_84 = tpu.memref_slice %arg2[%dma_start3A_82, %dma_start3A_83] : memref<10000x128xf32, #tpu.memory_space<hbm>> -> memref<10000x128xf32, #tpu.memory_space<hbm>>
        tpu.enqueue_indirect_dma source(%dma_start3A_84 : memref<10000x128xf32, #tpu.memory_space<hbm>>) target(%arg9 : memref<100x128xf32, #tpu.memory_space<vmem>>) offsets(%dma_start3A_81 : memref<100xi32, #tpu.memory_space<vmem>>) semaphore(%arg12 : memref<!tpu.dma_semaphore, #tpu.memory_space<semaphore_mem>>)
      } else {
      }
      %add3A_75 = arith.constant 1 : i32
      %add3A_76 = arith.addi %mul3A_46, %add3A_75 : i32
      "tpu.region"() ({
        %run_scoped3A = tpu.sem_alloc : memref<!tpu.dma_semaphore, #tpu.memory_space<semaphore_mem>>
        %dma_start3A_77 = arith.constant 0 : i32
        %dma_start3A_78 = tpu.memref_slice %arg8[%add3A_76, %dma_start3A_77] : memref<52x100xi32, #tpu.memory_space<vmem>> -> memref<1x100xi32, #tpu.memory_space<vmem>>
        %dma_start3A_79 = tpu.memref_squeeze %dma_start3A_78 : memref<1x100xi32, #tpu.memory_space<vmem>> -> memref<100xi32, #tpu.memory_space<vmem>>
        %dma_start3A_80 = arith.constant 0 : i32
        %dma_start3A_81 = arith.constant 0 : i32
        %dma_start3A_82 = tpu.memref_slice %arg11[%dma_start3A_80, %dma_start3A_81] : memref<10000x128xf32, #tpu.memory_space<vmem_shared>> -> memref<10000x128xf32, #tpu.memory_space<vmem_shared>>
        tpu.enqueue_indirect_dma source(%arg10 : memref<100x128xf32, #tpu.memory_space<vmem>>) target(%dma_start3A_82 : memref<10000x128xf32, #tpu.memory_space<vmem_shared>>) offsets(%dma_start3A_79 : memref<100xi32, #tpu.memory_space<vmem>>) semaphore(%run_scoped3A : memref<!tpu.dma_semaphore, #tpu.memory_space<semaphore_mem>>) {add = true}
        %dma_wait3A_83 = arith.constant 0 : i32
        %dma_wait3A_84 = tpu.memref_slice %arg8[%add3A_76, %dma_wait3A_83] : memref<52x100xi32, #tpu.memory_space<vmem>> -> memref<1x100xi32, #tpu.memory_space<vmem>>
        %dma_wait3A_85 = tpu.memref_squeeze %dma_wait3A_84 : memref<1x100xi32, #tpu.memory_space<vmem>> -> memref<100xi32, #tpu.memory_space<vmem>>
        %dma_wait3A_86 = arith.constant 0 : i32
        %dma_wait3A_87 = arith.constant 0 : i32
        %dma_wait3A_88 = tpu.memref_slice %arg11[%dma_wait3A_86, %dma_wait3A_87] : memref<10000x128xf32, #tpu.memory_space<vmem_shared>> -> memref<10000x128xf32, #tpu.memory_space<vmem_shared>>
        tpu.wait_indirect_dma semaphore(%run_scoped3A : memref<!tpu.dma_semaphore, #tpu.memory_space<semaphore_mem>>) src(%arg10 : memref<100x128xf32, #tpu.memory_space<vmem>>) dst(%dma_wait3A_88 : memref<10000x128xf32, #tpu.memory_space<vmem_shared>>)
        tpu.yield
      }) : () -> ()
    }
    %scan3A_19 = arith.constant 24 : i32
    "tpu.region"() ({
      %run_scoped3A = tpu.sem_alloc : memref<!tpu.dma_semaphore, #tpu.memory_space<semaphore_mem>>
      %dma_start3A_44 = arith.constant 0 : i32
      %dma_start3A_45 = arith.constant 0 : i32
      %dma_start3A_46 = tpu.memref_slice %arg7[%dma_start3A_44, %dma_start3A_45] : memref<52x100xi32, #tpu.memory_space<vmem>> -> memref<52x100xi32, #tpu.memory_space<vmem>>
      %dma_start3A_47 = arith.constant 48 : i32
      %dma_start3A_48 = arith.constant 0 : i32
      %dma_start3A_49 = tpu.memref_slice %arg3[%add3A, %dma_start3A_47, %dma_start3A_48] : memref<32x100x100xi32, #tpu.memory_space<hbm>> -> memref<1x52x100xi32, #tpu.memory_space<hbm>>
      %dma_start3A_50 = tpu.memref_squeeze %dma_start3A_49 : memref<1x52x100xi32, #tpu.memory_space<hbm>> -> memref<52x100xi32, #tpu.memory_space<hbm>>
      %dma_start3A_51 = arith.constant 0 : i32
      %dma_start3A_52 = arith.constant 0 : i32
      %dma_start3A_53 = tpu.memref_slice %arg7[%dma_start3A_51, %dma_start3A_52] : memref<52x100xi32, #tpu.memory_space<vmem>> -> memref<52x100xi32, #tpu.memory_space<vmem>>
      %dma_start3A_54 = arith.constant 48 : i32
      %dma_start3A_55 = arith.constant 0 : i32
      %dma_start3A_56 = tpu.memref_slice %arg3[%add3A, %dma_start3A_54, %dma_start3A_55] : memref<32x100x100xi32, #tpu.memory_space<hbm>> -> memref<1x52x100xi32, #tpu.memory_space<hbm>>
      %dma_start3A_57 = tpu.memref_squeeze %dma_start3A_56 : memref<1x52x100xi32, #tpu.memory_space<hbm>> -> memref<52x100xi32, #tpu.memory_space<hbm>>
      tpu.enqueue_dma source(%dma_start3A_57 : memref<52x100xi32, #tpu.memory_space<hbm>>) target(%dma_start3A_53 : memref<52x100xi32, #tpu.memory_space<vmem>>) target_semaphore(%run_scoped3A : memref<!tpu.dma_semaphore, #tpu.memory_space<semaphore_mem>>)
      %dma_wait3A = arith.constant 0 : i32
      %dma_wait3A_58 = arith.constant 0 : i32
      %dma_wait3A_59 = tpu.memref_slice %arg7[%dma_wait3A, %dma_wait3A_58] : memref<52x100xi32, #tpu.memory_space<vmem>> -> memref<52x100xi32, #tpu.memory_space<vmem>>
      %dma_wait3A_60 = arith.constant 48 : i32
      %dma_wait3A_61 = arith.constant 0 : i32
      %dma_wait3A_62 = tpu.memref_slice %arg3[%add3A, %dma_wait3A_60, %dma_wait3A_61] : memref<32x100x100xi32, #tpu.memory_space<hbm>> -> memref<1x52x100xi32, #tpu.memory_space<hbm>>
      %dma_wait3A_63 = tpu.memref_squeeze %dma_wait3A_62 : memref<1x52x100xi32, #tpu.memory_space<hbm>> -> memref<52x100xi32, #tpu.memory_space<hbm>>
      %dma_wait3A_64 = arith.constant 0 : i32
      %dma_wait3A_65 = arith.constant 0 : i32
      %dma_wait3A_66 = tpu.memref_slice %arg7[%dma_wait3A_64, %dma_wait3A_65] : memref<52x100xi32, #tpu.memory_space<vmem>> -> memref<52x100xi32, #tpu.memory_space<vmem>>
      %dma_wait3A_67 = arith.constant 48 : i32
      %dma_wait3A_68 = arith.constant 0 : i32
      %dma_wait3A_69 = tpu.memref_slice %arg3[%add3A, %dma_wait3A_67, %dma_wait3A_68] : memref<32x100x100xi32, #tpu.memory_space<hbm>> -> memref<1x52x100xi32, #tpu.memory_space<hbm>>
      %dma_wait3A_70 = tpu.memref_squeeze %dma_wait3A_69 : memref<1x52x100xi32, #tpu.memory_space<hbm>> -> memref<52x100xi32, #tpu.memory_space<hbm>>
      tpu.wait_dma2 semaphore(%run_scoped3A : memref<!tpu.dma_semaphore, #tpu.memory_space<semaphore_mem>>) src(%dma_wait3A_70 : memref<52x100xi32, #tpu.memory_space<hbm>>) dst(%dma_wait3A_66 : memref<52x100xi32, #tpu.memory_space<vmem>>)
      tpu.yield
    }) : () -> ()
    "tpu.region"() ({
      %run_scoped3A = tpu.sem_alloc : memref<!tpu.dma_semaphore, #tpu.memory_space<semaphore_mem>>
      %dma_start3A_44 = arith.constant 0 : i32
      %dma_start3A_45 = arith.constant 0 : i32
      %dma_start3A_46 = tpu.memref_slice %arg8[%dma_start3A_44, %dma_start3A_45] : memref<52x100xi32, #tpu.memory_space<vmem>> -> memref<52x100xi32, #tpu.memory_space<vmem>>
      %dma_start3A_47 = arith.constant 48 : i32
      %dma_start3A_48 = arith.constant 0 : i32
      %dma_start3A_49 = tpu.memref_slice %arg4[%add3A, %dma_start3A_47, %dma_start3A_48] : memref<32x100x100xi32, #tpu.memory_space<hbm>> -> memref<1x52x100xi32, #tpu.memory_space<hbm>>
      %dma_start3A_50 = tpu.memref_squeeze %dma_start3A_49 : memref<1x52x100xi32, #tpu.memory_space<hbm>> -> memref<52x100xi32, #tpu.memory_space<hbm>>
      %dma_start3A_51 = arith.constant 0 : i32
      %dma_start3A_52 = arith.constant 0 : i32
      %dma_start3A_53 = tpu.memref_slice %arg8[%dma_start3A_51, %dma_start3A_52] : memref<52x100xi32, #tpu.memory_space<vmem>> -> memref<52x100xi32, #tpu.memory_space<vmem>>
      %dma_start3A_54 = arith.constant 48 : i32
      %dma_start3A_55 = arith.constant 0 : i32
      %dma_start3A_56 = tpu.memref_slice %arg4[%add3A, %dma_start3A_54, %dma_start3A_55] : memref<32x100x100xi32, #tpu.memory_space<hbm>> -> memref<1x52x100xi32, #tpu.memory_space<hbm>>
      %dma_start3A_57 = tpu.memref_squeeze %dma_start3A_56 : memref<1x52x100xi32, #tpu.memory_space<hbm>> -> memref<52x100xi32, #tpu.memory_space<hbm>>
      tpu.enqueue_dma source(%dma_start3A_57 : memref<52x100xi32, #tpu.memory_space<hbm>>) target(%dma_start3A_53 : memref<52x100xi32, #tpu.memory_space<vmem>>) target_semaphore(%run_scoped3A : memref<!tpu.dma_semaphore, #tpu.memory_space<semaphore_mem>>)
      %dma_wait3A = arith.constant 0 : i32
      %dma_wait3A_58 = arith.constant 0 : i32
      %dma_wait3A_59 = tpu.memref_slice %arg8[%dma_wait3A, %dma_wait3A_58] : memref<52x100xi32, #tpu.memory_space<vmem>> -> memref<52x100xi32, #tpu.memory_space<vmem>>
      %dma_wait3A_60 = arith.constant 48 : i32
      %dma_wait3A_61 = arith.constant 0 : i32
      %dma_wait3A_62 = tpu.memref_slice %arg4[%add3A, %dma_wait3A_60, %dma_wait3A_61] : memref<32x100x100xi32, #tpu.memory_space<hbm>> -> memref<1x52x100xi32, #tpu.memory_space<hbm>>
      %dma_wait3A_63 = tpu.memref_squeeze %dma_wait3A_62 : memref<1x52x100xi32, #tpu.memory_space<hbm>> -> memref<52x100xi32, #tpu.memory_space<hbm>>
      %dma_wait3A_64 = arith.constant 0 : i32
      %dma_wait3A_65 = arith.constant 0 : i32
      %dma_wait3A_66 = tpu.memref_slice %arg8[%dma_wait3A_64, %dma_wait3A_65] : memref<52x100xi32, #tpu.memory_space<vmem>> -> memref<52x100xi32, #tpu.memory_space<vmem>>
      %dma_wait3A_67 = arith.constant 48 : i32
      %dma_wait3A_68 = arith.constant 0 : i32
      %dma_wait3A_69 = tpu.memref_slice %arg4[%add3A, %dma_wait3A_67, %dma_wait3A_68] : memref<32x100x100xi32, #tpu.memory_space<hbm>> -> memref<1x52x100xi32, #tpu.memory_space<hbm>>
      %dma_wait3A_70 = tpu.memref_squeeze %dma_wait3A_69 : memref<1x52x100xi32, #tpu.memory_space<hbm>> -> memref<52x100xi32, #tpu.memory_space<hbm>>
      tpu.wait_dma2 semaphore(%run_scoped3A : memref<!tpu.dma_semaphore, #tpu.memory_space<semaphore_mem>>) src(%dma_wait3A_70 : memref<52x100xi32, #tpu.memory_space<hbm>>) dst(%dma_wait3A_66 : memref<52x100xi32, #tpu.memory_space<vmem>>)
      tpu.yield
    }) : () -> ()
    %dma_start3A_20 = arith.constant 0 : i32
    %dma_start3A_21 = arith.constant 0 : i32
    %dma_start3A_22 = tpu.memref_slice %arg7[%dma_start3A_20, %dma_start3A_21] : memref<52x100xi32, #tpu.memory_space<vmem>> -> memref<1x100xi32, #tpu.memory_space<vmem>>
    %dma_start3A_23 = tpu.memref_squeeze %dma_start3A_22 : memref<1x100xi32, #tpu.memory_space<vmem>> -> memref<100xi32, #tpu.memory_space<vmem>>
    %dma_start3A_24 = arith.constant 0 : i32
    %dma_start3A_25 = arith.constant 0 : i32
    %dma_start3A_26 = tpu.memref_slice %arg2[%dma_start3A_24, %dma_start3A_25] : memref<10000x128xf32, #tpu.memory_space<hbm>> -> memref<10000x128xf32, #tpu.memory_space<hbm>>
    tpu.enqueue_indirect_dma source(%dma_start3A_26 : memref<10000x128xf32, #tpu.memory_space<hbm>>) target(%arg9 : memref<100x128xf32, #tpu.memory_space<vmem>>) offsets(%dma_start3A_23 : memref<100xi32, #tpu.memory_space<vmem>>) semaphore(%arg12 : memref<!tpu.dma_semaphore, #tpu.memory_space<semaphore_mem>>)
    %scan3A_27 = arith.constant 0 : i32
    %scan3A_28 = arith.constant 0 : i32
    %scan3A_29 = arith.constant 26 : i32
    %scan3A_30 = arith.addi %scan3A_28, %scan3A_29 : i32
    %scan3A_31 = arith.constant 1 : i32
    scf.for %scan3A_44 = %scan3A_28 to %scan3A_30 step %scan3A_31  : i32 {
      %mul3A_45 = arith.constant 2 : i32
      %mul3A_46 = arith.muli %scan3A_44, %mul3A_45 : i32
      %dma_wait3A = arith.constant 0 : i32
      %dma_wait3A_47 = arith.constant 0 : i32
      %dma_wait3A_48 = tpu.memref_slice %arg7[%dma_wait3A, %dma_wait3A_47] : memref<52x100xi32, #tpu.memory_space<vmem>> -> memref<1x100xi32, #tpu.memory_space<vmem>>
      %dma_wait3A_49 = tpu.memref_squeeze %dma_wait3A_48 : memref<1x100xi32, #tpu.memory_space<vmem>> -> memref<100xi32, #tpu.memory_space<vmem>>
      %dma_wait3A_50 = arith.constant 0 : i32
      %dma_wait3A_51 = arith.constant 0 : i32
      %dma_wait3A_52 = tpu.memref_slice %arg2[%dma_wait3A_50, %dma_wait3A_51] : memref<10000x128xf32, #tpu.memory_space<hbm>> -> memref<10000x128xf32, #tpu.memory_space<hbm>>
      tpu.wait_indirect_dma semaphore(%arg12 : memref<!tpu.dma_semaphore, #tpu.memory_space<semaphore_mem>>) src(%dma_wait3A_52 : memref<10000x128xf32, #tpu.memory_space<hbm>>) dst(%arg9 : memref<100x128xf32, #tpu.memory_space<vmem>>)
      %add3A_53 = arith.constant 1 : i32
      %add3A_54 = arith.addi %mul3A_46, %add3A_53 : i32
      %dma_start3A_55 = arith.constant 0 : i32
      %dma_start3A_56 = tpu.memref_slice %arg7[%add3A_54, %dma_start3A_55] : memref<52x100xi32, #tpu.memory_space<vmem>> -> memref<1x100xi32, #tpu.memory_space<vmem>>
      %dma_start3A_57 = tpu.memref_squeeze %dma_start3A_56 : memref<1x100xi32, #tpu.memory_space<vmem>> -> memref<100xi32, #tpu.memory_space<vmem>>
      %dma_start3A_58 = arith.constant 0 : i32
      %dma_start3A_59 = arith.constant 0 : i32
      %dma_start3A_60 = tpu.memref_slice %arg2[%dma_start3A_58, %dma_start3A_59] : memref<10000x128xf32, #tpu.memory_space<hbm>> -> memref<10000x128xf32, #tpu.memory_space<hbm>>
      tpu.enqueue_indirect_dma source(%dma_start3A_60 : memref<10000x128xf32, #tpu.memory_space<hbm>>) target(%arg10 : memref<100x128xf32, #tpu.memory_space<vmem>>) offsets(%dma_start3A_57 : memref<100xi32, #tpu.memory_space<vmem>>) semaphore(%arg13 : memref<!tpu.dma_semaphore, #tpu.memory_space<semaphore_mem>>)
      "tpu.region"() ({
        %run_scoped3A = tpu.sem_alloc : memref<!tpu.dma_semaphore, #tpu.memory_space<semaphore_mem>>
        %dma_start3A_77 = arith.constant 0 : i32
        %dma_start3A_78 = tpu.memref_slice %arg8[%mul3A_46, %dma_start3A_77] : memref<52x100xi32, #tpu.memory_space<vmem>> -> memref<1x100xi32, #tpu.memory_space<vmem>>
        %dma_start3A_79 = tpu.memref_squeeze %dma_start3A_78 : memref<1x100xi32, #tpu.memory_space<vmem>> -> memref<100xi32, #tpu.memory_space<vmem>>
        %dma_start3A_80 = arith.constant 0 : i32
        %dma_start3A_81 = arith.constant 0 : i32
        %dma_start3A_82 = tpu.memref_slice %arg11[%dma_start3A_80, %dma_start3A_81] : memref<10000x128xf32, #tpu.memory_space<vmem_shared>> -> memref<10000x128xf32, #tpu.memory_space<vmem_shared>>
        tpu.enqueue_indirect_dma source(%arg9 : memref<100x128xf32, #tpu.memory_space<vmem>>) target(%dma_start3A_82 : memref<10000x128xf32, #tpu.memory_space<vmem_shared>>) offsets(%dma_start3A_79 : memref<100xi32, #tpu.memory_space<vmem>>) semaphore(%run_scoped3A : memref<!tpu.dma_semaphore, #tpu.memory_space<semaphore_mem>>) {add = true}
        %dma_wait3A_83 = arith.constant 0 : i32
        %dma_wait3A_84 = tpu.memref_slice %arg8[%mul3A_46, %dma_wait3A_83] : memref<52x100xi32, #tpu.memory_space<vmem>> -> memref<1x100xi32, #tpu.memory_space<vmem>>
        %dma_wait3A_85 = tpu.memref_squeeze %dma_wait3A_84 : memref<1x100xi32, #tpu.memory_space<vmem>> -> memref<100xi32, #tpu.memory_space<vmem>>
        %dma_wait3A_86 = arith.constant 0 : i32
        %dma_wait3A_87 = arith.constant 0 : i32
        %dma_wait3A_88 = tpu.memref_slice %arg11[%dma_wait3A_86, %dma_wait3A_87] : memref<10000x128xf32, #tpu.memory_space<vmem_shared>> -> memref<10000x128xf32, #tpu.memory_space<vmem_shared>>
        tpu.wait_indirect_dma semaphore(%run_scoped3A : memref<!tpu.dma_semaphore, #tpu.memory_space<semaphore_mem>>) src(%arg9 : memref<100x128xf32, #tpu.memory_space<vmem>>) dst(%dma_wait3A_88 : memref<10000x128xf32, #tpu.memory_space<vmem_shared>>)
        tpu.yield
      }) : () -> ()
      %dma_wait3A_61 = arith.constant 0 : i32
      %dma_wait3A_62 = arith.constant 0 : i32
      %dma_wait3A_63 = tpu.memref_slice %arg7[%dma_wait3A_61, %dma_wait3A_62] : memref<52x100xi32, #tpu.memory_space<vmem>> -> memref<1x100xi32, #tpu.memory_space<vmem>>
      %dma_wait3A_64 = tpu.memref_squeeze %dma_wait3A_63 : memref<1x100xi32, #tpu.memory_space<vmem>> -> memref<100xi32, #tpu.memory_space<vmem>>
      %dma_wait3A_65 = arith.constant 0 : i32
      %dma_wait3A_66 = arith.constant 0 : i32
      %dma_wait3A_67 = tpu.memref_slice %arg2[%dma_wait3A_65, %dma_wait3A_66] : memref<10000x128xf32, #tpu.memory_space<hbm>> -> memref<10000x128xf32, #tpu.memory_space<hbm>>
      tpu.wait_indirect_dma semaphore(%arg13 : memref<!tpu.dma_semaphore, #tpu.memory_space<semaphore_mem>>) src(%dma_wait3A_67 : memref<10000x128xf32, #tpu.memory_space<hbm>>) dst(%arg10 : memref<100x128xf32, #tpu.memory_space<vmem>>)
      %add3A_68 = arith.constant 2 : i32
      %add3A_69 = arith.addi %mul3A_46, %add3A_68 : i32
      %lt3A_70 = arith.constant 52 : i32
      %lt3A_71 = arith.cmpi slt, %add3A_69, %lt3A_70 : i32
      %convert_element_type3A_72 = arith.extui %lt3A_71 : i1 to i32
      %cond3A_73 = arith.constant 0 : i32
      %cond3A_74 = arith.cmpi ne, %convert_element_type3A_72, %cond3A_73 : i32
      scf.if %cond3A_74 {
        %add3A_77 = arith.constant 2 : i32
        %add3A_78 = arith.addi %mul3A_46, %add3A_77 : i32
        %dma_start3A_79 = arith.constant 0 : i32
        %dma_start3A_80 = tpu.memref_slice %arg7[%add3A_78, %dma_start3A_79] : memref<52x100xi32, #tpu.memory_space<vmem>> -> memref<1x100xi32, #tpu.memory_space<vmem>>
        %dma_start3A_81 = tpu.memref_squeeze %dma_start3A_80 : memref<1x100xi32, #tpu.memory_space<vmem>> -> memref<100xi32, #tpu.memory_space<vmem>>
        %dma_start3A_82 = arith.constant 0 : i32
        %dma_start3A_83 = arith.constant 0 : i32
        %dma_start3A_84 = tpu.memref_slice %arg2[%dma_start3A_82, %dma_start3A_83] : memref<10000x128xf32, #tpu.memory_space<hbm>> -> memref<10000x128xf32, #tpu.memory_space<hbm>>
        tpu.enqueue_indirect_dma source(%dma_start3A_84 : memref<10000x128xf32, #tpu.memory_space<hbm>>) target(%arg9 : memref<100x128xf32, #tpu.memory_space<vmem>>) offsets(%dma_start3A_81 : memref<100xi32, #tpu.memory_space<vmem>>) semaphore(%arg12 : memref<!tpu.dma_semaphore, #tpu.memory_space<semaphore_mem>>)
      } else {
      }
      %add3A_75 = arith.constant 1 : i32
      %add3A_76 = arith.addi %mul3A_46, %add3A_75 : i32
      "tpu.region"() ({
        %run_scoped3A = tpu.sem_alloc : memref<!tpu.dma_semaphore, #tpu.memory_space<semaphore_mem>>
        %dma_start3A_77 = arith.constant 0 : i32
        %dma_start3A_78 = tpu.memref_slice %arg8[%add3A_76, %dma_start3A_77] : memref<52x100xi32, #tpu.memory_space<vmem>> -> memref<1x100xi32, #tpu.memory_space<vmem>>
        %dma_start3A_79 = tpu.memref_squeeze %dma_start3A_78 : memref<1x100xi32, #tpu.memory_space<vmem>> -> memref<100xi32, #tpu.memory_space<vmem>>
        %dma_start3A_80 = arith.constant 0 : i32
        %dma_start3A_81 = arith.constant 0 : i32
        %dma_start3A_82 = tpu.memref_slice %arg11[%dma_start3A_80, %dma_start3A_81] : memref<10000x128xf32, #tpu.memory_space<vmem_shared>> -> memref<10000x128xf32, #tpu.memory_space<vmem_shared>>
        tpu.enqueue_indirect_dma source(%arg10 : memref<100x128xf32, #tpu.memory_space<vmem>>) target(%dma_start3A_82 : memref<10000x128xf32, #tpu.memory_space<vmem_shared>>) offsets(%dma_start3A_79 : memref<100xi32, #tpu.memory_space<vmem>>) semaphore(%run_scoped3A : memref<!tpu.dma_semaphore, #tpu.memory_space<semaphore_mem>>) {add = true}
        %dma_wait3A_83 = arith.constant 0 : i32
        %dma_wait3A_84 = tpu.memref_slice %arg8[%add3A_76, %dma_wait3A_83] : memref<52x100xi32, #tpu.memory_space<vmem>> -> memref<1x100xi32, #tpu.memory_space<vmem>>
        %dma_wait3A_85 = tpu.memref_squeeze %dma_wait3A_84 : memref<1x100xi32, #tpu.memory_space<vmem>> -> memref<100xi32, #tpu.memory_space<vmem>>
        %dma_wait3A_86 = arith.constant 0 : i32
        %dma_wait3A_87 = arith.constant 0 : i32
        %dma_wait3A_88 = tpu.memref_slice %arg11[%dma_wait3A_86, %dma_wait3A_87] : memref<10000x128xf32, #tpu.memory_space<vmem_shared>> -> memref<10000x128xf32, #tpu.memory_space<vmem_shared>>
        tpu.wait_indirect_dma semaphore(%run_scoped3A : memref<!tpu.dma_semaphore, #tpu.memory_space<semaphore_mem>>) src(%arg10 : memref<100x128xf32, #tpu.memory_space<vmem>>) dst(%dma_wait3A_88 : memref<10000x128xf32, #tpu.memory_space<vmem_shared>>)
        tpu.yield
      }) : () -> ()
    }
    %scan3A_32 = arith.constant 26 : i32
    %barrier3A_33 = arith.constant 0 : index
    tpu.barrier barrier_id(%barrier3A_33)
    %lt3A_34 = arith.constant 15 : i32
    %lt3A_35 = arith.cmpi slt, %arg1, %lt3A_34 : i32
    %convert_element_type3A_36 = arith.extui %lt3A_35 : i1 to i32
    %cond3A_37 = arith.constant 0 : i32
    %cond3A_38 = arith.cmpi ne, %convert_element_type3A_36, %cond3A_37 : i32
    scf.if %cond3A_38 {
      "tpu.region"() ({
        %run_scoped3A = tpu.sem_alloc : memref<!tpu.dma_semaphore, #tpu.memory_space<semaphore_mem>>
        %dma_start3A_44 = arith.constant 0 : i32
        %dma_start3A_45 = tpu.memref_slice %arg6[%arg0, %multiple_of3A, %dma_start3A_44] : memref<2x10000x128xf32, #tpu.memory_space<hbm>> -> memref<1x624x128xf32, #tpu.memory_space<hbm>>
        %dma_start3A_46 = tpu.memref_squeeze %dma_start3A_45 : memref<1x624x128xf32, #tpu.memory_space<hbm>> -> memref<624x128xf32, #tpu.memory_space<hbm>>
        %dma_start3A_47 = arith.constant 0 : i32
        %dma_start3A_48 = tpu.memref_slice %arg11[%multiple_of3A, %dma_start3A_47] : memref<10000x128xf32, #tpu.memory_space<vmem_shared>> -> memref<624x128xf32, #tpu.memory_space<vmem_shared>>
        tpu.enqueue_dma source(%dma_start3A_48 : memref<624x128xf32, #tpu.memory_space<vmem_shared>>) target(%dma_start3A_46 : memref<624x128xf32, #tpu.memory_space<hbm>>) target_semaphore(%run_scoped3A : memref<!tpu.dma_semaphore, #tpu.memory_space<semaphore_mem>>)
        %dma_wait3A = arith.constant 0 : i32
        %dma_wait3A_49 = tpu.memref_slice %arg6[%arg0, %multiple_of3A, %dma_wait3A] : memref<2x10000x128xf32, #tpu.memory_space<hbm>> -> memref<1x624x128xf32, #tpu.memory_space<hbm>>
        %dma_wait3A_50 = tpu.memref_squeeze %dma_wait3A_49 : memref<1x624x128xf32, #tpu.memory_space<hbm>> -> memref<624x128xf32, #tpu.memory_space<hbm>>
        %dma_wait3A_51 = arith.constant 0 : i32
        %dma_wait3A_52 = tpu.memref_slice %arg11[%multiple_of3A, %dma_wait3A_51] : memref<10000x128xf32, #tpu.memory_space<vmem_shared>> -> memref<624x128xf32, #tpu.memory_space<vmem_shared>>
        tpu.wait_dma2 semaphore(%run_scoped3A : memref<!tpu.dma_semaphore, #tpu.memory_space<semaphore_mem>>) src(%dma_wait3A_52 : memref<624x128xf32, #tpu.memory_space<vmem_shared>>) dst(%dma_wait3A_50 : memref<624x128xf32, #tpu.memory_space<hbm>>)
        tpu.yield
      }) : () -> ()
    } else {
    }
    %eq3A_39 = arith.constant 15 : i32
    %eq3A_40 = arith.cmpi eq, %arg1, %eq3A_39 : i32
    %convert_element_type3A_41 = arith.extui %eq3A_40 : i1 to i32
    %cond3A_42 = arith.constant 0 : i32
    %cond3A_43 = arith.cmpi ne, %convert_element_type3A_41, %cond3A_42 : i32
    scf.if %cond3A_43 {
      "tpu.region"() ({
        %run_scoped3A = tpu.sem_alloc : memref<!tpu.dma_semaphore, #tpu.memory_space<semaphore_mem>>
        %dma_start3A_44 = arith.constant 9360 : i32
        %dma_start3A_45 = arith.constant 0 : i32
        %dma_start3A_46 = tpu.memref_slice %arg6[%arg0, %dma_start3A_44, %dma_start3A_45] : memref<2x10000x128xf32, #tpu.memory_space<hbm>> -> memref<1x640x128xf32, #tpu.memory_space<hbm>>
        %dma_start3A_47 = tpu.memref_squeeze %dma_start3A_46 : memref<1x640x128xf32, #tpu.memory_space<hbm>> -> memref<640x128xf32, #tpu.memory_space<hbm>>
        %dma_start3A_48 = arith.constant 9360 : i32
        %dma_start3A_49 = arith.constant 0 : i32
        %dma_start3A_50 = tpu.memref_slice %arg11[%dma_start3A_48, %dma_start3A_49] : memref<10000x128xf32, #tpu.memory_space<vmem_shared>> -> memref<640x128xf32, #tpu.memory_space<vmem_shared>>
        tpu.enqueue_dma source(%dma_start3A_50 : memref<640x128xf32, #tpu.memory_space<vmem_shared>>) target(%dma_start3A_47 : memref<640x128xf32, #tpu.memory_space<hbm>>) target_semaphore(%run_scoped3A : memref<!tpu.dma_semaphore, #tpu.memory_space<semaphore_mem>>)
        %dma_wait3A = arith.constant 9360 : i32
        %dma_wait3A_51 = arith.constant 0 : i32
        %dma_wait3A_52 = tpu.memref_slice %arg6[%arg0, %dma_wait3A, %dma_wait3A_51] : memref<2x10000x128xf32, #tpu.memory_space<hbm>> -> memref<1x640x128xf32, #tpu.memory_space<hbm>>
        %dma_wait3A_53 = tpu.memref_squeeze %dma_wait3A_52 : memref<1x640x128xf32, #tpu.memory_space<hbm>> -> memref<640x128xf32, #tpu.memory_space<hbm>>
        %dma_wait3A_54 = arith.constant 9360 : i32
        %dma_wait3A_55 = arith.constant 0 : i32
        %dma_wait3A_56 = tpu.memref_slice %arg11[%dma_wait3A_54, %dma_wait3A_55] : memref<10000x128xf32, #tpu.memory_space<vmem_shared>> -> memref<640x128xf32, #tpu.memory_space<vmem_shared>>
        tpu.wait_dma2 semaphore(%run_scoped3A : memref<!tpu.dma_semaphore, #tpu.memory_space<semaphore_mem>>) src(%dma_wait3A_56 : memref<640x128xf32, #tpu.memory_space<vmem_shared>>) dst(%dma_wait3A_53 : memref<640x128xf32, #tpu.memory_space<hbm>>)
        tpu.yield
      }) : () -> ()
    } else {
    }
    return
  }
}

#map = affine_map<(d0, d1) -> (0, 0)>
#map1 = affine_map<(d0, d1) -> (0, 0, 0)>
module attributes {stable_mosaic.version = 14 : i64} {
  func.func @_sc_agg(%arg0: i32, %arg1: i32, %arg2: memref<10000x128xf32, #tpu.memory_space<hbm>>, %arg3: memref<32x100x100xi32, #tpu.memory_space<hbm>>, %arg4: memref<32x100x100xi32, #tpu.memory_space<hbm>>, %arg5: memref<640x128xf32, #tpu.memory_space<hbm>>, %arg6: memref<2x10000x128xf32, #tpu.memory_space<hbm>>, %arg7: memref<52x100xi32, #tpu.memory_space<vmem>>, %arg8: memref<52x100xi32, #tpu.memory_space<vmem>>, %arg9: memref<100x128xf32, #tpu.memory_space<vmem>>, %arg10: memref<100x128xf32, #tpu.memory_space<vmem>>, %arg11: memref<10000x128xf32, #tpu.memory_space<vmem_shared>>, %arg12: memref<!tpu.dma_semaphore, #tpu.memory_space<semaphore_mem>>, %arg13: memref<!tpu.dma_semaphore, #tpu.memory_space<semaphore_mem>>) attributes {dimension_semantics = [#tpu.dimension_semantics<core_parallel>, #tpu.dimension_semantics<subcore_parallel>], iteration_bounds = array<i64: 2, 16>, scalar_prefetch = 0 : i64, scratch_operands = 7 : i64, tpu.core_type = #tpu.core_type<sc_vector_subcore>, window_params = [{transform_indices = #map}, {transform_indices = #map1}, {transform_indices = #map1}, {transform_indices = #map}, {transform_indices = #map1}]} {
    %mul3A = arith.constant 2 : i32
    %mul3A_0 = arith.muli %arg1, %mul3A : i32
    %add3A = arith.addi %mul3A_0, %arg0 : i32
    %mul3A_1 = arith.constant 624 : i32
    %mul3A_2 = arith.muli %arg1, %mul3A_1 : i32
    %multiple_of3A = tpu.assume_multiple %mul3A_2, 8 : i32
    %lt3A = arith.constant 15 : i32
    %lt3A_3 = arith.cmpi slt, %arg1, %lt3A : i32
    %convert_element_type3A = arith.extui %lt3A_3 : i1 to i32
    %cond3A = arith.constant 0 : i32
    %cond3A_4 = arith.cmpi ne, %convert_element_type3A, %cond3A : i32
    scf.if %cond3A_4 {
      "tpu.region"() ({
        %run_scoped3A = tpu.sem_alloc : memref<!tpu.dma_semaphore, #tpu.memory_space<semaphore_mem>>
        %dma_start3A_44 = arith.constant 0 : i32
        %dma_start3A_45 = tpu.memref_slice %arg11[%multiple_of3A, %dma_start3A_44] : memref<10000x128xf32, #tpu.memory_space<vmem_shared>> -> memref<624x128xf32, #tpu.memory_space<vmem_shared>>
        %dma_start3A_46 = arith.constant 0 : i32
        %dma_start3A_47 = arith.constant 0 : i32
        %dma_start3A_48 = tpu.memref_slice %arg5[%dma_start3A_46, %dma_start3A_47] : memref<640x128xf32, #tpu.memory_space<hbm>> -> memref<624x128xf32, #tpu.memory_space<hbm>>
        tpu.enqueue_dma source(%dma_start3A_48 : memref<624x128xf32, #tpu.memory_space<hbm>>) target(%dma_start3A_45 : memref<624x128xf32, #tpu.memory_space<vmem_shared>>) target_semaphore(%run_scoped3A : memref<!tpu.dma_semaphore, #tpu.memory_space<semaphore_mem>>)
        %dma_wait3A = arith.constant 0 : i32
        %dma_wait3A_49 = tpu.memref_slice %arg11[%multiple_of3A, %dma_wait3A] : memref<10000x128xf32, #tpu.memory_space<vmem_shared>> -> memref<624x128xf32, #tpu.memory_space<vmem_shared>>
        %dma_wait3A_50 = arith.constant 0 : i32
        %dma_wait3A_51 = arith.constant 0 : i32
        %dma_wait3A_52 = tpu.memref_slice %arg5[%dma_wait3A_50, %dma_wait3A_51] : memref<640x128xf32, #tpu.memory_space<hbm>> -> memref<624x128xf32, #tpu.memory_space<hbm>>
        tpu.wait_dma2 semaphore(%run_scoped3A : memref<!tpu.dma_semaphore, #tpu.memory_space<semaphore_mem>>) src(%dma_wait3A_52 : memref<624x128xf32, #tpu.memory_space<hbm>>) dst(%dma_wait3A_49 : memref<624x128xf32, #tpu.memory_space<vmem_shared>>)
        tpu.yield
      }) : () -> ()
    } else {
    }
    %eq3A = arith.constant 15 : i32
    %eq3A_5 = arith.cmpi eq, %arg1, %eq3A : i32
    %convert_element_type3A_6 = arith.extui %eq3A_5 : i1 to i32
    %cond3A_7 = arith.constant 0 : i32
    %cond3A_8 = arith.cmpi ne, %convert_element_type3A_6, %cond3A_7 : i32
    scf.if %cond3A_8 {
      "tpu.region"() ({
        %run_scoped3A = tpu.sem_alloc : memref<!tpu.dma_semaphore, #tpu.memory_space<semaphore_mem>>
        %dma_start3A_44 = arith.constant 9360 : i32
        %dma_start3A_45 = arith.constant 0 : i32
        %dma_start3A_46 = tpu.memref_slice %arg11[%dma_start3A_44, %dma_start3A_45] : memref<10000x128xf32, #tpu.memory_space<vmem_shared>> -> memref<640x128xf32, #tpu.memory_space<vmem_shared>>
        tpu.enqueue_dma source(%arg5 : memref<640x128xf32, #tpu.memory_space<hbm>>) target(%dma_start3A_46 : memref<640x128xf32, #tpu.memory_space<vmem_shared>>) target_semaphore(%run_scoped3A : memref<!tpu.dma_semaphore, #tpu.memory_space<semaphore_mem>>)
        %dma_wait3A = arith.constant 9360 : i32
        %dma_wait3A_47 = arith.constant 0 : i32
        %dma_wait3A_48 = tpu.memref_slice %arg11[%dma_wait3A, %dma_wait3A_47] : memref<10000x128xf32, #tpu.memory_space<vmem_shared>> -> memref<640x128xf32, #tpu.memory_space<vmem_shared>>
        tpu.wait_dma2 semaphore(%run_scoped3A : memref<!tpu.dma_semaphore, #tpu.memory_space<semaphore_mem>>) src(%arg5 : memref<640x128xf32, #tpu.memory_space<hbm>>) dst(%dma_wait3A_48 : memref<640x128xf32, #tpu.memory_space<vmem_shared>>)
        tpu.yield
      }) : () -> ()
    } else {
    }
    %barrier3A = arith.constant 0 : index
    tpu.barrier barrier_id(%barrier3A)
    "tpu.region"() ({
      %run_scoped3A = tpu.sem_alloc : memref<!tpu.dma_semaphore, #tpu.memory_space<semaphore_mem>>
      %dma_start3A_44 = arith.constant 0 : i32
      %dma_start3A_45 = arith.constant 0 : i32
      %dma_start3A_46 = tpu.memref_slice %arg7[%dma_start3A_44, %dma_start3A_45] : memref<52x100xi32, #tpu.memory_space<vmem>> -> memref<48x100xi32, #tpu.memory_space<vmem>>
      %dma_start3A_47 = arith.constant 0 : i32
      %dma_start3A_48 = arith.constant 0 : i32
      %dma_start3A_49 = tpu.memref_slice %arg3[%add3A, %dma_start3A_47, %dma_start3A_48] : memref<32x100x100xi32, #tpu.memory_space<hbm>> -> memref<1x48x100xi32, #tpu.memory_space<hbm>>
      %dma_start3A_50 = tpu.memref_squeeze %dma_start3A_49 : memref<1x48x100xi32, #tpu.memory_space<hbm>> -> memref<48x100xi32, #tpu.memory_space<hbm>>
      %dma_start3A_51 = arith.constant 0 : i32
      %dma_start3A_52 = arith.constant 0 : i32
      %dma_start3A_53 = tpu.memref_slice %arg7[%dma_start3A_51, %dma_start3A_52] : memref<52x100xi32, #tpu.memory_space<vmem>> -> memref<48x100xi32, #tpu.memory_space<vmem>>
      %dma_start3A_54 = arith.constant 0 : i32
      %dma_start3A_55 = arith.constant 0 : i32
      %dma_start3A_56 = tpu.memref_slice %arg3[%add3A, %dma_start3A_54, %dma_start3A_55] : memref<32x100x100xi32, #tpu.memory_space<hbm>> -> memref<1x48x100xi32, #tpu.memory_space<hbm>>
      %dma_start3A_57 = tpu.memref_squeeze %dma_start3A_56 : memref<1x48x100xi32, #tpu.memory_space<hbm>> -> memref<48x100xi32, #tpu.memory_space<hbm>>
      tpu.enqueue_dma source(%dma_start3A_57 : memref<48x100xi32, #tpu.memory_space<hbm>>) target(%dma_start3A_53 : memref<48x100xi32, #tpu.memory_space<vmem>>) target_semaphore(%run_scoped3A : memref<!tpu.dma_semaphore, #tpu.memory_space<semaphore_mem>>)
      %dma_wait3A = arith.constant 0 : i32
      %dma_wait3A_58 = arith.constant 0 : i32
      %dma_wait3A_59 = tpu.memref_slice %arg7[%dma_wait3A, %dma_wait3A_58] : memref<52x100xi32, #tpu.memory_space<vmem>> -> memref<48x100xi32, #tpu.memory_space<vmem>>
      %dma_wait3A_60 = arith.constant 0 : i32
      %dma_wait3A_61 = arith.constant 0 : i32
      %dma_wait3A_62 = tpu.memref_slice %arg3[%add3A, %dma_wait3A_60, %dma_wait3A_61] : memref<32x100x100xi32, #tpu.memory_space<hbm>> -> memref<1x48x100xi32, #tpu.memory_space<hbm>>
      %dma_wait3A_63 = tpu.memref_squeeze %dma_wait3A_62 : memref<1x48x100xi32, #tpu.memory_space<hbm>> -> memref<48x100xi32, #tpu.memory_space<hbm>>
      %dma_wait3A_64 = arith.constant 0 : i32
      %dma_wait3A_65 = arith.constant 0 : i32
      %dma_wait3A_66 = tpu.memref_slice %arg7[%dma_wait3A_64, %dma_wait3A_65] : memref<52x100xi32, #tpu.memory_space<vmem>> -> memref<48x100xi32, #tpu.memory_space<vmem>>
      %dma_wait3A_67 = arith.constant 0 : i32
      %dma_wait3A_68 = arith.constant 0 : i32
      %dma_wait3A_69 = tpu.memref_slice %arg3[%add3A, %dma_wait3A_67, %dma_wait3A_68] : memref<32x100x100xi32, #tpu.memory_space<hbm>> -> memref<1x48x100xi32, #tpu.memory_space<hbm>>
      %dma_wait3A_70 = tpu.memref_squeeze %dma_wait3A_69 : memref<1x48x100xi32, #tpu.memory_space<hbm>> -> memref<48x100xi32, #tpu.memory_space<hbm>>
      tpu.wait_dma2 semaphore(%run_scoped3A : memref<!tpu.dma_semaphore, #tpu.memory_space<semaphore_mem>>) src(%dma_wait3A_70 : memref<48x100xi32, #tpu.memory_space<hbm>>) dst(%dma_wait3A_66 : memref<48x100xi32, #tpu.memory_space<vmem>>)
      tpu.yield
    }) : () -> ()
    "tpu.region"() ({
      %run_scoped3A = tpu.sem_alloc : memref<!tpu.dma_semaphore, #tpu.memory_space<semaphore_mem>>
      %dma_start3A_44 = arith.constant 0 : i32
      %dma_start3A_45 = arith.constant 0 : i32
      %dma_start3A_46 = tpu.memref_slice %arg8[%dma_start3A_44, %dma_start3A_45] : memref<52x100xi32, #tpu.memory_space<vmem>> -> memref<48x100xi32, #tpu.memory_space<vmem>>
      %dma_start3A_47 = arith.constant 0 : i32
      %dma_start3A_48 = arith.constant 0 : i32
      %dma_start3A_49 = tpu.memref_slice %arg4[%add3A, %dma_start3A_47, %dma_start3A_48] : memref<32x100x100xi32, #tpu.memory_space<hbm>> -> memref<1x48x100xi32, #tpu.memory_space<hbm>>
      %dma_start3A_50 = tpu.memref_squeeze %dma_start3A_49 : memref<1x48x100xi32, #tpu.memory_space<hbm>> -> memref<48x100xi32, #tpu.memory_space<hbm>>
      %dma_start3A_51 = arith.constant 0 : i32
      %dma_start3A_52 = arith.constant 0 : i32
      %dma_start3A_53 = tpu.memref_slice %arg8[%dma_start3A_51, %dma_start3A_52] : memref<52x100xi32, #tpu.memory_space<vmem>> -> memref<48x100xi32, #tpu.memory_space<vmem>>
      %dma_start3A_54 = arith.constant 0 : i32
      %dma_start3A_55 = arith.constant 0 : i32
      %dma_start3A_56 = tpu.memref_slice %arg4[%add3A, %dma_start3A_54, %dma_start3A_55] : memref<32x100x100xi32, #tpu.memory_space<hbm>> -> memref<1x48x100xi32, #tpu.memory_space<hbm>>
      %dma_start3A_57 = tpu.memref_squeeze %dma_start3A_56 : memref<1x48x100xi32, #tpu.memory_space<hbm>> -> memref<48x100xi32, #tpu.memory_space<hbm>>
      tpu.enqueue_dma source(%dma_start3A_57 : memref<48x100xi32, #tpu.memory_space<hbm>>) target(%dma_start3A_53 : memref<48x100xi32, #tpu.memory_space<vmem>>) target_semaphore(%run_scoped3A : memref<!tpu.dma_semaphore, #tpu.memory_space<semaphore_mem>>)
      %dma_wait3A = arith.constant 0 : i32
      %dma_wait3A_58 = arith.constant 0 : i32
      %dma_wait3A_59 = tpu.memref_slice %arg8[%dma_wait3A, %dma_wait3A_58] : memref<52x100xi32, #tpu.memory_space<vmem>> -> memref<48x100xi32, #tpu.memory_space<vmem>>
      %dma_wait3A_60 = arith.constant 0 : i32
      %dma_wait3A_61 = arith.constant 0 : i32
      %dma_wait3A_62 = tpu.memref_slice %arg4[%add3A, %dma_wait3A_60, %dma_wait3A_61] : memref<32x100x100xi32, #tpu.memory_space<hbm>> -> memref<1x48x100xi32, #tpu.memory_space<hbm>>
      %dma_wait3A_63 = tpu.memref_squeeze %dma_wait3A_62 : memref<1x48x100xi32, #tpu.memory_space<hbm>> -> memref<48x100xi32, #tpu.memory_space<hbm>>
      %dma_wait3A_64 = arith.constant 0 : i32
      %dma_wait3A_65 = arith.constant 0 : i32
      %dma_wait3A_66 = tpu.memref_slice %arg8[%dma_wait3A_64, %dma_wait3A_65] : memref<52x100xi32, #tpu.memory_space<vmem>> -> memref<48x100xi32, #tpu.memory_space<vmem>>
      %dma_wait3A_67 = arith.constant 0 : i32
      %dma_wait3A_68 = arith.constant 0 : i32
      %dma_wait3A_69 = tpu.memref_slice %arg4[%add3A, %dma_wait3A_67, %dma_wait3A_68] : memref<32x100x100xi32, #tpu.memory_space<hbm>> -> memref<1x48x100xi32, #tpu.memory_space<hbm>>
      %dma_wait3A_70 = tpu.memref_squeeze %dma_wait3A_69 : memref<1x48x100xi32, #tpu.memory_space<hbm>> -> memref<48x100xi32, #tpu.memory_space<hbm>>
      tpu.wait_dma2 semaphore(%run_scoped3A : memref<!tpu.dma_semaphore, #tpu.memory_space<semaphore_mem>>) src(%dma_wait3A_70 : memref<48x100xi32, #tpu.memory_space<hbm>>) dst(%dma_wait3A_66 : memref<48x100xi32, #tpu.memory_space<vmem>>)
      tpu.yield
    }) : () -> ()
    %dma_start3A = arith.constant 0 : i32
    %dma_start3A_9 = arith.constant 0 : i32
    %dma_start3A_10 = tpu.memref_slice %arg7[%dma_start3A, %dma_start3A_9] : memref<52x100xi32, #tpu.memory_space<vmem>> -> memref<1x100xi32, #tpu.memory_space<vmem>>
    %dma_start3A_11 = tpu.memref_squeeze %dma_start3A_10 : memref<1x100xi32, #tpu.memory_space<vmem>> -> memref<100xi32, #tpu.memory_space<vmem>>
    %dma_start3A_12 = arith.constant 0 : i32
    %dma_start3A_13 = arith.constant 0 : i32
    %dma_start3A_14 = tpu.memref_slice %arg2[%dma_start3A_12, %dma_start3A_13] : memref<10000x128xf32, #tpu.memory_space<hbm>> -> memref<10000x128xf32, #tpu.memory_space<hbm>>
    tpu.enqueue_indirect_dma source(%dma_start3A_14 : memref<10000x128xf32, #tpu.memory_space<hbm>>) target(%arg9 : memref<100x128xf32, #tpu.memory_space<vmem>>) offsets(%dma_start3A_11 : memref<100xi32, #tpu.memory_space<vmem>>) semaphore(%arg12 : memref<!tpu.dma_semaphore, #tpu.memory_space<semaphore_mem>>)
    %scan3A = arith.constant 0 : i32
    %scan3A_15 = arith.constant 0 : i32
    %scan3A_16 = arith.constant 24 : i32
    %scan3A_17 = arith.addi %scan3A_15, %scan3A_16 : i32
    %scan3A_18 = arith.constant 1 : i32
    scf.for %scan3A_44 = %scan3A_15 to %scan3A_17 step %scan3A_18  : i32 {
      %mul3A_45 = arith.constant 2 : i32
      %mul3A_46 = arith.muli %scan3A_44, %mul3A_45 : i32
      %dma_wait3A = arith.constant 0 : i32
      %dma_wait3A_47 = arith.constant 0 : i32
      %dma_wait3A_48 = tpu.memref_slice %arg7[%dma_wait3A, %dma_wait3A_47] : memref<52x100xi32, #tpu.memory_space<vmem>> -> memref<1x100xi32, #tpu.memory_space<vmem>>
      %dma_wait3A_49 = tpu.memref_squeeze %dma_wait3A_48 : memref<1x100xi32, #tpu.memory_space<vmem>> -> memref<100xi32, #tpu.memory_space<vmem>>
      %dma_wait3A_50 = arith.constant 0 : i32
      %dma_wait3A_51 = arith.constant 0 : i32
      %dma_wait3A_52 = tpu.memref_slice %arg2[%dma_wait3A_50, %dma_wait3A_51] : memref<10000x128xf32, #tpu.memory_space<hbm>> -> memref<10000x128xf32, #tpu.memory_space<hbm>>
      tpu.wait_indirect_dma semaphore(%arg12 : memref<!tpu.dma_semaphore, #tpu.memory_space<semaphore_mem>>) src(%dma_wait3A_52 : memref<10000x128xf32, #tpu.memory_space<hbm>>) dst(%arg9 : memref<100x128xf32, #tpu.memory_space<vmem>>)
      %add3A_53 = arith.constant 1 : i32
      %add3A_54 = arith.addi %mul3A_46, %add3A_53 : i32
      %dma_start3A_55 = arith.constant 0 : i32
      %dma_start3A_56 = tpu.memref_slice %arg7[%add3A_54, %dma_start3A_55] : memref<52x100xi32, #tpu.memory_space<vmem>> -> memref<1x100xi32, #tpu.memory_space<vmem>>
      %dma_start3A_57 = tpu.memref_squeeze %dma_start3A_56 : memref<1x100xi32, #tpu.memory_space<vmem>> -> memref<100xi32, #tpu.memory_space<vmem>>
      %dma_start3A_58 = arith.constant 0 : i32
      %dma_start3A_59 = arith.constant 0 : i32
      %dma_start3A_60 = tpu.memref_slice %arg2[%dma_start3A_58, %dma_start3A_59] : memref<10000x128xf32, #tpu.memory_space<hbm>> -> memref<10000x128xf32, #tpu.memory_space<hbm>>
      tpu.enqueue_indirect_dma source(%dma_start3A_60 : memref<10000x128xf32, #tpu.memory_space<hbm>>) target(%arg10 : memref<100x128xf32, #tpu.memory_space<vmem>>) offsets(%dma_start3A_57 : memref<100xi32, #tpu.memory_space<vmem>>) semaphore(%arg13 : memref<!tpu.dma_semaphore, #tpu.memory_space<semaphore_mem>>)
      "tpu.region"() ({
        %run_scoped3A = tpu.sem_alloc : memref<!tpu.dma_semaphore, #tpu.memory_space<semaphore_mem>>
        %dma_start3A_77 = arith.constant 0 : i32
        %dma_start3A_78 = tpu.memref_slice %arg8[%mul3A_46, %dma_start3A_77] : memref<52x100xi32, #tpu.memory_space<vmem>> -> memref<1x100xi32, #tpu.memory_space<vmem>>
        %dma_start3A_79 = tpu.memref_squeeze %dma_start3A_78 : memref<1x100xi32, #tpu.memory_space<vmem>> -> memref<100xi32, #tpu.memory_space<vmem>>
        %dma_start3A_80 = arith.constant 0 : i32
        %dma_start3A_81 = arith.constant 0 : i32
        %dma_start3A_82 = tpu.memref_slice %arg11[%dma_start3A_80, %dma_start3A_81] : memref<10000x128xf32, #tpu.memory_space<vmem_shared>> -> memref<10000x128xf32, #tpu.memory_space<vmem_shared>>
        tpu.enqueue_indirect_dma source(%arg9 : memref<100x128xf32, #tpu.memory_space<vmem>>) target(%dma_start3A_82 : memref<10000x128xf32, #tpu.memory_space<vmem_shared>>) offsets(%dma_start3A_79 : memref<100xi32, #tpu.memory_space<vmem>>) semaphore(%run_scoped3A : memref<!tpu.dma_semaphore, #tpu.memory_space<semaphore_mem>>) {add = true}
        %dma_wait3A_83 = arith.constant 0 : i32
        %dma_wait3A_84 = tpu.memref_slice %arg8[%mul3A_46, %dma_wait3A_83] : memref<52x100xi32, #tpu.memory_space<vmem>> -> memref<1x100xi32, #tpu.memory_space<vmem>>
        %dma_wait3A_85 = tpu.memref_squeeze %dma_wait3A_84 : memref<1x100xi32, #tpu.memory_space<vmem>> -> memref<100xi32, #tpu.memory_space<vmem>>
        %dma_wait3A_86 = arith.constant 0 : i32
        %dma_wait3A_87 = arith.constant 0 : i32
        %dma_wait3A_88 = tpu.memref_slice %arg11[%dma_wait3A_86, %dma_wait3A_87] : memref<10000x128xf32, #tpu.memory_space<vmem_shared>> -> memref<10000x128xf32, #tpu.memory_space<vmem_shared>>
        tpu.wait_indirect_dma semaphore(%run_scoped3A : memref<!tpu.dma_semaphore, #tpu.memory_space<semaphore_mem>>) src(%arg9 : memref<100x128xf32, #tpu.memory_space<vmem>>) dst(%dma_wait3A_88 : memref<10000x128xf32, #tpu.memory_space<vmem_shared>>)
        tpu.yield
      }) : () -> ()
      %dma_wait3A_61 = arith.constant 0 : i32
      %dma_wait3A_62 = arith.constant 0 : i32
      %dma_wait3A_63 = tpu.memref_slice %arg7[%dma_wait3A_61, %dma_wait3A_62] : memref<52x100xi32, #tpu.memory_space<vmem>> -> memref<1x100xi32, #tpu.memory_space<vmem>>
      %dma_wait3A_64 = tpu.memref_squeeze %dma_wait3A_63 : memref<1x100xi32, #tpu.memory_space<vmem>> -> memref<100xi32, #tpu.memory_space<vmem>>
      %dma_wait3A_65 = arith.constant 0 : i32
      %dma_wait3A_66 = arith.constant 0 : i32
      %dma_wait3A_67 = tpu.memref_slice %arg2[%dma_wait3A_65, %dma_wait3A_66] : memref<10000x128xf32, #tpu.memory_space<hbm>> -> memref<10000x128xf32, #tpu.memory_space<hbm>>
      tpu.wait_indirect_dma semaphore(%arg13 : memref<!tpu.dma_semaphore, #tpu.memory_space<semaphore_mem>>) src(%dma_wait3A_67 : memref<10000x128xf32, #tpu.memory_space<hbm>>) dst(%arg10 : memref<100x128xf32, #tpu.memory_space<vmem>>)
      %add3A_68 = arith.constant 2 : i32
      %add3A_69 = arith.addi %mul3A_46, %add3A_68 : i32
      %lt3A_70 = arith.constant 48 : i32
      %lt3A_71 = arith.cmpi slt, %add3A_69, %lt3A_70 : i32
      %convert_element_type3A_72 = arith.extui %lt3A_71 : i1 to i32
      %cond3A_73 = arith.constant 0 : i32
      %cond3A_74 = arith.cmpi ne, %convert_element_type3A_72, %cond3A_73 : i32
      scf.if %cond3A_74 {
        %add3A_77 = arith.constant 2 : i32
        %add3A_78 = arith.addi %mul3A_46, %add3A_77 : i32
        %dma_start3A_79 = arith.constant 0 : i32
        %dma_start3A_80 = tpu.memref_slice %arg7[%add3A_78, %dma_start3A_79] : memref<52x100xi32, #tpu.memory_space<vmem>> -> memref<1x100xi32, #tpu.memory_space<vmem>>
        %dma_start3A_81 = tpu.memref_squeeze %dma_start3A_80 : memref<1x100xi32, #tpu.memory_space<vmem>> -> memref<100xi32, #tpu.memory_space<vmem>>
        %dma_start3A_82 = arith.constant 0 : i32
        %dma_start3A_83 = arith.constant 0 : i32
        %dma_start3A_84 = tpu.memref_slice %arg2[%dma_start3A_82, %dma_start3A_83] : memref<10000x128xf32, #tpu.memory_space<hbm>> -> memref<10000x128xf32, #tpu.memory_space<hbm>>
        tpu.enqueue_indirect_dma source(%dma_start3A_84 : memref<10000x128xf32, #tpu.memory_space<hbm>>) target(%arg9 : memref<100x128xf32, #tpu.memory_space<vmem>>) offsets(%dma_start3A_81 : memref<100xi32, #tpu.memory_space<vmem>>) semaphore(%arg12 : memref<!tpu.dma_semaphore, #tpu.memory_space<semaphore_mem>>)
      } else {
      }
      %add3A_75 = arith.constant 1 : i32
      %add3A_76 = arith.addi %mul3A_46, %add3A_75 : i32
      "tpu.region"() ({
        %run_scoped3A = tpu.sem_alloc : memref<!tpu.dma_semaphore, #tpu.memory_space<semaphore_mem>>
        %dma_start3A_77 = arith.constant 0 : i32
        %dma_start3A_78 = tpu.memref_slice %arg8[%add3A_76, %dma_start3A_77] : memref<52x100xi32, #tpu.memory_space<vmem>> -> memref<1x100xi32, #tpu.memory_space<vmem>>
        %dma_start3A_79 = tpu.memref_squeeze %dma_start3A_78 : memref<1x100xi32, #tpu.memory_space<vmem>> -> memref<100xi32, #tpu.memory_space<vmem>>
        %dma_start3A_80 = arith.constant 0 : i32
        %dma_start3A_81 = arith.constant 0 : i32
        %dma_start3A_82 = tpu.memref_slice %arg11[%dma_start3A_80, %dma_start3A_81] : memref<10000x128xf32, #tpu.memory_space<vmem_shared>> -> memref<10000x128xf32, #tpu.memory_space<vmem_shared>>
        tpu.enqueue_indirect_dma source(%arg10 : memref<100x128xf32, #tpu.memory_space<vmem>>) target(%dma_start3A_82 : memref<10000x128xf32, #tpu.memory_space<vmem_shared>>) offsets(%dma_start3A_79 : memref<100xi32, #tpu.memory_space<vmem>>) semaphore(%run_scoped3A : memref<!tpu.dma_semaphore, #tpu.memory_space<semaphore_mem>>) {add = true}
        %dma_wait3A_83 = arith.constant 0 : i32
        %dma_wait3A_84 = tpu.memref_slice %arg8[%add3A_76, %dma_wait3A_83] : memref<52x100xi32, #tpu.memory_space<vmem>> -> memref<1x100xi32, #tpu.memory_space<vmem>>
        %dma_wait3A_85 = tpu.memref_squeeze %dma_wait3A_84 : memref<1x100xi32, #tpu.memory_space<vmem>> -> memref<100xi32, #tpu.memory_space<vmem>>
        %dma_wait3A_86 = arith.constant 0 : i32
        %dma_wait3A_87 = arith.constant 0 : i32
        %dma_wait3A_88 = tpu.memref_slice %arg11[%dma_wait3A_86, %dma_wait3A_87] : memref<10000x128xf32, #tpu.memory_space<vmem_shared>> -> memref<10000x128xf32, #tpu.memory_space<vmem_shared>>
        tpu.wait_indirect_dma semaphore(%run_scoped3A : memref<!tpu.dma_semaphore, #tpu.memory_space<semaphore_mem>>) src(%arg10 : memref<100x128xf32, #tpu.memory_space<vmem>>) dst(%dma_wait3A_88 : memref<10000x128xf32, #tpu.memory_space<vmem_shared>>)
        tpu.yield
      }) : () -> ()
    }
    %scan3A_19 = arith.constant 24 : i32
    "tpu.region"() ({
      %run_scoped3A = tpu.sem_alloc : memref<!tpu.dma_semaphore, #tpu.memory_space<semaphore_mem>>
      %dma_start3A_44 = arith.constant 0 : i32
      %dma_start3A_45 = arith.constant 0 : i32
      %dma_start3A_46 = tpu.memref_slice %arg7[%dma_start3A_44, %dma_start3A_45] : memref<52x100xi32, #tpu.memory_space<vmem>> -> memref<52x100xi32, #tpu.memory_space<vmem>>
      %dma_start3A_47 = arith.constant 48 : i32
      %dma_start3A_48 = arith.constant 0 : i32
      %dma_start3A_49 = tpu.memref_slice %arg3[%add3A, %dma_start3A_47, %dma_start3A_48] : memref<32x100x100xi32, #tpu.memory_space<hbm>> -> memref<1x52x100xi32, #tpu.memory_space<hbm>>
      %dma_start3A_50 = tpu.memref_squeeze %dma_start3A_49 : memref<1x52x100xi32, #tpu.memory_space<hbm>> -> memref<52x100xi32, #tpu.memory_space<hbm>>
      %dma_start3A_51 = arith.constant 0 : i32
      %dma_start3A_52 = arith.constant 0 : i32
      %dma_start3A_53 = tpu.memref_slice %arg7[%dma_start3A_51, %dma_start3A_52] : memref<52x100xi32, #tpu.memory_space<vmem>> -> memref<52x100xi32, #tpu.memory_space<vmem>>
      %dma_start3A_54 = arith.constant 48 : i32
      %dma_start3A_55 = arith.constant 0 : i32
      %dma_start3A_56 = tpu.memref_slice %arg3[%add3A, %dma_start3A_54, %dma_start3A_55] : memref<32x100x100xi32, #tpu.memory_space<hbm>> -> memref<1x52x100xi32, #tpu.memory_space<hbm>>
      %dma_start3A_57 = tpu.memref_squeeze %dma_start3A_56 : memref<1x52x100xi32, #tpu.memory_space<hbm>> -> memref<52x100xi32, #tpu.memory_space<hbm>>
      tpu.enqueue_dma source(%dma_start3A_57 : memref<52x100xi32, #tpu.memory_space<hbm>>) target(%dma_start3A_53 : memref<52x100xi32, #tpu.memory_space<vmem>>) target_semaphore(%run_scoped3A : memref<!tpu.dma_semaphore, #tpu.memory_space<semaphore_mem>>)
      %dma_wait3A = arith.constant 0 : i32
      %dma_wait3A_58 = arith.constant 0 : i32
      %dma_wait3A_59 = tpu.memref_slice %arg7[%dma_wait3A, %dma_wait3A_58] : memref<52x100xi32, #tpu.memory_space<vmem>> -> memref<52x100xi32, #tpu.memory_space<vmem>>
      %dma_wait3A_60 = arith.constant 48 : i32
      %dma_wait3A_61 = arith.constant 0 : i32
      %dma_wait3A_62 = tpu.memref_slice %arg3[%add3A, %dma_wait3A_60, %dma_wait3A_61] : memref<32x100x100xi32, #tpu.memory_space<hbm>> -> memref<1x52x100xi32, #tpu.memory_space<hbm>>
      %dma_wait3A_63 = tpu.memref_squeeze %dma_wait3A_62 : memref<1x52x100xi32, #tpu.memory_space<hbm>> -> memref<52x100xi32, #tpu.memory_space<hbm>>
      %dma_wait3A_64 = arith.constant 0 : i32
      %dma_wait3A_65 = arith.constant 0 : i32
      %dma_wait3A_66 = tpu.memref_slice %arg7[%dma_wait3A_64, %dma_wait3A_65] : memref<52x100xi32, #tpu.memory_space<vmem>> -> memref<52x100xi32, #tpu.memory_space<vmem>>
      %dma_wait3A_67 = arith.constant 48 : i32
      %dma_wait3A_68 = arith.constant 0 : i32
      %dma_wait3A_69 = tpu.memref_slice %arg3[%add3A, %dma_wait3A_67, %dma_wait3A_68] : memref<32x100x100xi32, #tpu.memory_space<hbm>> -> memref<1x52x100xi32, #tpu.memory_space<hbm>>
      %dma_wait3A_70 = tpu.memref_squeeze %dma_wait3A_69 : memref<1x52x100xi32, #tpu.memory_space<hbm>> -> memref<52x100xi32, #tpu.memory_space<hbm>>
      tpu.wait_dma2 semaphore(%run_scoped3A : memref<!tpu.dma_semaphore, #tpu.memory_space<semaphore_mem>>) src(%dma_wait3A_70 : memref<52x100xi32, #tpu.memory_space<hbm>>) dst(%dma_wait3A_66 : memref<52x100xi32, #tpu.memory_space<vmem>>)
      tpu.yield
    }) : () -> ()
    "tpu.region"() ({
      %run_scoped3A = tpu.sem_alloc : memref<!tpu.dma_semaphore, #tpu.memory_space<semaphore_mem>>
      %dma_start3A_44 = arith.constant 0 : i32
      %dma_start3A_45 = arith.constant 0 : i32
      %dma_start3A_46 = tpu.memref_slice %arg8[%dma_start3A_44, %dma_start3A_45] : memref<52x100xi32, #tpu.memory_space<vmem>> -> memref<52x100xi32, #tpu.memory_space<vmem>>
      %dma_start3A_47 = arith.constant 48 : i32
      %dma_start3A_48 = arith.constant 0 : i32
      %dma_start3A_49 = tpu.memref_slice %arg4[%add3A, %dma_start3A_47, %dma_start3A_48] : memref<32x100x100xi32, #tpu.memory_space<hbm>> -> memref<1x52x100xi32, #tpu.memory_space<hbm>>
      %dma_start3A_50 = tpu.memref_squeeze %dma_start3A_49 : memref<1x52x100xi32, #tpu.memory_space<hbm>> -> memref<52x100xi32, #tpu.memory_space<hbm>>
      %dma_start3A_51 = arith.constant 0 : i32
      %dma_start3A_52 = arith.constant 0 : i32
      %dma_start3A_53 = tpu.memref_slice %arg8[%dma_start3A_51, %dma_start3A_52] : memref<52x100xi32, #tpu.memory_space<vmem>> -> memref<52x100xi32, #tpu.memory_space<vmem>>
      %dma_start3A_54 = arith.constant 48 : i32
      %dma_start3A_55 = arith.constant 0 : i32
      %dma_start3A_56 = tpu.memref_slice %arg4[%add3A, %dma_start3A_54, %dma_start3A_55] : memref<32x100x100xi32, #tpu.memory_space<hbm>> -> memref<1x52x100xi32, #tpu.memory_space<hbm>>
      %dma_start3A_57 = tpu.memref_squeeze %dma_start3A_56 : memref<1x52x100xi32, #tpu.memory_space<hbm>> -> memref<52x100xi32, #tpu.memory_space<hbm>>
      tpu.enqueue_dma source(%dma_start3A_57 : memref<52x100xi32, #tpu.memory_space<hbm>>) target(%dma_start3A_53 : memref<52x100xi32, #tpu.memory_space<vmem>>) target_semaphore(%run_scoped3A : memref<!tpu.dma_semaphore, #tpu.memory_space<semaphore_mem>>)
      %dma_wait3A = arith.constant 0 : i32
      %dma_wait3A_58 = arith.constant 0 : i32
      %dma_wait3A_59 = tpu.memref_slice %arg8[%dma_wait3A, %dma_wait3A_58] : memref<52x100xi32, #tpu.memory_space<vmem>> -> memref<52x100xi32, #tpu.memory_space<vmem>>
      %dma_wait3A_60 = arith.constant 48 : i32
      %dma_wait3A_61 = arith.constant 0 : i32
      %dma_wait3A_62 = tpu.memref_slice %arg4[%add3A, %dma_wait3A_60, %dma_wait3A_61] : memref<32x100x100xi32, #tpu.memory_space<hbm>> -> memref<1x52x100xi32, #tpu.memory_space<hbm>>
      %dma_wait3A_63 = tpu.memref_squeeze %dma_wait3A_62 : memref<1x52x100xi32, #tpu.memory_space<hbm>> -> memref<52x100xi32, #tpu.memory_space<hbm>>
      %dma_wait3A_64 = arith.constant 0 : i32
      %dma_wait3A_65 = arith.constant 0 : i32
      %dma_wait3A_66 = tpu.memref_slice %arg8[%dma_wait3A_64, %dma_wait3A_65] : memref<52x100xi32, #tpu.memory_space<vmem>> -> memref<52x100xi32, #tpu.memory_space<vmem>>
      %dma_wait3A_67 = arith.constant 48 : i32
      %dma_wait3A_68 = arith.constant 0 : i32
      %dma_wait3A_69 = tpu.memref_slice %arg4[%add3A, %dma_wait3A_67, %dma_wait3A_68] : memref<32x100x100xi32, #tpu.memory_space<hbm>> -> memref<1x52x100xi32, #tpu.memory_space<hbm>>
      %dma_wait3A_70 = tpu.memref_squeeze %dma_wait3A_69 : memref<1x52x100xi32, #tpu.memory_space<hbm>> -> memref<52x100xi32, #tpu.memory_space<hbm>>
      tpu.wait_dma2 semaphore(%run_scoped3A : memref<!tpu.dma_semaphore, #tpu.memory_space<semaphore_mem>>) src(%dma_wait3A_70 : memref<52x100xi32, #tpu.memory_space<hbm>>) dst(%dma_wait3A_66 : memref<52x100xi32, #tpu.memory_space<vmem>>)
      tpu.yield
    }) : () -> ()
    %dma_start3A_20 = arith.constant 0 : i32
    %dma_start3A_21 = arith.constant 0 : i32
    %dma_start3A_22 = tpu.memref_slice %arg7[%dma_start3A_20, %dma_start3A_21] : memref<52x100xi32, #tpu.memory_space<vmem>> -> memref<1x100xi32, #tpu.memory_space<vmem>>
    %dma_start3A_23 = tpu.memref_squeeze %dma_start3A_22 : memref<1x100xi32, #tpu.memory_space<vmem>> -> memref<100xi32, #tpu.memory_space<vmem>>
    %dma_start3A_24 = arith.constant 0 : i32
    %dma_start3A_25 = arith.constant 0 : i32
    %dma_start3A_26 = tpu.memref_slice %arg2[%dma_start3A_24, %dma_start3A_25] : memref<10000x128xf32, #tpu.memory_space<hbm>> -> memref<10000x128xf32, #tpu.memory_space<hbm>>
    tpu.enqueue_indirect_dma source(%dma_start3A_26 : memref<10000x128xf32, #tpu.memory_space<hbm>>) target(%arg9 : memref<100x128xf32, #tpu.memory_space<vmem>>) offsets(%dma_start3A_23 : memref<100xi32, #tpu.memory_space<vmem>>) semaphore(%arg12 : memref<!tpu.dma_semaphore, #tpu.memory_space<semaphore_mem>>)
    %scan3A_27 = arith.constant 0 : i32
    %scan3A_28 = arith.constant 0 : i32
    %scan3A_29 = arith.constant 26 : i32
    %scan3A_30 = arith.addi %scan3A_28, %scan3A_29 : i32
    %scan3A_31 = arith.constant 1 : i32
    scf.for %scan3A_44 = %scan3A_28 to %scan3A_30 step %scan3A_31  : i32 {
      %mul3A_45 = arith.constant 2 : i32
      %mul3A_46 = arith.muli %scan3A_44, %mul3A_45 : i32
      %dma_wait3A = arith.constant 0 : i32
      %dma_wait3A_47 = arith.constant 0 : i32
      %dma_wait3A_48 = tpu.memref_slice %arg7[%dma_wait3A, %dma_wait3A_47] : memref<52x100xi32, #tpu.memory_space<vmem>> -> memref<1x100xi32, #tpu.memory_space<vmem>>
      %dma_wait3A_49 = tpu.memref_squeeze %dma_wait3A_48 : memref<1x100xi32, #tpu.memory_space<vmem>> -> memref<100xi32, #tpu.memory_space<vmem>>
      %dma_wait3A_50 = arith.constant 0 : i32
      %dma_wait3A_51 = arith.constant 0 : i32
      %dma_wait3A_52 = tpu.memref_slice %arg2[%dma_wait3A_50, %dma_wait3A_51] : memref<10000x128xf32, #tpu.memory_space<hbm>> -> memref<10000x128xf32, #tpu.memory_space<hbm>>
      tpu.wait_indirect_dma semaphore(%arg12 : memref<!tpu.dma_semaphore, #tpu.memory_space<semaphore_mem>>) src(%dma_wait3A_52 : memref<10000x128xf32, #tpu.memory_space<hbm>>) dst(%arg9 : memref<100x128xf32, #tpu.memory_space<vmem>>)
      %add3A_53 = arith.constant 1 : i32
      %add3A_54 = arith.addi %mul3A_46, %add3A_53 : i32
      %dma_start3A_55 = arith.constant 0 : i32
      %dma_start3A_56 = tpu.memref_slice %arg7[%add3A_54, %dma_start3A_55] : memref<52x100xi32, #tpu.memory_space<vmem>> -> memref<1x100xi32, #tpu.memory_space<vmem>>
      %dma_start3A_57 = tpu.memref_squeeze %dma_start3A_56 : memref<1x100xi32, #tpu.memory_space<vmem>> -> memref<100xi32, #tpu.memory_space<vmem>>
      %dma_start3A_58 = arith.constant 0 : i32
      %dma_start3A_59 = arith.constant 0 : i32
      %dma_start3A_60 = tpu.memref_slice %arg2[%dma_start3A_58, %dma_start3A_59] : memref<10000x128xf32, #tpu.memory_space<hbm>> -> memref<10000x128xf32, #tpu.memory_space<hbm>>
      tpu.enqueue_indirect_dma source(%dma_start3A_60 : memref<10000x128xf32, #tpu.memory_space<hbm>>) target(%arg10 : memref<100x128xf32, #tpu.memory_space<vmem>>) offsets(%dma_start3A_57 : memref<100xi32, #tpu.memory_space<vmem>>) semaphore(%arg13 : memref<!tpu.dma_semaphore, #tpu.memory_space<semaphore_mem>>)
      "tpu.region"() ({
        %run_scoped3A = tpu.sem_alloc : memref<!tpu.dma_semaphore, #tpu.memory_space<semaphore_mem>>
        %dma_start3A_77 = arith.constant 0 : i32
        %dma_start3A_78 = tpu.memref_slice %arg8[%mul3A_46, %dma_start3A_77] : memref<52x100xi32, #tpu.memory_space<vmem>> -> memref<1x100xi32, #tpu.memory_space<vmem>>
        %dma_start3A_79 = tpu.memref_squeeze %dma_start3A_78 : memref<1x100xi32, #tpu.memory_space<vmem>> -> memref<100xi32, #tpu.memory_space<vmem>>
        %dma_start3A_80 = arith.constant 0 : i32
        %dma_start3A_81 = arith.constant 0 : i32
        %dma_start3A_82 = tpu.memref_slice %arg11[%dma_start3A_80, %dma_start3A_81] : memref<10000x128xf32, #tpu.memory_space<vmem_shared>> -> memref<10000x128xf32, #tpu.memory_space<vmem_shared>>
        tpu.enqueue_indirect_dma source(%arg9 : memref<100x128xf32, #tpu.memory_space<vmem>>) target(%dma_start3A_82 : memref<10000x128xf32, #tpu.memory_space<vmem_shared>>) offsets(%dma_start3A_79 : memref<100xi32, #tpu.memory_space<vmem>>) semaphore(%run_scoped3A : memref<!tpu.dma_semaphore, #tpu.memory_space<semaphore_mem>>) {add = true}
        %dma_wait3A_83 = arith.constant 0 : i32
        %dma_wait3A_84 = tpu.memref_slice %arg8[%mul3A_46, %dma_wait3A_83] : memref<52x100xi32, #tpu.memory_space<vmem>> -> memref<1x100xi32, #tpu.memory_space<vmem>>
        %dma_wait3A_85 = tpu.memref_squeeze %dma_wait3A_84 : memref<1x100xi32, #tpu.memory_space<vmem>> -> memref<100xi32, #tpu.memory_space<vmem>>
        %dma_wait3A_86 = arith.constant 0 : i32
        %dma_wait3A_87 = arith.constant 0 : i32
        %dma_wait3A_88 = tpu.memref_slice %arg11[%dma_wait3A_86, %dma_wait3A_87] : memref<10000x128xf32, #tpu.memory_space<vmem_shared>> -> memref<10000x128xf32, #tpu.memory_space<vmem_shared>>
        tpu.wait_indirect_dma semaphore(%run_scoped3A : memref<!tpu.dma_semaphore, #tpu.memory_space<semaphore_mem>>) src(%arg9 : memref<100x128xf32, #tpu.memory_space<vmem>>) dst(%dma_wait3A_88 : memref<10000x128xf32, #tpu.memory_space<vmem_shared>>)
        tpu.yield
      }) : () -> ()
      %dma_wait3A_61 = arith.constant 0 : i32
      %dma_wait3A_62 = arith.constant 0 : i32
      %dma_wait3A_63 = tpu.memref_slice %arg7[%dma_wait3A_61, %dma_wait3A_62] : memref<52x100xi32, #tpu.memory_space<vmem>> -> memref<1x100xi32, #tpu.memory_space<vmem>>
      %dma_wait3A_64 = tpu.memref_squeeze %dma_wait3A_63 : memref<1x100xi32, #tpu.memory_space<vmem>> -> memref<100xi32, #tpu.memory_space<vmem>>
      %dma_wait3A_65 = arith.constant 0 : i32
      %dma_wait3A_66 = arith.constant 0 : i32
      %dma_wait3A_67 = tpu.memref_slice %arg2[%dma_wait3A_65, %dma_wait3A_66] : memref<10000x128xf32, #tpu.memory_space<hbm>> -> memref<10000x128xf32, #tpu.memory_space<hbm>>
      tpu.wait_indirect_dma semaphore(%arg13 : memref<!tpu.dma_semaphore, #tpu.memory_space<semaphore_mem>>) src(%dma_wait3A_67 : memref<10000x128xf32, #tpu.memory_space<hbm>>) dst(%arg10 : memref<100x128xf32, #tpu.memory_space<vmem>>)
      %add3A_68 = arith.constant 2 : i32
      %add3A_69 = arith.addi %mul3A_46, %add3A_68 : i32
      %lt3A_70 = arith.constant 52 : i32
      %lt3A_71 = arith.cmpi slt, %add3A_69, %lt3A_70 : i32
      %convert_element_type3A_72 = arith.extui %lt3A_71 : i1 to i32
      %cond3A_73 = arith.constant 0 : i32
      %cond3A_74 = arith.cmpi ne, %convert_element_type3A_72, %cond3A_73 : i32
      scf.if %cond3A_74 {
        %add3A_77 = arith.constant 2 : i32
        %add3A_78 = arith.addi %mul3A_46, %add3A_77 : i32
        %dma_start3A_79 = arith.constant 0 : i32
        %dma_start3A_80 = tpu.memref_slice %arg7[%add3A_78, %dma_start3A_79] : memref<52x100xi32, #tpu.memory_space<vmem>> -> memref<1x100xi32, #tpu.memory_space<vmem>>
        %dma_start3A_81 = tpu.memref_squeeze %dma_start3A_80 : memref<1x100xi32, #tpu.memory_space<vmem>> -> memref<100xi32, #tpu.memory_space<vmem>>
        %dma_start3A_82 = arith.constant 0 : i32
        %dma_start3A_83 = arith.constant 0 : i32
        %dma_start3A_84 = tpu.memref_slice %arg2[%dma_start3A_82, %dma_start3A_83] : memref<10000x128xf32, #tpu.memory_space<hbm>> -> memref<10000x128xf32, #tpu.memory_space<hbm>>
        tpu.enqueue_indirect_dma source(%dma_start3A_84 : memref<10000x128xf32, #tpu.memory_space<hbm>>) target(%arg9 : memref<100x128xf32, #tpu.memory_space<vmem>>) offsets(%dma_start3A_81 : memref<100xi32, #tpu.memory_space<vmem>>) semaphore(%arg12 : memref<!tpu.dma_semaphore, #tpu.memory_space<semaphore_mem>>)
      } else {
      }
      %add3A_75 = arith.constant 1 : i32
      %add3A_76 = arith.addi %mul3A_46, %add3A_75 : i32
      "tpu.region"() ({
        %run_scoped3A = tpu.sem_alloc : memref<!tpu.dma_semaphore, #tpu.memory_space<semaphore_mem>>
        %dma_start3A_77 = arith.constant 0 : i32
        %dma_start3A_78 = tpu.memref_slice %arg8[%add3A_76, %dma_start3A_77] : memref<52x100xi32, #tpu.memory_space<vmem>> -> memref<1x100xi32, #tpu.memory_space<vmem>>
        %dma_start3A_79 = tpu.memref_squeeze %dma_start3A_78 : memref<1x100xi32, #tpu.memory_space<vmem>> -> memref<100xi32, #tpu.memory_space<vmem>>
        %dma_start3A_80 = arith.constant 0 : i32
        %dma_start3A_81 = arith.constant 0 : i32
        %dma_start3A_82 = tpu.memref_slice %arg11[%dma_start3A_80, %dma_start3A_81] : memref<10000x128xf32, #tpu.memory_space<vmem_shared>> -> memref<10000x128xf32, #tpu.memory_space<vmem_shared>>
        tpu.enqueue_indirect_dma source(%arg10 : memref<100x128xf32, #tpu.memory_space<vmem>>) target(%dma_start3A_82 : memref<10000x128xf32, #tpu.memory_space<vmem_shared>>) offsets(%dma_start3A_79 : memref<100xi32, #tpu.memory_space<vmem>>) semaphore(%run_scoped3A : memref<!tpu.dma_semaphore, #tpu.memory_space<semaphore_mem>>) {add = true}
        %dma_wait3A_83 = arith.constant 0 : i32
        %dma_wait3A_84 = tpu.memref_slice %arg8[%add3A_76, %dma_wait3A_83] : memref<52x100xi32, #tpu.memory_space<vmem>> -> memref<1x100xi32, #tpu.memory_space<vmem>>
        %dma_wait3A_85 = tpu.memref_squeeze %dma_wait3A_84 : memref<1x100xi32, #tpu.memory_space<vmem>> -> memref<100xi32, #tpu.memory_space<vmem>>
        %dma_wait3A_86 = arith.constant 0 : i32
        %dma_wait3A_87 = arith.constant 0 : i32
        %dma_wait3A_88 = tpu.memref_slice %arg11[%dma_wait3A_86, %dma_wait3A_87] : memref<10000x128xf32, #tpu.memory_space<vmem_shared>> -> memref<10000x128xf32, #tpu.memory_space<vmem_shared>>
        tpu.wait_indirect_dma semaphore(%run_scoped3A : memref<!tpu.dma_semaphore, #tpu.memory_space<semaphore_mem>>) src(%arg10 : memref<100x128xf32, #tpu.memory_space<vmem>>) dst(%dma_wait3A_88 : memref<10000x128xf32, #tpu.memory_space<vmem_shared>>)
        tpu.yield
      }) : () -> ()
    }
    %scan3A_32 = arith.constant 26 : i32
    %barrier3A_33 = arith.constant 0 : index
    tpu.barrier barrier_id(%barrier3A_33)
    %lt3A_34 = arith.constant 15 : i32
    %lt3A_35 = arith.cmpi slt, %arg1, %lt3A_34 : i32
    %convert_element_type3A_36 = arith.extui %lt3A_35 : i1 to i32
    %cond3A_37 = arith.constant 0 : i32
    %cond3A_38 = arith.cmpi ne, %convert_element_type3A_36, %cond3A_37 : i32
    scf.if %cond3A_38 {
      "tpu.region"() ({
        %run_scoped3A = tpu.sem_alloc : memref<!tpu.dma_semaphore, #tpu.memory_space<semaphore_mem>>
        %dma_start3A_44 = arith.constant 0 : i32
        %dma_start3A_45 = tpu.memref_slice %arg6[%arg0, %multiple_of3A, %dma_start3A_44] : memref<2x10000x128xf32, #tpu.memory_space<hbm>> -> memref<1x624x128xf32, #tpu.memory_space<hbm>>
        %dma_start3A_46 = tpu.memref_squeeze %dma_start3A_45 : memref<1x624x128xf32, #tpu.memory_space<hbm>> -> memref<624x128xf32, #tpu.memory_space<hbm>>
        %dma_start3A_47 = arith.constant 0 : i32
        %dma_start3A_48 = tpu.memref_slice %arg11[%multiple_of3A, %dma_start3A_47] : memref<10000x128xf32, #tpu.memory_space<vmem_shared>> -> memref<624x128xf32, #tpu.memory_space<vmem_shared>>
        tpu.enqueue_dma source(%dma_start3A_48 : memref<624x128xf32, #tpu.memory_space<vmem_shared>>) target(%dma_start3A_46 : memref<624x128xf32, #tpu.memory_space<hbm>>) target_semaphore(%run_scoped3A : memref<!tpu.dma_semaphore, #tpu.memory_space<semaphore_mem>>)
        %dma_wait3A = arith.constant 0 : i32
        %dma_wait3A_49 = tpu.memref_slice %arg6[%arg0, %multiple_of3A, %dma_wait3A] : memref<2x10000x128xf32, #tpu.memory_space<hbm>> -> memref<1x624x128xf32, #tpu.memory_space<hbm>>
        %dma_wait3A_50 = tpu.memref_squeeze %dma_wait3A_49 : memref<1x624x128xf32, #tpu.memory_space<hbm>> -> memref<624x128xf32, #tpu.memory_space<hbm>>
        %dma_wait3A_51 = arith.constant 0 : i32
        %dma_wait3A_52 = tpu.memref_slice %arg11[%multiple_of3A, %dma_wait3A_51] : memref<10000x128xf32, #tpu.memory_space<vmem_shared>> -> memref<624x128xf32, #tpu.memory_space<vmem_shared>>
        tpu.wait_dma2 semaphore(%run_scoped3A : memref<!tpu.dma_semaphore, #tpu.memory_space<semaphore_mem>>) src(%dma_wait3A_52 : memref<624x128xf32, #tpu.memory_space<vmem_shared>>) dst(%dma_wait3A_50 : memref<624x128xf32, #tpu.memory_space<hbm>>)
        tpu.yield
      }) : () -> ()
    } else {
    }
    %eq3A_39 = arith.constant 15 : i32
    %eq3A_40 = arith.cmpi eq, %arg1, %eq3A_39 : i32
    %convert_element_type3A_41 = arith.extui %eq3A_40 : i1 to i32
    %cond3A_42 = arith.constant 0 : i32
    %cond3A_43 = arith.cmpi ne, %convert_element_type3A_41, %cond3A_42 : i32
    scf.if %cond3A_43 {
      "tpu.region"() ({
        %run_scoped3A = tpu.sem_alloc : memref<!tpu.dma_semaphore, #tpu.memory_space<semaphore_mem>>
        %dma_start3A_44 = arith.constant 9360 : i32
        %dma_start3A_45 = arith.constant 0 : i32
        %dma_start3A_46 = tpu.memref_slice %arg6[%arg0, %dma_start3A_44, %dma_start3A_45] : memref<2x10000x128xf32, #tpu.memory_space<hbm>> -> memref<1x640x128xf32, #tpu.memory_space<hbm>>
        %dma_start3A_47 = tpu.memref_squeeze %dma_start3A_46 : memref<1x640x128xf32, #tpu.memory_space<hbm>> -> memref<640x128xf32, #tpu.memory_space<hbm>>
        %dma_start3A_48 = arith.constant 9360 : i32
        %dma_start3A_49 = arith.constant 0 : i32
        %dma_start3A_50 = tpu.memref_slice %arg11[%dma_start3A_48, %dma_start3A_49] : memref<10000x128xf32, #tpu.memory_space<vmem_shared>> -> memref<640x128xf32, #tpu.memory_space<vmem_shared>>
        tpu.enqueue_dma source(%dma_start3A_50 : memref<640x128xf32, #tpu.memory_space<vmem_shared>>) target(%dma_start3A_47 : memref<640x128xf32, #tpu.memory_space<hbm>>) target_semaphore(%run_scoped3A : memref<!tpu.dma_semaphore, #tpu.memory_space<semaphore_mem>>)
        %dma_wait3A = arith.constant 9360 : i32
        %dma_wait3A_51 = arith.constant 0 : i32
        %dma_wait3A_52 = tpu.memref_slice %arg6[%arg0, %dma_wait3A, %dma_wait3A_51] : memref<2x10000x128xf32, #tpu.memory_space<hbm>> -> memref<1x640x128xf32, #tpu.memory_space<hbm>>
        %dma_wait3A_53 = tpu.memref_squeeze %dma_wait3A_52 : memref<1x640x128xf32, #tpu.memory_space<hbm>> -> memref<640x128xf32, #tpu.memory_space<hbm>>
        %dma_wait3A_54 = arith.constant 9360 : i32
        %dma_wait3A_55 = arith.constant 0 : i32
        %dma_wait3A_56 = tpu.memref_slice %arg11[%dma_wait3A_54, %dma_wait3A_55] : memref<10000x128xf32, #tpu.memory_space<vmem_shared>> -> memref<640x128xf32, #tpu.memory_space<vmem_shared>>
        tpu.wait_dma2 semaphore(%run_scoped3A : memref<!tpu.dma_semaphore, #tpu.memory_space<semaphore_mem>>) src(%dma_wait3A_56 : memref<640x128xf32, #tpu.memory_space<vmem_shared>>) dst(%dma_wait3A_53 : memref<640x128xf32, #tpu.memory_space<hbm>>)
        tpu.yield
      }) : () -> ()
    } else {
    }
    return
  }
}

module attributes {stable_mosaic.version = 14 : i64} {
  func.func @_tc_norms_body(%arg0: memref<2x10000x16xf32, #tpu.memory_space<vmem>>, %arg1: memref<2x10000x16xf32, #tpu.memory_space<vmem>>, %arg2: memref<10000xf32, #tpu.memory_space<vmem>>, %arg3: memref<10000xf32, #tpu.memory_space<vmem>>) attributes {dimension_semantics = [], scalar_prefetch = 0 : i64, scratch_operands = 0 : i64, tpu.core_type = #tpu.core_type<tc>} {
    %get3A = arith.constant 0 : index
    %get3A_0 = arith.constant 0 : index
    %get3A_1 = arith.constant 0 : index
    %get3A_2 = vector.load %arg0[%get3A, %get3A_0, %get3A_1] : memref<2x10000x16xf32, #tpu.memory_space<vmem>>, vector<2x10000x16xf32>
    %reduce_sum3A = arith.constant dense<0.000000e+00> : vector<10000xf32>
    %reduce_sum3A_3 = vector.multi_reduction <add>, %get3A_2, %reduce_sum3A [0, 2] : vector<2x10000x16xf32> to vector<10000xf32>
    %get3A_4 = arith.constant 0 : index
    %get3A_5 = arith.constant 0 : index
    %get3A_6 = arith.constant 0 : index
    %get3A_7 = vector.load %arg1[%get3A_4, %get3A_5, %get3A_6] : memref<2x10000x16xf32, #tpu.memory_space<vmem>>, vector<2x10000x16xf32>
    %reduce_sum3A_8 = arith.constant dense<0.000000e+00> : vector<10000xf32>
    %reduce_sum3A_9 = vector.multi_reduction <add>, %get3A_7, %reduce_sum3A_8 [0, 2] : vector<2x10000x16xf32> to vector<10000xf32>
    %max3A = arith.constant 1.000000e+00 : f32
    %max3A_10 = vector.broadcast %max3A : f32 to vector<10000xf32>
    %max3A_11 = arith.maximumf %reduce_sum3A_3, %max3A_10 : vector<10000xf32>
    %rsqrt3A = math.rsqrt %max3A_11 : vector<10000xf32>
    %swap3A = arith.constant 0 : index
    %swap3A_12 = vector.load %arg2[%swap3A] : memref<10000xf32, #tpu.memory_space<vmem>>, vector<10000xf32>
    tpu.vector_store %arg2[%swap3A], %rsqrt3A {strides = array<i32>} : memref<10000xf32, #tpu.memory_space<vmem>>, vector<10000xf32>,
    %max3A_13 = arith.constant 1.000000e+00 : f32
    %max3A_14 = vector.broadcast %max3A_13 : f32 to vector<10000xf32>
    %max3A_15 = arith.maximumf %reduce_sum3A_9, %max3A_14 : vector<10000xf32>
    %rsqrt3A_16 = math.rsqrt %max3A_15 : vector<10000xf32>
    %swap3A_17 = arith.constant 0 : index
    %swap3A_18 = vector.load %arg3[%swap3A_17] : memref<10000xf32, #tpu.memory_space<vmem>>, vector<10000xf32>
    tpu.vector_store %arg3[%swap3A_17], %rsqrt3A_16 {strides = array<i32>} : memref<10000xf32, #tpu.memory_space<vmem>>, vector<10000xf32>,
    return
  }
}

module attributes {stable_mosaic.version = 14 : i64} {
  func.func @_tc_scale_body(%arg0: memref<10000x128xf32, #tpu.memory_space<vmem>>, %arg1: memref<10000x1xf32, #tpu.memory_space<vmem>>, %arg2: memref<10000x128xf32, #tpu.memory_space<vmem>>) attributes {dimension_semantics = [], scalar_prefetch = 0 : i64, scratch_operands = 0 : i64, tpu.core_type = #tpu.core_type<tc>} {
    %get3A = arith.constant 0 : index
    %get3A_0 = arith.constant 0 : index
    %get3A_1 = vector.load %arg0[%get3A, %get3A_0] : memref<10000x128xf32, #tpu.memory_space<vmem>>, vector<10000x128xf32>
    %get3A_2 = arith.constant 0 : index
    %get3A_3 = arith.constant 0 : index
    %get3A_4 = vector.load %arg1[%get3A_2, %get3A_3] : memref<10000x1xf32, #tpu.memory_space<vmem>>, vector<10000x1xf32>
    %mul3A = vector.broadcast %get3A_4 : vector<10000x1xf32> to vector<10000x128xf32>
    %mul3A_5 = arith.mulf %get3A_1, %mul3A : vector<10000x128xf32>
    %swap3A = arith.constant 0 : index
    %swap3A_6 = arith.constant 0 : index
    %swap3A_7 = vector.load %arg2[%swap3A, %swap3A_6] : memref<10000x128xf32, #tpu.memory_space<vmem>>, vector<10000x128xf32>
    tpu.vector_store %arg2[%swap3A, %swap3A_6], %mul3A_5 {strides = array<i32>} : memref<10000x128xf32, #tpu.memory_space<vmem>>, vector<10000x128xf32>,
    return
  }
}

module attributes {stable_mosaic.version = 14 : i64} {
  func.func @_tc_layer_body(%arg0: memref<2x10000x128xf32, #tpu.memory_space<vmem>>, %arg1: memref<10000x1xf32, #tpu.memory_space<vmem>>, %arg2: memref<128x128xf32, #tpu.memory_space<vmem>>, %arg3: memref<128xf32, #tpu.memory_space<vmem>>, %arg4: memref<10000x1xf32, #tpu.memory_space<vmem>>, %arg5: memref<10000x128xf32, #tpu.memory_space<vmem>>) attributes {dimension_semantics = [], scalar_prefetch = 0 : i64, scratch_operands = 0 : i64, tpu.core_type = #tpu.core_type<tc>} {
    %get3A = arith.constant 0 : index
    %get3A_0 = arith.constant 0 : index
    %get3A_1 = arith.constant 0 : index
    %get3A_2 = vector.load %arg0[%get3A, %get3A_0, %get3A_1] : memref<2x10000x128xf32, #tpu.memory_space<vmem>>, vector<1x10000x128xf32>
    %get3A_3 = vector.shape_cast %get3A_2 : vector<1x10000x128xf32> to vector<10000x128xf32>
    %get3A_4 = arith.constant 1 : index
    %get3A_5 = arith.constant 0 : index
    %get3A_6 = arith.constant 0 : index
    %get3A_7 = vector.load %arg0[%get3A_4, %get3A_5, %get3A_6] : memref<2x10000x128xf32, #tpu.memory_space<vmem>>, vector<1x10000x128xf32>
    %get3A_8 = vector.shape_cast %get3A_7 : vector<1x10000x128xf32> to vector<10000x128xf32>
    %add3A = arith.addf %get3A_3, %get3A_8 : vector<10000x128xf32>
    %get3A_9 = arith.constant 0 : index
    %get3A_10 = arith.constant 0 : index
    %get3A_11 = vector.load %arg1[%get3A_9, %get3A_10] : memref<10000x1xf32, #tpu.memory_space<vmem>>, vector<10000x1xf32>
    %mul3A = vector.broadcast %get3A_11 : vector<10000x1xf32> to vector<10000x128xf32>
    %mul3A_12 = arith.mulf %add3A, %mul3A : vector<10000x128xf32>
    %get3A_13 = arith.constant 0 : index
    %get3A_14 = arith.constant 0 : index
    %get3A_15 = vector.load %arg2[%get3A_13, %get3A_14] : memref<128x128xf32, #tpu.memory_space<vmem>>, vector<128x128xf32>
    %dot_general3A = arith.constant dense<0.000000e+00> : vector<10000x128xf32>
    %dot_general3A_16 = tpu.matmul %mul3A_12, %get3A_15, %dot_general3A {dimension_numbers = #tpu.dot_dimension_numbers<[1], [0], [0], [1], [0, 0, 1, 1], [], []>, transpose_lhs_hint = false} : vector<10000x128xf32>, vector<128x128xf32>, vector<10000x128xf32> -> vector<10000x128xf32>
    %get3A_17 = arith.constant 0 : index
    %get3A_18 = vector.load %arg3[%get3A_17] : memref<128xf32, #tpu.memory_space<vmem>>, vector<128xf32>
    %broadcast_in_dim3A = vector.shape_cast %get3A_18 : vector<128xf32> to vector<1x128xf32>
    %add3A_19 = vector.broadcast %broadcast_in_dim3A : vector<1x128xf32> to vector<10000x128xf32>
    %add3A_20 = arith.addf %dot_general3A_16, %add3A_19 : vector<10000x128xf32>
    %gt3A = arith.constant 0.000000e+00 : f32
    %gt3A_21 = vector.broadcast %gt3A : f32 to vector<10000x128xf32>
    %gt3A_22 = arith.cmpf ogt, %add3A_20, %gt3A_21 : vector<10000x128xf32>
    %exp3A = math.exp %add3A_20 : vector<10000x128xf32>
    %sub3A = arith.constant 1.000000e+00 : f32
    %sub3A_23 = vector.broadcast %sub3A : f32 to vector<10000x128xf32>
    %sub3A_24 = arith.subf %exp3A, %sub3A_23 : vector<10000x128xf32>
    %mul3A_25 = arith.mulf %add3A_20, %add3A_20 : vector<10000x128xf32>
    %mul3A_26 = arith.constant 1.98412701E-4 : f32
    %mul3A_27 = vector.broadcast %mul3A_26 : f32 to vector<10000x128xf32>
    %mul3A_28 = arith.mulf %add3A_20, %mul3A_27 : vector<10000x128xf32>
    %add3A_29 = arith.constant 0.00138888892 : f32
    %add3A_30 = vector.broadcast %add3A_29 : f32 to vector<10000x128xf32>
    %add3A_31 = arith.addf %add3A_30, %mul3A_28 : vector<10000x128xf32>
    %mul3A_32 = arith.mulf %add3A_20, %add3A_31 : vector<10000x128xf32>
    %add3A_33 = arith.constant 0.00833333377 : f32
    %add3A_34 = vector.broadcast %add3A_33 : f32 to vector<10000x128xf32>
    %add3A_35 = arith.addf %add3A_34, %mul3A_32 : vector<10000x128xf32>
    %mul3A_36 = arith.mulf %add3A_20, %add3A_35 : vector<10000x128xf32>
    %add3A_37 = arith.constant 0.0416666679 : f32
    %add3A_38 = vector.broadcast %add3A_37 : f32 to vector<10000x128xf32>
    %add3A_39 = arith.addf %add3A_38, %mul3A_36 : vector<10000x128xf32>
    %mul3A_40 = arith.mulf %add3A_20, %add3A_39 : vector<10000x128xf32>
    %add3A_41 = arith.constant 0.166666672 : f32
    %add3A_42 = vector.broadcast %add3A_41 : f32 to vector<10000x128xf32>
    %add3A_43 = arith.addf %add3A_42, %mul3A_40 : vector<10000x128xf32>
    %mul3A_44 = arith.constant 5.000000e-01 : f32
    %mul3A_45 = vector.broadcast %mul3A_44 : f32 to vector<10000x128xf32>
    %mul3A_46 = arith.mulf %mul3A_45, %mul3A_25 : vector<10000x128xf32>
    %add3A_47 = arith.addf %add3A_20, %mul3A_46 : vector<10000x128xf32>
    %mul3A_48 = arith.mulf %add3A_20, %mul3A_25 : vector<10000x128xf32>
    %mul3A_49 = arith.mulf %mul3A_48, %add3A_43 : vector<10000x128xf32>
    %add3A_50 = arith.addf %add3A_47, %mul3A_49 : vector<10000x128xf32>
    %abs3A = math.absf %add3A_20 : vector<10000x128xf32>
    %lt3A = arith.constant 3.500000e-01 : f32
    %lt3A_51 = vector.broadcast %lt3A : f32 to vector<10000x128xf32>
    %lt3A_52 = arith.cmpf olt, %abs3A, %lt3A_51 : vector<10000x128xf32>
    %select_n3A = arith.select %lt3A_52, %add3A_50, %sub3A_24 : vector<10000x128xi1>, vector<10000x128xf32>
    %mul3A_53 = arith.constant 1.67326319 : f32
    %mul3A_54 = vector.broadcast %mul3A_53 : f32 to vector<10000x128xf32>
    %mul3A_55 = arith.mulf %mul3A_54, %select_n3A : vector<10000x128xf32>
    %select_n3A_56 = arith.select %gt3A_22, %add3A_20, %mul3A_55 : vector<10000x128xi1>, vector<10000x128xf32>
    %mul3A_57 = arith.constant 1.05070102 : f32
    %mul3A_58 = vector.broadcast %mul3A_57 : f32 to vector<10000x128xf32>
    %mul3A_59 = arith.mulf %mul3A_58, %select_n3A_56 : vector<10000x128xf32>
    %get3A_60 = arith.constant 0 : index
    %get3A_61 = arith.constant 0 : index
    %get3A_62 = vector.load %arg4[%get3A_60, %get3A_61] : memref<10000x1xf32, #tpu.memory_space<vmem>>, vector<10000x1xf32>
    %mul3A_63 = vector.broadcast %get3A_62 : vector<10000x1xf32> to vector<10000x128xf32>
    %mul3A_64 = arith.mulf %mul3A_59, %mul3A_63 : vector<10000x128xf32>
    %swap3A = arith.constant 0 : index
    %swap3A_65 = arith.constant 0 : index
    %swap3A_66 = vector.load %arg5[%swap3A, %swap3A_65] : memref<10000x128xf32, #tpu.memory_space<vmem>>, vector<10000x128xf32>
    tpu.vector_store %arg5[%swap3A, %swap3A_65], %mul3A_64 {strides = array<i32>} : memref<10000x128xf32, #tpu.memory_space<vmem>>, vector<10000x128xf32>,
    return
  }
}

module attributes {stable_mosaic.version = 14 : i64} {
  func.func @_tc_final_body(%arg0: memref<2x10000x128xf32, #tpu.memory_space<vmem>>, %arg1: memref<10000x1xf32, #tpu.memory_space<vmem>>, %arg2: memref<128x128xf32, #tpu.memory_space<vmem>>, %arg3: memref<128xf32, #tpu.memory_space<vmem>>, %arg4: memref<1x16xf32, #tpu.memory_space<vmem>>, %arg5: memref<144x256xf32, #tpu.memory_space<vmem>>, %arg6: memref<256xf32, #tpu.memory_space<vmem>>, %arg7: memref<256x128xf32, #tpu.memory_space<vmem>>, %arg8: memref<128xf32, #tpu.memory_space<vmem>>, %arg9: memref<128x1xf32, #tpu.memory_space<vmem>>, %arg10: memref<1xf32, #tpu.memory_space<vmem>>, %arg11: memref<1x1xf32, #tpu.memory_space<vmem>>) attributes {dimension_semantics = [], scalar_prefetch = 0 : i64, scratch_operands = 0 : i64, tpu.core_type = #tpu.core_type<tc>} {
    %get3A = arith.constant 0 : index
    %get3A_0 = arith.constant 0 : index
    %get3A_1 = arith.constant 0 : index
    %get3A_2 = vector.load %arg0[%get3A, %get3A_0, %get3A_1] : memref<2x10000x128xf32, #tpu.memory_space<vmem>>, vector<1x10000x128xf32>
    %get3A_3 = vector.shape_cast %get3A_2 : vector<1x10000x128xf32> to vector<10000x128xf32>
    %get3A_4 = arith.constant 1 : index
    %get3A_5 = arith.constant 0 : index
    %get3A_6 = arith.constant 0 : index
    %get3A_7 = vector.load %arg0[%get3A_4, %get3A_5, %get3A_6] : memref<2x10000x128xf32, #tpu.memory_space<vmem>>, vector<1x10000x128xf32>
    %get3A_8 = vector.shape_cast %get3A_7 : vector<1x10000x128xf32> to vector<10000x128xf32>
    %add3A = arith.addf %get3A_3, %get3A_8 : vector<10000x128xf32>
    %get3A_9 = arith.constant 0 : index
    %get3A_10 = arith.constant 0 : index
    %get3A_11 = vector.load %arg1[%get3A_9, %get3A_10] : memref<10000x1xf32, #tpu.memory_space<vmem>>, vector<10000x1xf32>
    %mul3A = vector.broadcast %get3A_11 : vector<10000x1xf32> to vector<10000x128xf32>
    %mul3A_12 = arith.mulf %add3A, %mul3A : vector<10000x128xf32>
    %get3A_13 = arith.constant 0 : index
    %get3A_14 = arith.constant 0 : index
    %get3A_15 = vector.load %arg2[%get3A_13, %get3A_14] : memref<128x128xf32, #tpu.memory_space<vmem>>, vector<128x128xf32>
    %dot_general3A = arith.constant dense<0.000000e+00> : vector<10000x128xf32>
    %dot_general3A_16 = tpu.matmul %mul3A_12, %get3A_15, %dot_general3A {dimension_numbers = #tpu.dot_dimension_numbers<[1], [0], [0], [1], [0, 0, 1, 1], [], []>, transpose_lhs_hint = false} : vector<10000x128xf32>, vector<128x128xf32>, vector<10000x128xf32> -> vector<10000x128xf32>
    %get3A_17 = arith.constant 0 : index
    %get3A_18 = vector.load %arg3[%get3A_17] : memref<128xf32, #tpu.memory_space<vmem>>, vector<128xf32>
    %broadcast_in_dim3A = vector.shape_cast %get3A_18 : vector<128xf32> to vector<1x128xf32>
    %add3A_19 = vector.broadcast %broadcast_in_dim3A : vector<1x128xf32> to vector<10000x128xf32>
    %add3A_20 = arith.addf %dot_general3A_16, %add3A_19 : vector<10000x128xf32>
    %gt3A = arith.constant 0.000000e+00 : f32
    %gt3A_21 = vector.broadcast %gt3A : f32 to vector<10000x128xf32>
    %gt3A_22 = arith.cmpf ogt, %add3A_20, %gt3A_21 : vector<10000x128xf32>
    %exp3A = math.exp %add3A_20 : vector<10000x128xf32>
    %sub3A = arith.constant 1.000000e+00 : f32
    %sub3A_23 = vector.broadcast %sub3A : f32 to vector<10000x128xf32>
    %sub3A_24 = arith.subf %exp3A, %sub3A_23 : vector<10000x128xf32>
    %mul3A_25 = arith.mulf %add3A_20, %add3A_20 : vector<10000x128xf32>
    %mul3A_26 = arith.constant 1.98412701E-4 : f32
    %mul3A_27 = vector.broadcast %mul3A_26 : f32 to vector<10000x128xf32>
    %mul3A_28 = arith.mulf %add3A_20, %mul3A_27 : vector<10000x128xf32>
    %add3A_29 = arith.constant 0.00138888892 : f32
    %add3A_30 = vector.broadcast %add3A_29 : f32 to vector<10000x128xf32>
    %add3A_31 = arith.addf %add3A_30, %mul3A_28 : vector<10000x128xf32>
    %mul3A_32 = arith.mulf %add3A_20, %add3A_31 : vector<10000x128xf32>
    %add3A_33 = arith.constant 0.00833333377 : f32
    %add3A_34 = vector.broadcast %add3A_33 : f32 to vector<10000x128xf32>
    %add3A_35 = arith.addf %add3A_34, %mul3A_32 : vector<10000x128xf32>
    %mul3A_36 = arith.mulf %add3A_20, %add3A_35 : vector<10000x128xf32>
    %add3A_37 = arith.constant 0.0416666679 : f32
    %add3A_38 = vector.broadcast %add3A_37 : f32 to vector<10000x128xf32>
    %add3A_39 = arith.addf %add3A_38, %mul3A_36 : vector<10000x128xf32>
    %mul3A_40 = arith.mulf %add3A_20, %add3A_39 : vector<10000x128xf32>
    %add3A_41 = arith.constant 0.166666672 : f32
    %add3A_42 = vector.broadcast %add3A_41 : f32 to vector<10000x128xf32>
    %add3A_43 = arith.addf %add3A_42, %mul3A_40 : vector<10000x128xf32>
    %mul3A_44 = arith.constant 5.000000e-01 : f32
    %mul3A_45 = vector.broadcast %mul3A_44 : f32 to vector<10000x128xf32>
    %mul3A_46 = arith.mulf %mul3A_45, %mul3A_25 : vector<10000x128xf32>
    %add3A_47 = arith.addf %add3A_20, %mul3A_46 : vector<10000x128xf32>
    %mul3A_48 = arith.mulf %add3A_20, %mul3A_25 : vector<10000x128xf32>
    %mul3A_49 = arith.mulf %mul3A_48, %add3A_43 : vector<10000x128xf32>
    %add3A_50 = arith.addf %add3A_47, %mul3A_49 : vector<10000x128xf32>
    %abs3A = math.absf %add3A_20 : vector<10000x128xf32>
    %lt3A = arith.constant 3.500000e-01 : f32
    %lt3A_51 = vector.broadcast %lt3A : f32 to vector<10000x128xf32>
    %lt3A_52 = arith.cmpf olt, %abs3A, %lt3A_51 : vector<10000x128xf32>
    %select_n3A = arith.select %lt3A_52, %add3A_50, %sub3A_24 : vector<10000x128xi1>, vector<10000x128xf32>
    %mul3A_53 = arith.constant 1.67326319 : f32
    %mul3A_54 = vector.broadcast %mul3A_53 : f32 to vector<10000x128xf32>
    %mul3A_55 = arith.mulf %mul3A_54, %select_n3A : vector<10000x128xf32>
    %select_n3A_56 = arith.select %gt3A_22, %add3A_20, %mul3A_55 : vector<10000x128xi1>, vector<10000x128xf32>
    %mul3A_57 = arith.constant 1.05070102 : f32
    %mul3A_58 = vector.broadcast %mul3A_57 : f32 to vector<10000x128xf32>
    %mul3A_59 = arith.mulf %mul3A_58, %select_n3A_56 : vector<10000x128xf32>
    %reduce_sum3A = arith.constant dense<0.000000e+00> : vector<128xf32>
    %reduce_sum3A_60 = vector.multi_reduction <add>, %mul3A_59, %reduce_sum3A [0] : vector<10000x128xf32> to vector<128xf32>
    %broadcast_in_dim3A_61 = vector.shape_cast %reduce_sum3A_60 : vector<128xf32> to vector<1x128xf32>
    %div3A = arith.constant 1.000000e+04 : f32
    %div3A_62 = vector.broadcast %div3A : f32 to vector<1x128xf32>
    %div3A_63 = arith.divf %broadcast_in_dim3A_61, %div3A_62 : vector<1x128xf32>
    %get3A_64 = arith.constant 0 : index
    %get3A_65 = arith.constant 0 : index
    %get3A_66 = vector.load %arg5[%get3A_64, %get3A_65] : memref<144x256xf32, #tpu.memory_space<vmem>>, vector<128x256xf32>
    %dot_general3A_67 = arith.constant dense<0.000000e+00> : vector<1x256xf32>
    %dot_general3A_68 = tpu.matmul %div3A_63, %get3A_66, %dot_general3A_67 {dimension_numbers = #tpu.dot_dimension_numbers<[1], [0], [0], [1], [0, 0, 1, 1], [], []>, transpose_lhs_hint = false} : vector<1x128xf32>, vector<128x256xf32>, vector<1x256xf32> -> vector<1x256xf32>
    %get3A_69 = arith.constant 0 : index
    %get3A_70 = arith.constant 0 : index
    %get3A_71 = vector.load %arg4[%get3A_69, %get3A_70] : memref<1x16xf32, #tpu.memory_space<vmem>>, vector<1x16xf32>
    %get3A_72 = arith.constant 128 : index
    %get3A_73 = arith.constant 0 : index
    %get3A_74 = vector.load %arg5[%get3A_72, %get3A_73] : memref<144x256xf32, #tpu.memory_space<vmem>>, vector<16x256xf32>
    %dot_general3A_75 = arith.constant dense<0.000000e+00> : vector<1x256xf32>
    %dot_general3A_76 = tpu.matmul %get3A_71, %get3A_74, %dot_general3A_75 {dimension_numbers = #tpu.dot_dimension_numbers<[1], [0], [0], [1], [0, 0, 1, 1], [], []>, transpose_lhs_hint = false} : vector<1x16xf32>, vector<16x256xf32>, vector<1x256xf32> -> vector<1x256xf32>
    %add3A_77 = arith.addf %dot_general3A_68, %dot_general3A_76 : vector<1x256xf32>
    %get3A_78 = arith.constant 0 : index
    %get3A_79 = vector.load %arg6[%get3A_78] : memref<256xf32, #tpu.memory_space<vmem>>, vector<256xf32>
    %broadcast_in_dim3A_80 = vector.shape_cast %get3A_79 : vector<256xf32> to vector<1x256xf32>
    %add3A_81 = arith.addf %add3A_77, %broadcast_in_dim3A_80 : vector<1x256xf32>
    %gt3A_82 = arith.constant 0.000000e+00 : f32
    %gt3A_83 = vector.broadcast %gt3A_82 : f32 to vector<1x256xf32>
    %gt3A_84 = arith.cmpf ogt, %add3A_81, %gt3A_83 : vector<1x256xf32>
    %exp3A_85 = math.exp %add3A_81 : vector<1x256xf32>
    %sub3A_86 = arith.constant 1.000000e+00 : f32
    %sub3A_87 = vector.broadcast %sub3A_86 : f32 to vector<1x256xf32>
    %sub3A_88 = arith.subf %exp3A_85, %sub3A_87 : vector<1x256xf32>
    %mul3A_89 = arith.mulf %add3A_81, %add3A_81 : vector<1x256xf32>
    %mul3A_90 = arith.constant 1.98412701E-4 : f32
    %mul3A_91 = vector.broadcast %mul3A_90 : f32 to vector<1x256xf32>
    %mul3A_92 = arith.mulf %add3A_81, %mul3A_91 : vector<1x256xf32>
    %add3A_93 = arith.constant 0.00138888892 : f32
    %add3A_94 = vector.broadcast %add3A_93 : f32 to vector<1x256xf32>
    %add3A_95 = arith.addf %add3A_94, %mul3A_92 : vector<1x256xf32>
    %mul3A_96 = arith.mulf %add3A_81, %add3A_95 : vector<1x256xf32>
    %add3A_97 = arith.constant 0.00833333377 : f32
    %add3A_98 = vector.broadcast %add3A_97 : f32 to vector<1x256xf32>
    %add3A_99 = arith.addf %add3A_98, %mul3A_96 : vector<1x256xf32>
    %mul3A_100 = arith.mulf %add3A_81, %add3A_99 : vector<1x256xf32>
    %add3A_101 = arith.constant 0.0416666679 : f32
    %add3A_102 = vector.broadcast %add3A_101 : f32 to vector<1x256xf32>
    %add3A_103 = arith.addf %add3A_102, %mul3A_100 : vector<1x256xf32>
    %mul3A_104 = arith.mulf %add3A_81, %add3A_103 : vector<1x256xf32>
    %add3A_105 = arith.constant 0.166666672 : f32
    %add3A_106 = vector.broadcast %add3A_105 : f32 to vector<1x256xf32>
    %add3A_107 = arith.addf %add3A_106, %mul3A_104 : vector<1x256xf32>
    %mul3A_108 = arith.constant 5.000000e-01 : f32
    %mul3A_109 = vector.broadcast %mul3A_108 : f32 to vector<1x256xf32>
    %mul3A_110 = arith.mulf %mul3A_109, %mul3A_89 : vector<1x256xf32>
    %add3A_111 = arith.addf %add3A_81, %mul3A_110 : vector<1x256xf32>
    %mul3A_112 = arith.mulf %add3A_81, %mul3A_89 : vector<1x256xf32>
    %mul3A_113 = arith.mulf %mul3A_112, %add3A_107 : vector<1x256xf32>
    %add3A_114 = arith.addf %add3A_111, %mul3A_113 : vector<1x256xf32>
    %abs3A_115 = math.absf %add3A_81 : vector<1x256xf32>
    %lt3A_116 = arith.constant 3.500000e-01 : f32
    %lt3A_117 = vector.broadcast %lt3A_116 : f32 to vector<1x256xf32>
    %lt3A_118 = arith.cmpf olt, %abs3A_115, %lt3A_117 : vector<1x256xf32>
    %select_n3A_119 = arith.select %lt3A_118, %add3A_114, %sub3A_88 : vector<1x256xi1>, vector<1x256xf32>
    %mul3A_120 = arith.constant 1.67326319 : f32
    %mul3A_121 = vector.broadcast %mul3A_120 : f32 to vector<1x256xf32>
    %mul3A_122 = arith.mulf %mul3A_121, %select_n3A_119 : vector<1x256xf32>
    %select_n3A_123 = arith.select %gt3A_84, %add3A_81, %mul3A_122 : vector<1x256xi1>, vector<1x256xf32>
    %mul3A_124 = arith.constant 1.05070102 : f32
    %mul3A_125 = vector.broadcast %mul3A_124 : f32 to vector<1x256xf32>
    %mul3A_126 = arith.mulf %mul3A_125, %select_n3A_123 : vector<1x256xf32>
    %get3A_127 = arith.constant 0 : index
    %get3A_128 = arith.constant 0 : index
    %get3A_129 = vector.load %arg7[%get3A_127, %get3A_128] : memref<256x128xf32, #tpu.memory_space<vmem>>, vector<256x128xf32>
    %dot_general3A_130 = arith.constant dense<0.000000e+00> : vector<1x128xf32>
    %dot_general3A_131 = tpu.matmul %mul3A_126, %get3A_129, %dot_general3A_130 {dimension_numbers = #tpu.dot_dimension_numbers<[1], [0], [0], [1], [0, 0, 1, 1], [], []>, transpose_lhs_hint = false} : vector<1x256xf32>, vector<256x128xf32>, vector<1x128xf32> -> vector<1x128xf32>
    %get3A_132 = arith.constant 0 : index
    %get3A_133 = vector.load %arg8[%get3A_132] : memref<128xf32, #tpu.memory_space<vmem>>, vector<128xf32>
    %broadcast_in_dim3A_134 = vector.shape_cast %get3A_133 : vector<128xf32> to vector<1x128xf32>
    %add3A_135 = arith.addf %dot_general3A_131, %broadcast_in_dim3A_134 : vector<1x128xf32>
    %gt3A_136 = arith.constant 0.000000e+00 : f32
    %gt3A_137 = vector.broadcast %gt3A_136 : f32 to vector<1x128xf32>
    %gt3A_138 = arith.cmpf ogt, %add3A_135, %gt3A_137 : vector<1x128xf32>
    %exp3A_139 = math.exp %add3A_135 : vector<1x128xf32>
    %sub3A_140 = arith.constant 1.000000e+00 : f32
    %sub3A_141 = vector.broadcast %sub3A_140 : f32 to vector<1x128xf32>
    %sub3A_142 = arith.subf %exp3A_139, %sub3A_141 : vector<1x128xf32>
    %mul3A_143 = arith.mulf %add3A_135, %add3A_135 : vector<1x128xf32>
    %mul3A_144 = arith.constant 1.98412701E-4 : f32
    %mul3A_145 = vector.broadcast %mul3A_144 : f32 to vector<1x128xf32>
    %mul3A_146 = arith.mulf %add3A_135, %mul3A_145 : vector<1x128xf32>
    %add3A_147 = arith.constant 0.00138888892 : f32
    %add3A_148 = vector.broadcast %add3A_147 : f32 to vector<1x128xf32>
    %add3A_149 = arith.addf %add3A_148, %mul3A_146 : vector<1x128xf32>
    %mul3A_150 = arith.mulf %add3A_135, %add3A_149 : vector<1x128xf32>
    %add3A_151 = arith.constant 0.00833333377 : f32
    %add3A_152 = vector.broadcast %add3A_151 : f32 to vector<1x128xf32>
    %add3A_153 = arith.addf %add3A_152, %mul3A_150 : vector<1x128xf32>
    %mul3A_154 = arith.mulf %add3A_135, %add3A_153 : vector<1x128xf32>
    %add3A_155 = arith.constant 0.0416666679 : f32
    %add3A_156 = vector.broadcast %add3A_155 : f32 to vector<1x128xf32>
    %add3A_157 = arith.addf %add3A_156, %mul3A_154 : vector<1x128xf32>
    %mul3A_158 = arith.mulf %add3A_135, %add3A_157 : vector<1x128xf32>
    %add3A_159 = arith.constant 0.166666672 : f32
    %add3A_160 = vector.broadcast %add3A_159 : f32 to vector<1x128xf32>
    %add3A_161 = arith.addf %add3A_160, %mul3A_158 : vector<1x128xf32>
    %mul3A_162 = arith.constant 5.000000e-01 : f32
    %mul3A_163 = vector.broadcast %mul3A_162 : f32 to vector<1x128xf32>
    %mul3A_164 = arith.mulf %mul3A_163, %mul3A_143 : vector<1x128xf32>
    %add3A_165 = arith.addf %add3A_135, %mul3A_164 : vector<1x128xf32>
    %mul3A_166 = arith.mulf %add3A_135, %mul3A_143 : vector<1x128xf32>
    %mul3A_167 = arith.mulf %mul3A_166, %add3A_161 : vector<1x128xf32>
    %add3A_168 = arith.addf %add3A_165, %mul3A_167 : vector<1x128xf32>
    %abs3A_169 = math.absf %add3A_135 : vector<1x128xf32>
    %lt3A_170 = arith.constant 3.500000e-01 : f32
    %lt3A_171 = vector.broadcast %lt3A_170 : f32 to vector<1x128xf32>
    %lt3A_172 = arith.cmpf olt, %abs3A_169, %lt3A_171 : vector<1x128xf32>
    %select_n3A_173 = arith.select %lt3A_172, %add3A_168, %sub3A_142 : vector<1x128xi1>, vector<1x128xf32>
    %mul3A_174 = arith.constant 1.67326319 : f32
    %mul3A_175 = vector.broadcast %mul3A_174 : f32 to vector<1x128xf32>
    %mul3A_176 = arith.mulf %mul3A_175, %select_n3A_173 : vector<1x128xf32>
    %select_n3A_177 = arith.select %gt3A_138, %add3A_135, %mul3A_176 : vector<1x128xi1>, vector<1x128xf32>
    %mul3A_178 = arith.constant 1.05070102 : f32
    %mul3A_179 = vector.broadcast %mul3A_178 : f32 to vector<1x128xf32>
    %mul3A_180 = arith.mulf %mul3A_179, %select_n3A_177 : vector<1x128xf32>
    %get3A_181 = arith.constant 0 : index
    %get3A_182 = arith.constant 0 : index
    %get3A_183 = vector.load %arg9[%get3A_181, %get3A_182] : memref<128x1xf32, #tpu.memory_space<vmem>>, vector<128x1xf32>
    %dot_general3A_184 = arith.constant dense<0.000000e+00> : vector<1x1xf32>
    %dot_general3A_185 = tpu.matmul %mul3A_180, %get3A_183, %dot_general3A_184 {dimension_numbers = #tpu.dot_dimension_numbers<[1], [0], [0], [1], [0, 0, 1, 1], [], []>, precision = #tpu.contract_precision<fp32>, transpose_lhs_hint = false} : vector<1x128xf32>, vector<128x1xf32>, vector<1x1xf32> -> vector<1x1xf32>
    %get3A_186 = arith.constant 0 : index
    %get3A_187 = vector.load %arg10[%get3A_186] : memref<1xf32, #tpu.memory_space<vmem>>, vector<1xf32>
    %broadcast_in_dim3A_188 = vector.shape_cast %get3A_187 : vector<1xf32> to vector<1x1xf32>
    %add3A_189 = arith.addf %dot_general3A_185, %broadcast_in_dim3A_188 : vector<1x1xf32>
    %swap3A = arith.constant 0 : index
    %swap3A_190 = arith.constant 0 : index
    %swap3A_191 = vector.load %arg11[%swap3A, %swap3A_190] : memref<1x1xf32, #tpu.memory_space<vmem>>, vector<1x1xf32>
    tpu.vector_store %arg11[%swap3A, %swap3A_190], %add3A_189 {strides = array<i32>} : memref<1x1xf32, #tpu.memory_space<vmem>>, vector<1x1xf32>,
    return
  }
}

</mosaic_0001>

<sc_bundles>
// kernel: kernel.11.cloned.1.call-start
scs
__scs_entry_jumppad:
0x0: {  	(pc) =	sbr.rel $0x88, $3  }
0x1: {  	(tag) =	ssettag $0x0;
	lr =	simm.s32 $0x1  }
0x2: {  	[smem:$0x3F92] =	sst lr;
	_ =	strace $0xD0000000  }
0x3: {  	_ = 	snop  }
0x4: {  	_ = 	snop  }
0x5: {  	_ = 	snop  }
0x6: {  	_ = 	snop  }
0x7: {  	_ = 	snop  }
__scs_overlays_trampoline_lowered:
0x8: {  	[smem:$0x3FA1] =	sst s0  }
0x9: {  	[smem:$0x3FA2] =	sst s1  }
0xa: {  	[smem:$0x3FA3] =	sst s2  }
0xb: {  	[smem:$0x3FA4] =	sst s3  }
0xc: {  	[smem:$0x3FA5] =	sst s4  }
0xd: {  	[smem:$0x3FA6] =	sst s5  }
0xe: {  	[smem:$0x3FA7] =	sst s6  }
0xf: {  	[smem:$0x3FA8] =	sst s7  }
0x10: {  	[smem:$0x3FA9] =	sst s8  }
0x11: {  	[smem:$0x3FAA] =	sst s9;
	s0 =	simm.s32 @!p0 $0x0  }
0x12: {  	s1 =	sld [smem:$0x3F90];
	s0 =	simm.s32 @p0 $0x1  }
0x13: {  	[smem:$0x3FAB] =	sst s0;
	s0 =	simm.s32 @!p1 $0x0  }
0x14: {  	s2 =	sld [smem:$0x3F8F];
	s0 =	simm.s32 @p1 $0x1  }
0x15: {  	[smem:$0x3FAC] =	sst s0;
	s0 =	simm.s32 @!p2 $0x0  }
0x16: {  	s3 =	sld [smem:$0x3FDB];
	s0 =	simm.s32 @p2 $0x1  }
0x17: {  	s4 =	simm.s32 $0x1BF5;
	[smem:$0x3FAE] =	sst s0  }
0x18: {  	s0 =	sld [smem:$0x3F91];
	_ =	swait.ge [sflag:s4], $0x0  }
0x19: {  	s7 =	sld [smem:$0x3F92]  }
0x1a: {  	s8 =	sadd.s32 $0xFFFFE003, lr  }
0x1b: {  	s9 =	sadd.s32 $0xFFFFFEF7, lr;
	s5 =	simm.s32 $0xFFFFFFFF;
	p2 =	slt.u32 s8, $0xFFFFF086  }
0x1c: {  	p1 =	slt.u32 s9, $0xF7A;
	s5 =	simm.s32 @!p2 $0x0  }
0x1d: {  	s5 =	simm.s32 @p1 $0x1;
	p0 =	seq.s32 s7, s2  }
0x1e: {  	s7 =	smul.u32 @!p0 $0xF7A, s2;
	p2 =	seq.s32 @!p0 s5, $0x0  }
0x1f: {  	s9 =	smul.u32 $0xF7A, s1;
	s8 =	simm.s32 @!p0 $0x1BF5;
	p2 =	por !p2, p0  }
0x20: {  	[sflag:s8] =	ssyncset.s32 @!p0 $0xFFFFF086;
	s6 =	sadd.s32 @!p0 s3, s7;
	s7 =	simm.s32 @!p0 $0x108  }
0x21: {  	s3 =	sadd.s32 s3, s9;
	s6 =	sadd.s32 @!p0 $0x88, s6;
	s7 =	simm.s32 @p2 $0x1082  }
0x22: {  	[simem:s7], [sflag:s8] =	dma.local @!p0 [hbm:s6], $0xF7A  }
0x23: {  	s9 =	sor.u32 $0xD0000000, s2;
	s6 =	simm.s32 $0x108;
	_ =	swait.ge @!p0 [sflag:s8], $0x0  }
0x24: {  	s3 =	sadd.s32 $0x88, s3;
	s6 =	simm.s32 @!p1 $0x1082;
	[sflag:s4] =	ssyncset.s32 $0xFFFFF086  }
0x25: {  	[simem:s6], [sflag:s4] =	dma.local [hbm:s3], $0xF7A  }
0x26: {  	[smem:$0x3F92] =	sst s1;
	(tag) =	ssettag s2;
	_ =	strace s9  }
0x27: {  	s1 =	sld [smem:$0x3FA2]  }
0x28: {  	s2 =	sld [smem:$0x3FA3]  }
0x29: {  	s4 =	sld [smem:$0x3FA5]  }
0x2a: {  	p0 =	seq.s32 s5, $0x0;
	s5 =	sld [smem:$0x3FA6]  }
0x2b: {  	s6 =	sld [smem:$0x3FA7]  }
0x2c: {  	s7 =	sld [smem:$0x3FA8]  }
0x2d: {  	s3 =	simm.s32 $0x108;
	s8 =	sld [smem:$0x3FA9]  }
0x2e: {  	s3 =	simm.s32 @!p0 $0x1082;
	s9 =	sld [smem:$0x3FAA]  }
0x2f: {  	lr =	sadd.s32 s0, s3;
	s0 =	sld [smem:$0x3FA1]  }
0x30: {  	s3 =	sld [smem:$0x3FA4]  }
0x31: {  	[smem:$0x3FAD] =	sst s10  }
0x32: {  	s10 =	sld [smem:$0x3FAB];
	_ =	sdelay $0x3  }
0x33: {  	p0 =	seq.s32 s10, $0x1;
	s10 =	sld [smem:$0x3FAD];
	_ =	sdelay $0x3  }
0x34: {  	[smem:$0x3FAD] =	sst s10  }
0x35: {  	s10 =	sld [smem:$0x3FAC];
	_ =	sdelay $0x3  }
0x36: {  	p1 =	seq.s32 s10, $0x1;
	s10 =	sld [smem:$0x3FAD];
	_ =	sdelay $0x3  }
0x37: {  	[smem:$0x3FAD] =	sst s10  }
0x38: {  	s10 =	sld [smem:$0x3FAE]  }
0x39: {  	_ = 	snop;
	(pc) =	sbr.ind lr, $3  }
0x3a: {  	_ = 	snop  }
0x3b: {  	_ = 	snop  }
0x3c: {  	p2 =	seq.s32 s10, $0x1;
	s10 =	sld [smem:$0x3FAD]  }
0x3d: {  	_ =	shalt  }
0x3e: {  	_ =	shalt  }
0x3f: {  	_ =	shalt  }
0x40: {  	_ =	shalt  }
0x41: {  	_ =	shalt  }
0x42: {  	_ =	shalt  }
0x43: {  	_ =	shalt  }
0x44: {  	_ =	shalt  }
0x45: {  	_ =	shalt  }
0x46: {  	_ =	shalt  }
0x47: {  	_ =	shalt  }
0x48: {  	_ =	shalt  }
0x49: {  	_ =	shalt  }
0x4a: {  	_ =	shalt  }
0x4b: {  	_ =	shalt  }
0x4c: {  	_ =	shalt  }
0x4d: {  	_ =	shalt  }
0x4e: {  	_ =	shalt  }
0x4f: {  	_ =	shalt  }
0x50: {  	_ =	shalt  }
0x51: {  	_ =	shalt  }
0x52: {  	_ =	shalt  }
0x53: {  	_ =	shalt  }
0x54: {  	_ =	shalt  }
0x55: {  	_ =	shalt  }
0x56: {  	_ =	shalt  }
0x57: {  	_ =	shalt  }
0x58: {  	_ =	shalt  }
0x59: {  	_ =	shalt  }
0x5a: {  	_ =	shalt  }
0x5b: {  	_ =	shalt  }
0x5c: {  	_ =	shalt  }
0x5d: {  	_ =	shalt  }
0x5e: {  	_ =	shalt  }
0x5f: {  	_ =	shalt  }
0x60: {  	_ =	shalt  }
0x61: {  	_ =	shalt  }
0x62: {  	_ =	shalt  }
0x63: {  	_ =	shalt  }
0x64: {  	_ =	shalt  }
0x65: {  	_ =	shalt  }
0x66: {  	_ =	shalt  }
0x67: {  	_ =	shalt  }
0x68: {  	_ =	shalt  }
0x69: {  	_ =	shalt  }
0x6a: {  	_ =	shalt  }
0x6b: {  	_ =	shalt  }
0x6c: {  	_ =	shalt  }
0x6d: {  	_ =	shalt  }
0x6e: {  	_ =	shalt  }
0x6f: {  	_ =	shalt  }
0x70: {  	_ =	shalt  }
0x71: {  	_ =	shalt  }
0x72: {  	_ =	shalt  }
0x73: {  	_ =	shalt  }
0x74: {  	_ =	shalt  }
0x75: {  	_ =	shalt  }
0x76: {  	_ =	shalt  }
0x77: {  	_ =	shalt  }
0x78: {  	_ =	shalt  }
0x79: {  	_ =	shalt  }
0x7a: {  	_ =	shalt  }
0x7b: {  	_ =	shalt  }
0x7c: {  	_ =	shalt  }
0x7d: {  	_ =	shalt  }
0x7e: {  	_ =	shalt  }
0x7f: {  	_ =	shalt  }
0x80: {  	_ =	shalt  }
0x81: {  	_ =	shalt  }
0x82: {  	_ =	shalt  }
0x83: {  	_ =	shalt  }
0x84: {  	_ =	shalt  }
0x85: {  	_ =	shalt  }
0x86: {  	_ =	shalt  }
0x87: {  	_ =	shalt  }
.Lfunc_end0:
.L_simem_size_0:
called_computation_lowered:
.L_overlay_start_0:
0x88: {  	s2 =	sld [smem:$0x3FD9]  }
0x89: {  	s3 =	sld [smem:$0x3FFE];
	_ =	sdelay $0x1  }
0x8a: {  	s1 =	srdreg.scid  }
0x8b: {  	s0 =	sand.u32 $0x1, s1  }
0x8c: {  	s16 =	sshll.u32 s0, $0xA;
	s2 =	sadd.s32 s3, s2  }
0x8d: {  	s2 =	sadd.s32 s2, s16  }
0x8e: {  	[smem:$0x3FB9] =	sst s2  }
0x8f: {  	_ = 	snop  }
0x90: {  	(tm) =	ssettm $0x1  }
0x91: {  	s17 =	sld [smem:$0x3FFB];
	_ =	sdelay $0x3  }
0x92: {  	_ =	strace s17  }
0x93: {  	s2 =	sld [smem:$0x3FFC];
	_ =	sdelay $0x3  }
0x94: {  	_ =	strace s2  }
0x95: {  	s2 =	sld [smem:$0x3FFD];
	_ =	sdelay $0x3  }
0x96: {  	_ =	strace s2  }
0x97: {  	_ =	strace $0x8FFFFFFF  }
0x98: {  	s18 =	sld [smem:$0x3FDB];
	_ =	sdelay $0x1  }
0x99: {  	s19 =	simm.s32 $_scs_section_size  }
0x9a: {  	s4 =	simm.s32 $_size__tile_overlayer_lowered;
	s5 =	simm.s32 $_tile_overlayer_lowered  }
0x9b: {  	s22 =	simm.s32 $0x1BFF;
	s21 =	sshll.u32 s5, $0x1;
	s2 =	sadd.s32 s19, s18  }
0x9c: {  	s6 =	simm.s32 $0x0;
	s20 =	sshll.u32 s4, $0x1;
	s4 =	sadd.s32 s21, s2  }
0x9d: {  	[timem:s6], [sflag:s22] =	dma.local [hbm:s4], s20  }
0x9e: {  	_ =	swait.ge [sflag:s22], s20  }
0x9f: {  	s3 =	ssub.s32 $0x0, s20;
	[sflag:s22] =	ssyncset.done $0x0  }
0xa0: {  	[sflag:s22] =	ssyncadd.s32 s3;
	_ =	sdelay $0x1  }
0xa1: {  	s23 =	simm.s32 $0x1B8B  }
0xa2: {  	_ =	swait.ge [sflag:s23], $0x1  }
0xa3: {  	[sflag:s23] =	ssyncset.done $0x0  }
0xa4: {  	s25 =	simm.s32 $0x1B8E;
	s24 =	sld [smem:$0x3FFE];
	[sflag:s23] =	ssyncadd.s32 $0xFFFFFFFF  }
0xa5: {  	s26 =	simm.s32 $execute0_lowered;
	[smem:$0x3FD2] =	sst s25  }
0xa6: {  	s4 =	sshll.u32 s26, $0x1;
	_ =	strace $0x80000046;
	[dreg:$0x1] =	wrdreg $0xFFFFFFFF  }
0xa7: {  	s28 =	simm.s32 $_size_execute0_lowered;
	s2 =	sadd.s32 s2, s4;
	[dreg:$0x0] =	wrdreg $0x0  }
0xa8: {  	s4 =	sshll.u32 s28, $0x1;
	[dreg:$0x2] =	wrdreg s2  }
0xa9: {  	[dreg:$0x3] =	wrdreg s4  }
0xaa: {  	[dreg:$0x4] =	wrdreg $0xC0  }
0xab: {  	_ =	task [dreg:s6], $0x5FFFF  }
0xac: {  	[dreg:$0x1] =	wrdreg $0xFFFFFFFF  }
0xad: {  	[dreg:$0x0] =	wrdreg $0x60  }
0xae: {  	[dreg:$0x2] =	wrdreg s24  }
0xaf: {  	[dreg:$0x3] =	wrdreg $0x57800  }
0xb0: {  	[dreg:$0x4] =	wrdreg $0x7E900  }
0xb1: {  	[dreg:$0x5] =	wrdreg $0x9  }
0xb2: {  	_ =	task.clear_ibuf [dreg:s6], $0x6FFFF;
	_ =	strace $0x90000046  }
0xb3: {  	s29 =	simm.s32 $0x9;
	_ =	strace $0x80000048  }
0xb4: {  	_ =	swait.ge [sflag:s29], $0x1  }
0xb5: {  	[sflag:s29] =	ssyncadd.s32 $0xFFFFFFFF  }
0xb6: {  	_ =	strace $0x90000048  }
0xb7: {  	_ =	sfence  }
0xb8: {  	s30 =	sld [smem:$0x0];
	_ =	sdelay $0x2  }
0xb9: {  	s31 =	sshll.u32 s1, $0xD;
	s1 =	sshrl.u32 s1, $0x2  }
0xba: {  	s3 =	sand.u32 $0x4000, s31;
	s1 =	sadd.s32 s1, s30  }
0xbb: {  	s0 =	sor.u32 s3, s0;
	s1 =	sshll.u32 s1, $0x11  }
0xbc: {  	s0 =	sor.u32 s1, s0  }
0xbd: {  	s0 =	sadd.s32 $0x8F2B, s0  }
0xbe: {  	[sflag:s0] =	ssyncadd.remote.s32 $0x1  }
0xbf: {  	_ =	sfence.sel $0xFFFF  }
0xc0: {  	[dreg:$0x0] =	wrdreg $0xFFFFFFFF;
	(pc) =	sbr.abs _section_cstart, $3  }
0xc1: {  	[dreg:$0x1] =	wrdreg $0xFFFFFFFF  }
0xc2: {  	_ =	task.clear_ibuf [dreg:s6], $0x2FFFF;
	_ =	strace $0x9FFFFFFF  }
0xc3: {  	(tm) =	ssettm $0x7FFFFFFF  }
tec
execute0_lowered:
.L_overlay_start_1:
0x0: {  	(tag) =	ssettag $0x1  }
0x1: {  	s7 =	rddreg [dreg:$0x0];
	s1 =	srdreg.scid  }
0x2: {  	s0 =	stileid.u32;
	s2 =	rddreg [dreg:$0x1]  }
0x3: {  	s3 =	rddreg [dreg:$0x2];
	s4 =	simm.s32 $0x0;
	s19 =	simm.s32 $0x28A0  }
0x4: {  	s20 =	simm.s32 $0x5140;
	s21 =	simm.s32 $0x64;
	s22 =	simm.s32 $0x0  }
0x5: {  	s8 =	sand.u32 $0x1, s1;
	s31 =	sshll.u32 s0, $0x1;
	[smem:$0x7FF] =	sst s4  }
0x6: {  	s6 =	sadd.s32 $0x32000, s7;
	s15 =	sadd.s32 $0x3C400, s7;
	s12 =	smul.u32 $0x2700, s0  }
0x7: {  	s16 =	sadd.s32 $0x32600, s7;
	p0 =	seq.s32 s0, $0xF;
	s10 =	ssub.s32 $0x2, s8  }
0x8: {  	s5 =	sor.u32 s8, s31;
	s13 =	smul.u32 $0x27100, s8;
	s11 =	sshrl.u32 s10, $0x1  }
0x9: {  	_ =	strace $0x80000047;
	s5 =	smul.u32 $0x514, s5;
	s17 =	ssub.s32 s10, s11  }
0xa: {  	s10 =	sadd.s32 s12, s3;
	s11 =	sadd.s32 $0x24900, s2;
	s14 =	sadd.s32 s12, s13  }
0xb: {  	s18 =	sshrl.u32 s13, $0x3;
	s9 =	sadd.s32 s5, s7;
	s5 =	sadd.s32 $0x31E00, s7  }
0xc: {  	s14 =	sshrl.u32 s14, $0x3;
	s18 =	sadd.s32 $0x4920, s18;
	s17 =	smax.u32 s17, $0x1  }
0xd: {  	s7 =	sadd.s32 $0x27A00, s9;
	s8 =	sadd.s32 $0x10600, s9;
	s9 =	sadd.s32 s12, s2  }
0xe: {  	s12 =	sadd.s32 $0x24900, s3;
	s13 =	sadd.s32 s15, s14;
	s14 =	sadd.s32 s16, s14  }
0xf: {  	s15 =	sadd.s32 s15, s18;
	s16 =	sadd.s32 s16, s18;
	s18 =	simm.s32 $0x1  }
.LBB2_1:
0x10: {  	[tilespmem:s4], [sflag:$0x1] =	stream.linear.gather [hbm4b:s7+s4], $0x28A0, $0x38;
	[tilespmem:$0xA5A0] =	vst v63  }
0x11: {  	_ =	swait.ge [sflag:s18], $0x28A0  }
0x12: {  	[sflag:s18] =	ssyncset.done $0x0  }
0x13: {  	[sflag:s18] =	ssyncadd.s32 $0xFFFFD760  }
0x14: {  	[tilespmem:s19], [sflag:$0x1] =	stream.linear.gather [hbm4b:s8+s4], $0x28A0, $0x38;
	[tilespmem:$0xA5A0] =	vst v63  }
0x15: {  	_ =	swait.ge [sflag:s18], $0x28A0  }
0x16: {  	[sflag:s18] =	ssyncset.done $0x0  }
0x17: {  	[sflag:s18] =	ssyncadd.s32 $0xFFFFD760  }
0x18: {  	[tilespmem:s20], [sflag:$0x1] =	stream.linear.gather [hbm4b:s5+s4], $0x640, $0x38;
	[tilespmem:$0xA5A0] =	vst v63  }
0x19: {  	_ =	swait.ge [sflag:s18], $0x640  }
0x1a: {  	s24 =	sshrl.u32 @p0 s11, $0x3;
	[sflag:s18] =	ssyncset.done $0x0  }
0x1b: {  	s23 =	simm.s32 @p0 $0x1FC1;
	s26 =	simm.s32 @p0 $0x1;
	[sflag:s18] =	ssyncadd.s32 $0xFFFFF9C0  }
0x1c: {  	[spmem:s24], [sflag:s23] =	dma.local @p0 [hbm:s6], $0x500  }
0x1d: {  	_ =	swait.ge @p0 [sflag:s26], $0x500  }
0x1e: {  	[sflag:s26] =	ssyncset.done @p0 $0x0  }
0x1f: {  	s25 =	sshrl.u32 @p0 s12, $0x3;
	[sflag:s26] =	ssyncadd.s32 @p0 $0xFFFFFB00  }
0x20: {  	[spmem:s25], [sflag:s23] =	dma.local @p0 [hbm:s6], $0x500  }
0x21: {  	_ =	swait.ge @p0 [sflag:s26], $0x500  }
0x22: {  	s29 =	simm.s32 @!p0 $0x1;
	s23 =	sshll.u32 @!p0 s0, $0x6;
	[sflag:s26] =	ssyncset.done @p0 $0x0  }
0x23: {  	s23 =	sor.u32 @!p0 $0x1C01, s23;
	[sflag:s26] =	ssyncadd.s32 @p0 $0xFFFFFB00;
	s26 =	sshrl.u32 @!p0 s9, $0x3  }
0x24: {  	[spmem:s26], [sflag:s23] =	dma.local @!p0 [hbm:s6], $0x4E0  }
0x25: {  	_ =	swait.ge @!p0 [sflag:s29], $0x4E0  }
0x26: {  	[sflag:s29] =	ssyncset.done @!p0 $0x0  }
0x27: {  	s28 =	sshrl.u32 @!p0 s10, $0x3;
	[sflag:s29] =	ssyncadd.s32 @!p0 $0xFFFFFB20  }
0x28: {  	[spmem:s28], [sflag:s23] =	dma.local @!p0 [hbm:s6], $0x4E0  }
0x29: {  	_ =	swait.ge @!p0 [sflag:s29], $0x4E0  }
0x2a: {  	[sflag:s29] =	ssyncset.done @!p0 $0x0  }
0x2b: {  	[sflag:s29] =	ssyncadd.s32 @!p0 $0xFFFFFB20  }
0x2c: {  	s29 =	simm.s32 $0x0;
	[bflag:$0x0] =	sbarrier.arrive $0xFFFF  }
0x2d: {  	[spmem:s2] =	stream.indirect.scatter.add.f32 [tilespmem:s20], [sflag:$0x1], $0x10, s29, s21, $0xb8;
	[tilespmem:$0xA5A0] =	vst v63  }
0x2e: {  	_ =	swait.ge [sflag:s18], $0x640  }
0x2f: {  	[sflag:s18] =	ssyncset.done $0x0  }
0x30: {  	s29 =	simm.s32 $0x28A0;
	[sflag:s18] =	ssyncadd.s32 $0xFFFFF9C0  }
0x31: {  	[spmem:s3] =	stream.indirect.scatter.add.f32 [tilespmem:s20], [sflag:$0x1], $0x10, s29, s21, $0xb8;
	[tilespmem:$0xA5A0] =	vst v63  }
0x32: {  	_ =	swait.ge [sflag:s18], $0x640  }
0x33: {  	s30 =	simm.s32 $0x340;
	s29 =	simm.s32 $0x1A0;
	[sflag:s18] =	ssyncset.done $0x0  }
.LBB2_2:
0x34: {  	s31 =	sshra.s32 s29, $0x2  }
0x35: {  	[sflag:s18] =	ssyncadd.s32 $0xFFFFF9C0;
	s29 =	smov.u32 s30;
	s1 =	sadd.s32 $0x1A0, s30  }
0x36: {  	[spmem:s2] =	stream.indirect.scatter.add.f32 [tilespmem:s20], [sflag:$0x1], $0x10, s31, s21, $0xb8;
	[tilespmem:$0xA5A0] =	vst v63  }
0x37: {  	p1 =	sne.s32 s30, $0xA0E0;
	_ =	swait.ge [sflag:s18], $0x640  }
.Ltmp0:
0x38: {  	[sflag:s18] =	ssyncset.done $0x0;
	(pc) =	sbr.rel @p1 .LBB2_2-.Ltmp0, $4  }
0x39: {  	s30 =	sadd.s32 $0x28A0, s31;
	[sflag:s18] =	ssyncadd.s32 $0xFFFFF9C0  }
0x3a: {  	[spmem:s3] =	stream.indirect.scatter.add.f32 [tilespmem:s20], [sflag:$0x1], $0x10, s30, s21, $0xb8;
	[tilespmem:$0xA5A0] =	vst v63  }
0x3b: {  	_ =	swait.ge [sflag:s18], $0x640  }
0x3c: {  	s30 =	smov.u32 s1;
	[sflag:s18] =	ssyncset.done $0x0  }
0x3d: {  	s1 =	sshra.s32 s29, $0x2;
	[sflag:s18] =	ssyncadd.s32 $0xFFFFF9C0  }
0x3e: {  	[spmem:s2] =	stream.indirect.scatter.add.f32 [tilespmem:s20], [sflag:$0x1], $0x10, s1, s21, $0xb8;
	[tilespmem:$0xA5A0] =	vst v63  }
0x3f: {  	_ =	swait.ge [sflag:s18], $0x640  }
0x40: {  	[sflag:s18] =	ssyncset.done $0x0  }
0x41: {  	s1 =	sadd.s32 $0x28A0, s1;
	[sflag:s18] =	ssyncadd.s32 $0xFFFFF9C0  }
0x42: {  	[spmem:s3] =	stream.indirect.scatter.add.f32 [tilespmem:s20], [sflag:$0x1], $0x10, s1, s21, $0xb8;
	[tilespmem:$0xA5A0] =	vst v63  }
0x43: {  	_ =	swait.ge [sflag:s18], $0x640  }
0x44: {  	[sflag:s18] =	ssyncset.done $0x0  }
0x45: {  	[sflag:s18] =	ssyncadd.s32 $0xFFFFF9C0  }
0x46: {  	s1 =	simm.s32 @p0 $0x1FC1;
	[bflag:$0x0] =	sbarrier.arrive $0xFFFF  }
0x47: {  	[hbm:s15], [sflag:s1] =	dma.local @p0 [spmem:s24], $0x500  }
0x48: {  	s24 =	simm.s32 @p0 $0x1  }
0x49: {  	_ =	swait.ge @p0 [sflag:s24], $0x500  }
0x4a: {  	[sflag:s24] =	ssyncset.done @p0 $0x0  }
0x4b: {  	[sflag:s24] =	ssyncadd.s32 @p0 $0xFFFFFB00  }
0x4c: {  	[hbm:s16], [sflag:s1] =	dma.local @p0 [spmem:s25], $0x500  }
0x4d: {  	_ =	swait.ge @p0 [sflag:s24], $0x500  }
0x4e: {  	[sflag:s24] =	ssyncset.done @p0 $0x0  }
0x4f: {  	s1 =	simm.s32 @!p0 $0x1;
	[sflag:s24] =	ssyncadd.s32 @p0 $0xFFFFFB00  }
0x50: {  	[hbm:s13], [sflag:s23] =	dma.local @!p0 [spmem:s26], $0x4E0  }
0x51: {  	s22 =	sadd.s32 $0x1, s22;
	_ =	swait.ge @!p0 [sflag:s1], $0x4E0  }
0x52: {  	p1 =	sne.s32 s22, s17;
	[sflag:s1] =	ssyncset.done @!p0 $0x0  }
.Ltmp1:
0x53: {  	[sflag:s1] =	ssyncadd.s32 @!p0 $0xFFFFFB20;
	(pc) =	sbr.rel @p1 .LBB2_1-.Ltmp1, $4  }
0x54: {  	[hbm:s14], [sflag:s23] =	dma.local @!p0 [spmem:s28], $0x4E0  }
0x55: {  	_ =	swait.ge @!p0 [sflag:s1], $0x4E0  }
0x56: {  	[sflag:s1] =	ssyncset.done @!p0 $0x0  }
0x57: {  	[sflag:s1] =	ssyncadd.s32 @!p0 $0xFFFFFB20  }
0x58: {  	_ =	sfence.sel $0x180000  }
0x59: {  	[bflag:$0x0] =	sbarrier.arrive $0xFFFF  }
0x5a: {  	_ =	strace $0x90000047  }
0x5b: {  	[bflag:$0x2] =	sbarrier.arrive $0xFFFF  }
0x5c: {  	p0 =	sne.s32 s0, $0x0;
	s0 =	rddreg [dreg:$0x3]  }
0x5d: {  	s0 =	sadd.s32 @!p0 $0x100000, s0  }
0x5e: {  	[sflag:s0] =	ssyncadd.tile.s32 @!p0 $0x1;
	_ =	shalt  }
.Lfunc_end2:
_tile_overlayer_lowered:
.L_overlay_start_2:
0x5f: {  	(tag) =	ssettag $0x2  }
0x60: {  	s0 =	rddreg [dreg:$0x0];
	s2 =	stileid.u32  }
0x61: {  	s1 =	rddreg [dreg:$0x1];
	p0 =	sne.s32 s2, $0x0  }
0x62: {  	s3 =	rddreg [dreg:$0x2];
	[bflag:$0x3] =	sbarrier.arrive $0xFFFF;
	s2 =	simm.s32 @!p0 $0x1C01  }
0x63: {  	[timem:s3], [sflag:s2] =	dma.local @!p0 [hbm:s0], s1  }
0x64: {  	s0 =	simm.s32 @!p0 $0x1  }
0x65: {  	_ =	swait.ge @!p0 [sflag:s0], s1  }
0x66: {  	s1 =	ssub.s32 @!p0 $0x0, s1;
	[sflag:s0] =	ssyncset.done @!p0 $0x0  }
0x67: {  	[sflag:s0] =	ssyncadd.s32 @!p0 s1  }
0x68: {  	[bflag:$0x3] =	sbarrier.arrive $0xFFFF  }
0x69: {  	_ =	shalt  }

// kernel: kernel.14.cloned.1.call-start
scs
__scs_entry_jumppad:
0x0: {  	(pc) =	sbr.rel $0x88, $3  }
0x1: {  	(tag) =	ssettag $0x0;
	lr =	simm.s32 $0x1  }
0x2: {  	[smem:$0x3F92] =	sst lr;
	_ =	strace $0xD0000000  }
0x3: {  	_ = 	snop  }
0x4: {  	_ = 	snop  }
0x5: {  	_ = 	snop  }
0x6: {  	_ = 	snop  }
0x7: {  	_ = 	snop  }
__scs_overlays_trampoline_lowered:
0x8: {  	[smem:$0x3FA1] =	sst s0  }
0x9: {  	[smem:$0x3FA2] =	sst s1  }
0xa: {  	[smem:$0x3FA3] =	sst s2  }
0xb: {  	[smem:$0x3FA4] =	sst s3  }
0xc: {  	[smem:$0x3FA5] =	sst s4  }
0xd: {  	[smem:$0x3FA6] =	sst s5  }
0xe: {  	[smem:$0x3FA7] =	sst s6  }
0xf: {  	[smem:$0x3FA8] =	sst s7  }
0x10: {  	[smem:$0x3FA9] =	sst s8  }
0x11: {  	[smem:$0x3FAA] =	sst s9;
	s0 =	simm.s32 @!p0 $0x0  }
0x12: {  	s1 =	sld [smem:$0x3F90];
	s0 =	simm.s32 @p0 $0x1  }
0x13: {  	[smem:$0x3FAB] =	sst s0;
	s0 =	simm.s32 @!p1 $0x0  }
0x14: {  	s2 =	sld [smem:$0x3F8F];
	s0 =	simm.s32 @p1 $0x1  }
0x15: {  	[smem:$0x3FAC] =	sst s0;
	s0 =	simm.s32 @!p2 $0x0  }
0x16: {  	s3 =	sld [smem:$0x3FDB];
	s0 =	simm.s32 @p2 $0x1  }
0x17: {  	s4 =	simm.s32 $0x1BF5;
	[smem:$0x3FAE] =	sst s0  }
0x18: {  	s0 =	sld [smem:$0x3F91];
	_ =	swait.ge [sflag:s4], $0x0  }
0x19: {  	s7 =	sld [smem:$0x3F92]  }
0x1a: {  	s8 =	sadd.s32 $0xFFFFE003, lr  }
0x1b: {  	s9 =	sadd.s32 $0xFFFFFEF7, lr;
	s5 =	simm.s32 $0xFFFFFFFF;
	p2 =	slt.u32 s8, $0xFFFFF086  }
0x1c: {  	p1 =	slt.u32 s9, $0xF7A;
	s5 =	simm.s32 @!p2 $0x0  }
0x1d: {  	s5 =	simm.s32 @p1 $0x1;
	p0 =	seq.s32 s7, s2  }
0x1e: {  	s7 =	smul.u32 @!p0 $0xF7A, s2;
	p2 =	seq.s32 @!p0 s5, $0x0  }
0x1f: {  	s9 =	smul.u32 $0xF7A, s1;
	s8 =	simm.s32 @!p0 $0x1BF5;
	p2 =	por !p2, p0  }
0x20: {  	[sflag:s8] =	ssyncset.s32 @!p0 $0xFFFFF086;
	s6 =	sadd.s32 @!p0 s3, s7;
	s7 =	simm.s32 @!p0 $0x108  }
0x21: {  	s3 =	sadd.s32 s3, s9;
	s6 =	sadd.s32 @!p0 $0x88, s6;
	s7 =	simm.s32 @p2 $0x1082  }
0x22: {  	[simem:s7], [sflag:s8] =	dma.local @!p0 [hbm:s6], $0xF7A  }
0x23: {  	s9 =	sor.u32 $0xD0000000, s2;
	s6 =	simm.s32 $0x108;
	_ =	swait.ge @!p0 [sflag:s8], $0x0  }
0x24: {  	s3 =	sadd.s32 $0x88, s3;
	s6 =	simm.s32 @!p1 $0x1082;
	[sflag:s4] =	ssyncset.s32 $0xFFFFF086  }
0x25: {  	[simem:s6], [sflag:s4] =	dma.local [hbm:s3], $0xF7A  }
0x26: {  	[smem:$0x3F92] =	sst s1;
	(tag) =	ssettag s2;
	_ =	strace s9  }
0x27: {  	s1 =	sld [smem:$0x3FA2]  }
0x28: {  	s2 =	sld [smem:$0x3FA3]  }
0x29: {  	s4 =	sld [smem:$0x3FA5]  }
0x2a: {  	p0 =	seq.s32 s5, $0x0;
	s5 =	sld [smem:$0x3FA6]  }
0x2b: {  	s6 =	sld [smem:$0x3FA7]  }
0x2c: {  	s7 =	sld [smem:$0x3FA8]  }
0x2d: {  	s3 =	simm.s32 $0x108;
	s8 =	sld [smem:$0x3FA9]  }
0x2e: {  	s3 =	simm.s32 @!p0 $0x1082;
	s9 =	sld [smem:$0x3FAA]  }
0x2f: {  	lr =	sadd.s32 s0, s3;
	s0 =	sld [smem:$0x3FA1]  }
0x30: {  	s3 =	sld [smem:$0x3FA4]  }
0x31: {  	[smem:$0x3FAD] =	sst s10  }
0x32: {  	s10 =	sld [smem:$0x3FAB];
	_ =	sdelay $0x3  }
0x33: {  	p0 =	seq.s32 s10, $0x1;
	s10 =	sld [smem:$0x3FAD];
	_ =	sdelay $0x3  }
0x34: {  	[smem:$0x3FAD] =	sst s10  }
0x35: {  	s10 =	sld [smem:$0x3FAC];
	_ =	sdelay $0x3  }
0x36: {  	p1 =	seq.s32 s10, $0x1;
	s10 =	sld [smem:$0x3FAD];
	_ =	sdelay $0x3  }
0x37: {  	[smem:$0x3FAD] =	sst s10  }
0x38: {  	s10 =	sld [smem:$0x3FAE]  }
0x39: {  	_ = 	snop;
	(pc) =	sbr.ind lr, $3  }
0x3a: {  	_ = 	snop  }
0x3b: {  	_ = 	snop  }
0x3c: {  	p2 =	seq.s32 s10, $0x1;
	s10 =	sld [smem:$0x3FAD]  }
0x3d: {  	_ =	shalt  }
0x3e: {  	_ =	shalt  }
0x3f: {  	_ =	shalt  }
0x40: {  	_ =	shalt  }
0x41: {  	_ =	shalt  }
0x42: {  	_ =	shalt  }
0x43: {  	_ =	shalt  }
0x44: {  	_ =	shalt  }
0x45: {  	_ =	shalt  }
0x46: {  	_ =	shalt  }
0x47: {  	_ =	shalt  }
0x48: {  	_ =	shalt  }
0x49: {  	_ =	shalt  }
0x4a: {  	_ =	shalt  }
0x4b: {  	_ =	shalt  }
0x4c: {  	_ =	shalt  }
0x4d: {  	_ =	shalt  }
0x4e: {  	_ =	shalt  }
0x4f: {  	_ =	shalt  }
0x50: {  	_ =	shalt  }
0x51: {  	_ =	shalt  }
0x52: {  	_ =	shalt  }
0x53: {  	_ =	shalt  }
0x54: {  	_ =	shalt  }
0x55: {  	_ =	shalt  }
0x56: {  	_ =	shalt  }
0x57: {  	_ =	shalt  }
0x58: {  	_ =	shalt  }
0x59: {  	_ =	shalt  }
0x5a: {  	_ =	shalt  }
0x5b: {  	_ =	shalt  }
0x5c: {  	_ =	shalt  }
0x5d: {  	_ =	shalt  }
0x5e: {  	_ =	shalt  }
0x5f: {  	_ =	shalt  }
0x60: {  	_ =	shalt  }
0x61: {  	_ =	shalt  }
0x62: {  	_ =	shalt  }
0x63: {  	_ =	shalt  }
0x64: {  	_ =	shalt  }
0x65: {  	_ =	shalt  }
0x66: {  	_ =	shalt  }
0x67: {  	_ =	shalt  }
0x68: {  	_ =	shalt  }
0x69: {  	_ =	shalt  }
0x6a: {  	_ =	shalt  }
0x6b: {  	_ =	shalt  }
0x6c: {  	_ =	shalt  }
0x6d: {  	_ =	shalt  }
0x6e: {  	_ =	shalt  }
0x6f: {  	_ =	shalt  }
0x70: {  	_ =	shalt  }
0x71: {  	_ =	shalt  }
0x72: {  	_ =	shalt  }
0x73: {  	_ =	shalt  }
0x74: {  	_ =	shalt  }
0x75: {  	_ =	shalt  }
0x76: {  	_ =	shalt  }
0x77: {  	_ =	shalt  }
0x78: {  	_ =	shalt  }
0x79: {  	_ =	shalt  }
0x7a: {  	_ =	shalt  }
0x7b: {  	_ =	shalt  }
0x7c: {  	_ =	shalt  }
0x7d: {  	_ =	shalt  }
0x7e: {  	_ =	shalt  }
0x7f: {  	_ =	shalt  }
0x80: {  	_ =	shalt  }
0x81: {  	_ =	shalt  }
0x82: {  	_ =	shalt  }
0x83: {  	_ =	shalt  }
0x84: {  	_ =	shalt  }
0x85: {  	_ =	shalt  }
0x86: {  	_ =	shalt  }
0x87: {  	_ =	shalt  }
.Lfunc_end0:
.L_simem_size_0:
called_computation.1_lowered:
.L_overlay_start_0:
0x88: {  	s2 =	sld [smem:$0x3FD9]  }
0x89: {  	s3 =	sld [smem:$0x3FFE];
	_ =	sdelay $0x1  }
0x8a: {  	s1 =	srdreg.scid  }
0x8b: {  	s0 =	sand.u32 $0x1, s1  }
0x8c: {  	s16 =	sshll.u32 s0, $0xA;
	s2 =	sadd.s32 s3, s2  }
0x8d: {  	s2 =	sadd.s32 s2, s16  }
0x8e: {  	[smem:$0x3FB9] =	sst s2  }
0x8f: {  	_ = 	snop  }
0x90: {  	(tm) =	ssettm $0x1  }
0x91: {  	s17 =	sld [smem:$0x3FFB];
	_ =	sdelay $0x3  }
0x92: {  	_ =	strace s17  }
0x93: {  	s2 =	sld [smem:$0x3FFC];
	_ =	sdelay $0x3  }
0x94: {  	_ =	strace s2  }
0x95: {  	s2 =	sld [smem:$0x3FFD];
	_ =	sdelay $0x3  }
0x96: {  	_ =	strace s2  }
0x97: {  	_ =	strace $0x8FFFFFFF  }
0x98: {  	s18 =	sld [smem:$0x3FDB];
	_ =	sdelay $0x1  }
0x99: {  	s19 =	simm.s32 $_scs_section_size  }
0x9a: {  	s4 =	simm.s32 $_size__tile_overlayer_lowered;
	s5 =	simm.s32 $_tile_overlayer_lowered  }
0x9b: {  	s22 =	simm.s32 $0x1BFF;
	s21 =	sshll.u32 s5, $0x1;
	s2 =	sadd.s32 s19, s18  }
0x9c: {  	s6 =	simm.s32 $0x0;
	s20 =	sshll.u32 s4, $0x1;
	s4 =	sadd.s32 s21, s2  }
0x9d: {  	[timem:s6], [sflag:s22] =	dma.local [hbm:s4], s20  }
0x9e: {  	_ =	swait.ge [sflag:s22], s20  }
0x9f: {  	s3 =	ssub.s32 $0x0, s20;
	[sflag:s22] =	ssyncset.done $0x0  }
0xa0: {  	[sflag:s22] =	ssyncadd.s32 s3;
	_ =	sdelay $0x1  }
0xa1: {  	s23 =	simm.s32 $0x1B8B  }
0xa2: {  	_ =	swait.ge [sflag:s23], $0x1  }
0xa3: {  	[sflag:s23] =	ssyncset.done $0x0  }
0xa4: {  	s25 =	simm.s32 $0x1B8E;
	s24 =	sld [smem:$0x3FFE];
	[sflag:s23] =	ssyncadd.s32 $0xFFFFFFFF  }
0xa5: {  	s26 =	simm.s32 $execute0_lowered;
	[smem:$0x3FD2] =	sst s25  }
0xa6: {  	s4 =	sshll.u32 s26, $0x1;
	_ =	strace $0x80000049;
	[dreg:$0x1] =	wrdreg $0xFFFFFFFF  }
0xa7: {  	s28 =	simm.s32 $_size_execute0_lowered;
	s2 =	sadd.s32 s2, s4;
	[dreg:$0x0] =	wrdreg $0x0  }
0xa8: {  	s4 =	sshll.u32 s28, $0x1;
	[dreg:$0x2] =	wrdreg s2  }
0xa9: {  	[dreg:$0x3] =	wrdreg s4  }
0xaa: {  	[dreg:$0x4] =	wrdreg $0xC0  }
0xab: {  	_ =	task [dreg:s6], $0x5FFFF  }
0xac: {  	[dreg:$0x1] =	wrdreg $0xFFFFFFFF  }
0xad: {  	[dreg:$0x0] =	wrdreg $0x60  }
0xae: {  	[dreg:$0x2] =	wrdreg s24  }
0xaf: {  	[dreg:$0x3] =	wrdreg $0xA0000  }
0xb0: {  	[dreg:$0x4] =	wrdreg $0x9  }
0xb1: {  	_ =	task.clear_ibuf [dreg:s6], $0x5FFFF;
	_ =	strace $0x90000049  }
0xb2: {  	s29 =	simm.s32 $0x9;
	_ =	strace $0x8000004B  }
0xb3: {  	_ =	swait.ge [sflag:s29], $0x1  }
0xb4: {  	[sflag:s29] =	ssyncadd.s32 $0xFFFFFFFF  }
0xb5: {  	_ =	strace $0x9000004B  }
0xb6: {  	_ =	sfence  }
0xb7: {  	s30 =	sld [smem:$0x0];
	_ =	sdelay $0x2  }
0xb8: {  	s31 =	sshll.u32 s1, $0xD;
	s1 =	sshrl.u32 s1, $0x2  }
0xb9: {  	s3 =	sand.u32 $0x4000, s31;
	s1 =	sadd.s32 s1, s30  }
0xba: {  	s0 =	sor.u32 s3, s0;
	s1 =	sshll.u32 s1, $0x11  }
0xbb: {  	s0 =	sor.u32 s1, s0  }
0xbc: {  	s0 =	sadd.s32 $0x8F2B, s0  }
0xbd: {  	[sflag:s0] =	ssyncadd.remote.s32 $0x1  }
0xbe: {  	_ =	sfence.sel $0xFFFF  }
0xbf: {  	[dreg:$0x0] =	wrdreg $0xFFFFFFFF;
	(pc) =	sbr.abs _section_cstart, $3  }
0xc0: {  	[dreg:$0x1] =	wrdreg $0xFFFFFFFF  }
0xc1: {  	_ =	task.clear_ibuf [dreg:s6], $0x2FFFF;
	_ =	strace $0x9FFFFFFF  }
0xc2: {  	(tm) =	ssettm $0x7FFFFFFF  }
0xc3: {  	_ =	shalt  }
tec
execute0_lowered:
.L_overlay_start_1:
0x0: {  	(tag) =	ssettag $0x1  }
0x1: {  	s6 =	rddreg [dreg:$0x0]  }
0x2: {  	s1 =	rddreg [dreg:$0x1];
	s2 =	simm.s32 $0x0  }
0x3: {  	s5 =	srdreg.scid;
	s0 =	stileid.u32;
	s18 =	simm.s32 $0x64  }
0x4: {  	s19 =	simm.s32 $0x3800;
	s20 =	simm.s32 $0x1;
	s21 =	simm.s32 $0x6C00  }
0x5: {  	s28 =	simm.s32 $0x3500;
	s29 =	simm.s32 $0x3580;
	s30 =	simm.s32 $0x0  }
0x6: {  	[smem:$0x7FF] =	sst s2;
	s4 =	sadd.s32 $0x27A00, s6;
	s8 =	sadd.s32 $0x1AA00, s6  }
0x7: {  	s9 =	sadd.s32 $0x3600, s6;
	s7 =	sand.u32 $0x1, s5;
	s22 =	sshll.u32 s0, $0x1  }
0x8: {  	s12 =	smul.u32 $0x4E000, s0;
	s5 =	sadd.s32 $0x10600, s6;
	s14 =	sadd.s32 $0x4EC00, s6  }
0x9: {  	s16 =	sadd.s32 $0x124800, s1;
	s17 =	smul.u32 $0x13800, s0;
	p0 =	seq.s32 s0, $0xF  }
0xa: {  	_ =	strace $0x8000004A;
	s10 =	ssub.s32 $0x2, s7;
	s11 =	sor.u32 s7, s22  }
0xb: {  	s25 =	smul.u32 $0x138800, s7;
	s22 =	simm.s32 $0x2;
	s13 =	sshrl.u32 s10, $0x1  }
0xc: {  	s11 =	smul.u32 $0x3400, s11;
	s23 =	sshrl.u32 s12, $0x2;
	s13 =	ssub.s32 s10, s13  }
0xd: {  	s15 =	sadd.s32 s23, s1;
	s31 =	sadd.s32 s17, s25;
	s17 =	simm.s32 $0x1C00  }
0xe: {  	s23 =	simm.s32 $0x1780;
	s24 =	sshrl.u32 s11, $0x3;
	s11 =	sshrl.u32 s25, $0x3  }
0xf: {  	s10 =	sshrl.u32 s31, $0x3;
	s12 =	smax.u32 s13, $0x1;
	s13 =	sshrl.u32 @p0 s16, $0x3  }
0x10: {  	s15 =	sshrl.u32 @!p0 s15, $0x3;
	s16 =	simm.s32 $0x3;
	s25 =	simm.s32 $0x3380  }
0x11: {  	s26 =	sadd.s32 $0x300, s24;
	s6 =	sadd.s32 s8, s24;
	s7 =	sadd.s32 s9, s24  }
0x12: {  	s11 =	sadd.s32 s14, s11;
	s10 =	sadd.s32 s14, s10;
	s14 =	sshll.u32 @!p0 s0, $0x6  }
0x13: {  	s24 =	simm.s32 $0x3300;
	s8 =	sadd.s32 s8, s26;
	s9 =	sadd.s32 s9, s26  }
0x14: {  	s11 =	sadd.s32 $0x24900, s11;
	s14 =	sor.u32 @!p0 $0x1C03, s14;
	s26 =	simm.s32 $0x1980  }
.LBB2_1:
0x15: {  	s31 =	simm.s32 @p0 $0x1FC3  }
0x16: {  	[spmem:s13], [sflag:s31] =	dma.local @p0 [hbm:s5], $0x2800  }
0x17: {  	s31 =	simm.s32 @p0 $0x3  }
0x18: {  	_ =	swait.ge @p0 [sflag:s31], $0x2800  }
0x19: {  	[sflag:s31] =	ssyncset.done @p0 $0x0  }
0x1a: {  	[sflag:s31] =	ssyncadd.s32 @p0 $0xFFFFD800;
	s31 =	simm.s32 @!p0 $0x3  }
0x1b: {  	[spmem:s15], [sflag:s14] =	dma.local @!p0 [hbm:s5], $0x2700  }
0x1c: {  	_ =	swait.ge @!p0 [sflag:s31], $0x2700  }
0x1d: {  	[sflag:s31] =	ssyncset.done @!p0 $0x0  }
0x1e: {  	[sflag:s31] =	ssyncadd.s32 @!p0 $0xFFFFD900  }
0x1f: {  	[bflag:$0x0] =	sbarrier.arrive $0xFFFF  }
0x20: {  	[tilespmem:s2], [sflag:$0x3] =	stream.linear.gather [hbm4b:s6+s2], $0x1800, $0x38;
	[tilespmem:$0x1D880] =	vst v63  }
0x21: {  	_ =	swait.ge [sflag:s16], $0x1800  }
0x22: {  	[sflag:s16] =	ssyncset.done $0x0  }
0x23: {  	[sflag:s16] =	ssyncadd.s32 $0xFFFFE800  }
0x24: {  	[tilespmem:s17], [sflag:$0x3] =	stream.linear.gather [hbm4b:s7+s2], $0x1800, $0x38;
	[tilespmem:$0x1D880] =	vst v63  }
0x25: {  	_ =	swait.ge [sflag:s16], $0x1800  }
0x26: {  	[sflag:s16] =	ssyncset.done $0x0  }
0x27: {  	[sflag:s16] =	ssyncadd.s32 $0xFFFFE800  }
0x28: {  	[tilespmem:s19], [sflag:$0x1] =	stream.indirect.gather [hbm4b:s4+s18], $0x80, s2, s18, $0xb8;
	[tilespmem:$0x1D880] =	vst v63  }
0x29: {  	_ =	swait.ge [sflag:s20], $0x3200  }
0x2a: {  	[sflag:s20] =	ssyncset.done $0x0  }
0x2b: {  	s31 =	simm.s32 $0x80;
	[sflag:s20] =	ssyncadd.s32 $0xFFFFCE00  }
0x2c: {  	[tilespmem:s21], [sflag:$0x2] =	stream.indirect.gather [hbm4b:s4+s18], $0x80, s31, s18, $0xb8;
	[tilespmem:$0x1D880] =	vst v63  }
0x2d: {  	s31 =	simm.s32 $0x1C00  }
0x2e: {  	[spmem:s1] =	stream.indirect.scatter.add.f32 [tilespmem:s19], [sflag:$0x3], $0x80, s31, s18, $0xb8;
	[tilespmem:$0x1D880] =	vst v63  }
0x2f: {  	_ =	swait.ge [sflag:s16], $0x3200  }
0x30: {  	[sflag:s16] =	ssyncset.done $0x0  }
0x31: {  	[sflag:s16] =	ssyncadd.s32 $0xFFFFCE00  }
0x32: {  	_ =	swait.ge [sflag:s22], $0x3200  }
0x33: {  	[sflag:s22] =	ssyncset.done $0x0  }
0x34: {  	s31 =	simm.s32 $0x100;
	[sflag:s22] =	ssyncadd.s32 $0xFFFFCE00  }
0x35: {  	[tilespmem:s19], [sflag:$0x1] =	stream.indirect.gather [hbm4b:s4+s18], $0x80, s31, s18, $0xb8;
	[tilespmem:$0x1D880] =	vst v63  }
0x36: {  	s31 =	simm.s32 $0x1C80  }
0x37: {  	[spmem:s1] =	stream.indirect.scatter.add.f32 [tilespmem:s21], [sflag:$0x3], $0x80, s31, s18, $0xb8;
	[tilespmem:$0x1D880] =	vst v63  }
0x38: {  	_ =	swait.ge [sflag:s16], $0x3200  }
0x39: {  	s31 =	simm.s32 $0x400;
	[sflag:s16] =	ssyncset.done $0x0  }
.LBB2_2:
0x3a: {  	p1 =	sne.s32 s31, $0x5800  }
0x3b: {  	[sflag:s16] =	ssyncadd.s32 $0xFFFFCE00;
	s0 =	smov.u32 s31;
	s31 =	sadd.s32 $0x400, s31  }
0x3c: {  	_ = 	snop  }
0x3d: {  	_ =	swait.ge [sflag:s20], $0x3200  }
0x3e: {  	s0 =	sshra.s32 s0, $0x2;
	[sflag:s20] =	ssyncset.done $0x0  }
0x3f: {  	s3 =	sadd.s32 $0x80, s0;
	[sflag:s20] =	ssyncadd.s32 $0xFFFFCE00  }
0x40: {  	[tilespmem:s21], [sflag:$0x2] =	stream.indirect.gather [hbm4b:s4+s18], $0x80, s3, s18, $0xb8;
	[tilespmem:$0x1D880] =	vst v63  }
0x41: {  	s3 =	sadd.s32 $0x1C00, s0  }
0x42: {  	[spmem:s1] =	stream.indirect.scatter.add.f32 [tilespmem:s19], [sflag:$0x3], $0x80, s3, s18, $0xb8;
	[tilespmem:$0x1D880] =	vst v63  }
0x43: {  	_ =	swait.ge [sflag:s16], $0x3200  }
0x44: {  	[sflag:s16] =	ssyncset.done $0x0  }
0x45: {  	[sflag:s16] =	ssyncadd.s32 $0xFFFFCE00  }
0x46: {  	_ =	swait.ge [sflag:s22], $0x3200  }
0x47: {  	[sflag:s22] =	ssyncset.done $0x0  }
0x48: {  	s3 =	sadd.s32 $0x100, s0;
	[sflag:s22] =	ssyncadd.s32 $0xFFFFCE00  }
0x49: {  	[tilespmem:s19], [sflag:$0x1] =	stream.indirect.gather [hbm4b:s4+s18], $0x80, s3, s18, $0xb8;
	[tilespmem:$0x1D880] =	vst v63  }
.Ltmp0:
0x4a: {  	_ = 	snop;
	(pc) =	sbr.rel @p1 .LBB2_2-.Ltmp0, $4  }
0x4b: {  	s0 =	sadd.s32 $0x1C80, s0  }
0x4c: {  	[spmem:s1] =	stream.indirect.scatter.add.f32 [tilespmem:s21], [sflag:$0x3], $0x80, s0, s18, $0xb8;
	[tilespmem:$0x1D880] =	vst v63  }
0x4d: {  	_ =	swait.ge [sflag:s16], $0x3200  }
0x4e: {  	[sflag:s16] =	ssyncset.done $0x0  }
0x4f: {  	[sflag:s16] =	ssyncadd.s32 $0xFFFFCE00  }
0x50: {  	_ =	swait.ge [sflag:s20], $0x3200  }
0x51: {  	[sflag:s20] =	ssyncset.done $0x0  }
0x52: {  	[sflag:s20] =	ssyncadd.s32 $0xFFFFCE00  }
0x53: {  	[tilespmem:s21], [sflag:$0x2] =	stream.indirect.gather [hbm4b:s4+s18], $0x80, s23, s18, $0xb8;
	[tilespmem:$0x1D880] =	vst v63  }
0x54: {  	_ = 	snop  }
0x55: {  	[spmem:s1] =	stream.indirect.scatter.add.f32 [tilespmem:s19], [sflag:$0x3], $0x80, s24, s18, $0xb8;
	[tilespmem:$0x1D880] =	vst v63  }
0x56: {  	_ =	swait.ge [sflag:s16], $0x3200  }
0x57: {  	[sflag:s16] =	ssyncset.done $0x0  }
0x58: {  	[sflag:s16] =	ssyncadd.s32 $0xFFFFCE00  }
0x59: {  	_ =	swait.ge [sflag:s22], $0x3200  }
0x5a: {  	[sflag:s22] =	ssyncset.done $0x0  }
0x5b: {  	[sflag:s22] =	ssyncadd.s32 $0xFFFFCE00  }
0x5c: {  	[spmem:s1] =	stream.indirect.scatter.add.f32 [tilespmem:s21], [sflag:$0x3], $0x80, s25, s18, $0xb8;
	[tilespmem:$0x1D880] =	vst v63  }
0x5d: {  	_ =	swait.ge [sflag:s16], $0x3200  }
0x5e: {  	[sflag:s16] =	ssyncset.done $0x0  }
0x5f: {  	s0 =	simm.s32 $0x0;
	[sflag:s16] =	ssyncadd.s32 $0xFFFFCE00  }
0x60: {  	[tilespmem:s0], [sflag:$0x3] =	stream.linear.gather [hbm4b:s8+s0], $0x1A00, $0x38;
	[tilespmem:$0x1D880] =	vst v63  }
0x61: {  	_ =	swait.ge [sflag:s16], $0x1A00  }
0x62: {  	[sflag:s16] =	ssyncset.done $0x0  }
0x63: {  	[sflag:s16] =	ssyncadd.s32 $0xFFFFE600  }
0x64: {  	[tilespmem:s17], [sflag:$0x3] =	stream.linear.gather [hbm4b:s9+s0], $0x1A00, $0x38;
	[tilespmem:$0x1D880] =	vst v63  }
0x65: {  	_ =	swait.ge [sflag:s16], $0x1A00  }
0x66: {  	[sflag:s16] =	ssyncset.done $0x0  }
0x67: {  	[sflag:s16] =	ssyncadd.s32 $0xFFFFE600  }
0x68: {  	[tilespmem:s19], [sflag:$0x1] =	stream.indirect.gather [hbm4b:s4+s18], $0x80, s0, s18, $0xb8;
	[tilespmem:$0x1D880] =	vst v63  }
0x69: {  	_ =	swait.ge [sflag:s20], $0x3200  }
0x6a: {  	[sflag:s20] =	ssyncset.done $0x0  }
0x6b: {  	s3 =	simm.s32 $0x80;
	[sflag:s20] =	ssyncadd.s32 $0xFFFFCE00  }
0x6c: {  	[tilespmem:s21], [sflag:$0x2] =	stream.indirect.gather [hbm4b:s4+s18], $0x80, s3, s18, $0xb8;
	[tilespmem:$0x1D880] =	vst v63  }
0x6d: {  	s3 =	simm.s32 $0x1C00  }
0x6e: {  	[spmem:s1] =	stream.indirect.scatter.add.f32 [tilespmem:s19], [sflag:$0x3], $0x80, s3, s18, $0xb8;
	[tilespmem:$0x1D880] =	vst v63  }
0x6f: {  	_ =	swait.ge [sflag:s16], $0x3200  }
0x70: {  	[sflag:s16] =	ssyncset.done $0x0  }
0x71: {  	[sflag:s16] =	ssyncadd.s32 $0xFFFFCE00  }
0x72: {  	_ =	swait.ge [sflag:s22], $0x3200  }
0x73: {  	[sflag:s22] =	ssyncset.done $0x0  }
0x74: {  	s3 =	simm.s32 $0x100;
	[sflag:s22] =	ssyncadd.s32 $0xFFFFCE00  }
0x75: {  	[tilespmem:s19], [sflag:$0x1] =	stream.indirect.gather [hbm4b:s4+s18], $0x80, s3, s18, $0xb8;
	[tilespmem:$0x1D880] =	vst v63  }
0x76: {  	s3 =	simm.s32 $0x1C80  }
0x77: {  	[spmem:s1] =	stream.indirect.scatter.add.f32 [tilespmem:s21], [sflag:$0x3], $0x80, s3, s18, $0xb8;
	[tilespmem:$0x1D880] =	vst v63  }
0x78: {  	_ =	swait.ge [sflag:s16], $0x3200  }
0x79: {  	s31 =	simm.s32 $0x400;
	[sflag:s16] =	ssyncset.done $0x0  }
.LBB2_4:
0x7a: {  	p1 =	sne.s32 s31, $0x6000  }
0x7b: {  	[sflag:s16] =	ssyncadd.s32 $0xFFFFCE00;
	s0 =	smov.u32 s31;
	s31 =	sadd.s32 $0x400, s31  }
0x7c: {  	_ = 	snop  }
0x7d: {  	_ =	swait.ge [sflag:s20], $0x3200  }
0x7e: {  	s0 =	sshra.s32 s0, $0x2;
	[sflag:s20] =	ssyncset.done $0x0  }
0x7f: {  	s3 =	sadd.s32 $0x80, s0;
	[sflag:s20] =	ssyncadd.s32 $0xFFFFCE00  }
0x80: {  	[tilespmem:s21], [sflag:$0x2] =	stream.indirect.gather [hbm4b:s4+s18], $0x80, s3, s18, $0xb8;
	[tilespmem:$0x1D880] =	vst v63  }
0x81: {  	s3 =	sadd.s32 $0x1C00, s0  }
0x82: {  	[spmem:s1] =	stream.indirect.scatter.add.f32 [tilespmem:s19], [sflag:$0x3], $0x80, s3, s18, $0xb8;
	[tilespmem:$0x1D880] =	vst v63  }
0x83: {  	_ =	swait.ge [sflag:s16], $0x3200  }
0x84: {  	[sflag:s16] =	ssyncset.done $0x0  }
0x85: {  	[sflag:s16] =	ssyncadd.s32 $0xFFFFCE00  }
0x86: {  	_ =	swait.ge [sflag:s22], $0x3200  }
0x87: {  	[sflag:s22] =	ssyncset.done $0x0  }
0x88: {  	s3 =	sadd.s32 $0x100, s0;
	[sflag:s22] =	ssyncadd.s32 $0xFFFFCE00  }
0x89: {  	[tilespmem:s19], [sflag:$0x1] =	stream.indirect.gather [hbm4b:s4+s18], $0x80, s3, s18, $0xb8;
	[tilespmem:$0x1D880] =	vst v63  }
.Ltmp1:
0x8a: {  	_ = 	snop;
	(pc) =	sbr.rel @p1 .LBB2_4-.Ltmp1, $4  }
0x8b: {  	s0 =	sadd.s32 $0x1C80, s0  }
0x8c: {  	[spmem:s1] =	stream.indirect.scatter.add.f32 [tilespmem:s21], [sflag:$0x3], $0x80, s0, s18, $0xb8;
	[tilespmem:$0x1D880] =	vst v63  }
0x8d: {  	_ =	swait.ge [sflag:s16], $0x3200  }
0x8e: {  	[sflag:s16] =	ssyncset.done $0x0  }
0x8f: {  	[sflag:s16] =	ssyncadd.s32 $0xFFFFCE00  }
0x90: {  	_ =	swait.ge [sflag:s20], $0x3200  }
0x91: {  	[sflag:s20] =	ssyncset.done $0x0  }
0x92: {  	[sflag:s20] =	ssyncadd.s32 $0xFFFFCE00  }
0x93: {  	[tilespmem:s21], [sflag:$0x2] =	stream.indirect.gather [hbm4b:s4+s18], $0x80, s26, s18, $0xb8;
	[tilespmem:$0x1D880] =	vst v63  }
0x94: {  	_ = 	snop  }
0x95: {  	[spmem:s1] =	stream.indirect.scatter.add.f32 [tilespmem:s19], [sflag:$0x3], $0x80, s28, s18, $0xb8;
	[tilespmem:$0x1D880] =	vst v63  }
0x96: {  	_ =	swait.ge [sflag:s16], $0x3200  }
0x97: {  	[sflag:s16] =	ssyncset.done $0x0  }
0x98: {  	[sflag:s16] =	ssyncadd.s32 $0xFFFFCE00  }
0x99: {  	_ =	swait.ge [sflag:s22], $0x3200  }
0x9a: {  	[sflag:s22] =	ssyncset.done $0x0  }
0x9b: {  	[sflag:s22] =	ssyncadd.s32 $0xFFFFCE00  }
0x9c: {  	[spmem:s1] =	stream.indirect.scatter.add.f32 [tilespmem:s21], [sflag:$0x3], $0x80, s29, s18, $0xb8;
	[tilespmem:$0x1D880] =	vst v63  }
0x9d: {  	_ =	swait.ge [sflag:s16], $0x3200  }
0x9e: {  	[sflag:s16] =	ssyncset.done $0x0  }
0x9f: {  	[sflag:s16] =	ssyncadd.s32 $0xFFFFCE00  }
0xa0: {  	s0 =	simm.s32 @p0 $0x1FC3;
	[bflag:$0x0] =	sbarrier.arrive $0xFFFF  }
0xa1: {  	[hbm:s11], [sflag:s0] =	dma.local @p0 [spmem:s13], $0x2800  }
0xa2: {  	s0 =	simm.s32 @p0 $0x3  }
0xa3: {  	s30 =	sadd.s32 $0x1, s30;
	_ =	swait.ge @p0 [sflag:s0], $0x2800  }
0xa4: {  	p1 =	sne.s32 s30, s12;
	[sflag:s0] =	ssyncset.done @p0 $0x0  }
.Ltmp2:
0xa5: {  	[sflag:s0] =	ssyncadd.s32 @p0 $0xFFFFD800;
	s0 =	simm.s32 @!p0 $0x3;
	(pc) =	sbr.rel @p1 .LBB2_1-.Ltmp2, $4  }
0xa6: {  	[hbm:s10], [sflag:s14] =	dma.local @!p0 [spmem:s15], $0x2700  }
0xa7: {  	_ =	swait.ge @!p0 [sflag:s0], $0x2700  }
0xa8: {  	[sflag:s0] =	ssyncset.done @!p0 $0x0  }
0xa9: {  	[sflag:s0] =	ssyncadd.s32 @!p0 $0xFFFFD900  }
0xaa: {  	_ =	sfence.sel $0x180000  }
0xab: {  	[bflag:$0x0] =	sbarrier.arrive $0xFFFF  }
0xac: {  	_ =	strace $0x9000004A  }
0xad: {  	s0 =	stileid.u32;
	[bflag:$0x2] =	sbarrier.arrive $0xFFFF  }
0xae: {  	p0 =	sne.s32 s0, $0x0;
	s0 =	rddreg [dreg:$0x2]  }
0xaf: {  	s0 =	sadd.s32 @!p0 $0x100000, s0  }
0xb0: {  	[sflag:s0] =	ssyncadd.tile.s32 @!p0 $0x1;
	_ =	shalt  }
.Lfunc_end2:
_tile_overlayer_lowered:
.L_overlay_start_2:
0xb1: {  	(tag) =	ssettag $0x2  }
0xb2: {  	s0 =	rddreg [dreg:$0x0];
	s2 =	stileid.u32  }
0xb3: {  	s1 =	rddreg [dreg:$0x1];
	p0 =	sne.s32 s2, $0x0  }
0xb4: {  	s3 =	rddreg [dreg:$0x2];
	[bflag:$0x3] =	sbarrier.arrive $0xFFFF;
	s2 =	simm.s32 @!p0 $0x1C03  }
0xb5: {  	[timem:s3], [sflag:s2] =	dma.local @!p0 [hbm:s0], s1  }
0xb6: {  	s0 =	simm.s32 @!p0 $0x3  }
0xb7: {  	_ =	swait.ge @!p0 [sflag:s0], s1  }
0xb8: {  	s1 =	ssub.s32 @!p0 $0x0, s1;
	[sflag:s0] =	ssyncset.done @!p0 $0x0  }
0xb9: {  	[sflag:s0] =	ssyncadd.s32 @!p0 s1  }
0xba: {  	[bflag:$0x3] =	sbarrier.arrive $0xFFFF  }
0xbb: {  	_ =	shalt  }

// kernel: kernel.17.cloned.1.call-start
scs
__scs_entry_jumppad:
0x0: {  	(pc) =	sbr.rel $0x88, $3  }
0x1: {  	(tag) =	ssettag $0x0;
	lr =	simm.s32 $0x1  }
0x2: {  	[smem:$0x3F92] =	sst lr;
	_ =	strace $0xD0000000  }
0x3: {  	_ = 	snop  }
0x4: {  	_ = 	snop  }
0x5: {  	_ = 	snop  }
0x6: {  	_ = 	snop  }
0x7: {  	_ = 	snop  }
__scs_overlays_trampoline_lowered:
0x8: {  	[smem:$0x3FA1] =	sst s0  }
0x9: {  	[smem:$0x3FA2] =	sst s1  }
0xa: {  	[smem:$0x3FA3] =	sst s2  }
0xb: {  	[smem:$0x3FA4] =	sst s3  }
0xc: {  	[smem:$0x3FA5] =	sst s4  }
0xd: {  	[smem:$0x3FA6] =	sst s5  }
0xe: {  	[smem:$0x3FA7] =	sst s6  }
0xf: {  	[smem:$0x3FA8] =	sst s7  }
0x10: {  	[smem:$0x3FA9] =	sst s8  }
0x11: {  	[smem:$0x3FAA] =	sst s9;
	s0 =	simm.s32 @!p0 $0x0  }
0x12: {  	s1 =	sld [smem:$0x3F90];
	s0 =	simm.s32 @p0 $0x1  }
0x13: {  	[smem:$0x3FAB] =	sst s0;
	s0 =	simm.s32 @!p1 $0x0  }
0x14: {  	s2 =	sld [smem:$0x3F8F];
	s0 =	simm.s32 @p1 $0x1  }
0x15: {  	[smem:$0x3FAC] =	sst s0;
	s0 =	simm.s32 @!p2 $0x0  }
0x16: {  	s3 =	sld [smem:$0x3FDB];
	s0 =	simm.s32 @p2 $0x1  }
0x17: {  	s4 =	simm.s32 $0x1BF5;
	[smem:$0x3FAE] =	sst s0  }
0x18: {  	s0 =	sld [smem:$0x3F91];
	_ =	swait.ge [sflag:s4], $0x0  }
0x19: {  	s7 =	sld [smem:$0x3F92]  }
0x1a: {  	s8 =	sadd.s32 $0xFFFFE003, lr  }
0x1b: {  	s9 =	sadd.s32 $0xFFFFFEF7, lr;
	s5 =	simm.s32 $0xFFFFFFFF;
	p2 =	slt.u32 s8, $0xFFFFF086  }
0x1c: {  	p1 =	slt.u32 s9, $0xF7A;
	s5 =	simm.s32 @!p2 $0x0  }
0x1d: {  	s5 =	simm.s32 @p1 $0x1;
	p0 =	seq.s32 s7, s2  }
0x1e: {  	s7 =	smul.u32 @!p0 $0xF7A, s2;
	p2 =	seq.s32 @!p0 s5, $0x0  }
0x1f: {  	s9 =	smul.u32 $0xF7A, s1;
	s8 =	simm.s32 @!p0 $0x1BF5;
	p2 =	por !p2, p0  }
0x20: {  	[sflag:s8] =	ssyncset.s32 @!p0 $0xFFFFF086;
	s6 =	sadd.s32 @!p0 s3, s7;
	s7 =	simm.s32 @!p0 $0x108  }
0x21: {  	s3 =	sadd.s32 s3, s9;
	s6 =	sadd.s32 @!p0 $0x88, s6;
	s7 =	simm.s32 @p2 $0x1082  }
0x22: {  	[simem:s7], [sflag:s8] =	dma.local @!p0 [hbm:s6], $0xF7A  }
0x23: {  	s9 =	sor.u32 $0xD0000000, s2;
	s6 =	simm.s32 $0x108;
	_ =	swait.ge @!p0 [sflag:s8], $0x0  }
0x24: {  	s3 =	sadd.s32 $0x88, s3;
	s6 =	simm.s32 @!p1 $0x1082;
	[sflag:s4] =	ssyncset.s32 $0xFFFFF086  }
0x25: {  	[simem:s6], [sflag:s4] =	dma.local [hbm:s3], $0xF7A  }
0x26: {  	[smem:$0x3F92] =	sst s1;
	(tag) =	ssettag s2;
	_ =	strace s9  }
0x27: {  	s1 =	sld [smem:$0x3FA2]  }
0x28: {  	s2 =	sld [smem:$0x3FA3]  }
0x29: {  	s4 =	sld [smem:$0x3FA5]  }
0x2a: {  	p0 =	seq.s32 s5, $0x0;
	s5 =	sld [smem:$0x3FA6]  }
0x2b: {  	s6 =	sld [smem:$0x3FA7]  }
0x2c: {  	s7 =	sld [smem:$0x3FA8]  }
0x2d: {  	s3 =	simm.s32 $0x108;
	s8 =	sld [smem:$0x3FA9]  }
0x2e: {  	s3 =	simm.s32 @!p0 $0x1082;
	s9 =	sld [smem:$0x3FAA]  }
0x2f: {  	lr =	sadd.s32 s0, s3;
	s0 =	sld [smem:$0x3FA1]  }
0x30: {  	s3 =	sld [smem:$0x3FA4]  }
0x31: {  	[smem:$0x3FAD] =	sst s10  }
0x32: {  	s10 =	sld [smem:$0x3FAB];
	_ =	sdelay $0x3  }
0x33: {  	p0 =	seq.s32 s10, $0x1;
	s10 =	sld [smem:$0x3FAD];
	_ =	sdelay $0x3  }
0x34: {  	[smem:$0x3FAD] =	sst s10  }
0x35: {  	s10 =	sld [smem:$0x3FAC];
	_ =	sdelay $0x3  }
0x36: {  	p1 =	seq.s32 s10, $0x1;
	s10 =	sld [smem:$0x3FAD];
	_ =	sdelay $0x3  }
0x37: {  	[smem:$0x3FAD] =	sst s10  }
0x38: {  	s10 =	sld [smem:$0x3FAE]  }
0x39: {  	_ = 	snop;
	(pc) =	sbr.ind lr, $3  }
0x3a: {  	_ = 	snop  }
0x3b: {  	_ = 	snop  }
0x3c: {  	p2 =	seq.s32 s10, $0x1;
	s10 =	sld [smem:$0x3FAD]  }
0x3d: {  	_ =	shalt  }
0x3e: {  	_ =	shalt  }
0x3f: {  	_ =	shalt  }
0x40: {  	_ =	shalt  }
0x41: {  	_ =	shalt  }
0x42: {  	_ =	shalt  }
0x43: {  	_ =	shalt  }
0x44: {  	_ =	shalt  }
0x45: {  	_ =	shalt  }
0x46: {  	_ =	shalt  }
0x47: {  	_ =	shalt  }
0x48: {  	_ =	shalt  }
0x49: {  	_ =	shalt  }
0x4a: {  	_ =	shalt  }
0x4b: {  	_ =	shalt  }
0x4c: {  	_ =	shalt  }
0x4d: {  	_ =	shalt  }
0x4e: {  	_ =	shalt  }
0x4f: {  	_ =	shalt  }
0x50: {  	_ =	shalt  }
0x51: {  	_ =	shalt  }
0x52: {  	_ =	shalt  }
0x53: {  	_ =	shalt  }
0x54: {  	_ =	shalt  }
0x55: {  	_ =	shalt  }
0x56: {  	_ =	shalt  }
0x57: {  	_ =	shalt  }
0x58: {  	_ =	shalt  }
0x59: {  	_ =	shalt  }
0x5a: {  	_ =	shalt  }
0x5b: {  	_ =	shalt  }
0x5c: {  	_ =	shalt  }
0x5d: {  	_ =	shalt  }
0x5e: {  	_ =	shalt  }
0x5f: {  	_ =	shalt  }
0x60: {  	_ =	shalt  }
0x61: {  	_ =	shalt  }
0x62: {  	_ =	shalt  }
0x63: {  	_ =	shalt  }
0x64: {  	_ =	shalt  }
0x65: {  	_ =	shalt  }
0x66: {  	_ =	shalt  }
0x67: {  	_ =	shalt  }
0x68: {  	_ =	shalt  }
0x69: {  	_ =	shalt  }
0x6a: {  	_ =	shalt  }
0x6b: {  	_ =	shalt  }
0x6c: {  	_ =	shalt  }
0x6d: {  	_ =	shalt  }
0x6e: {  	_ =	shalt  }
0x6f: {  	_ =	shalt  }
0x70: {  	_ =	shalt  }
0x71: {  	_ =	shalt  }
0x72: {  	_ =	shalt  }
0x73: {  	_ =	shalt  }
0x74: {  	_ =	shalt  }
0x75: {  	_ =	shalt  }
0x76: {  	_ =	shalt  }
0x77: {  	_ =	shalt  }
0x78: {  	_ =	shalt  }
0x79: {  	_ =	shalt  }
0x7a: {  	_ =	shalt  }
0x7b: {  	_ =	shalt  }
0x7c: {  	_ =	shalt  }
0x7d: {  	_ =	shalt  }
0x7e: {  	_ =	shalt  }
0x7f: {  	_ =	shalt  }
0x80: {  	_ =	shalt  }
0x81: {  	_ =	shalt  }
0x82: {  	_ =	shalt  }
0x83: {  	_ =	shalt  }
0x84: {  	_ =	shalt  }
0x85: {  	_ =	shalt  }
0x86: {  	_ =	shalt  }
0x87: {  	_ =	shalt  }
.Lfunc_end0:
.L_simem_size_0:
called_computation.2_lowered:
.L_overlay_start_0:
0x88: {  	s2 =	sld [smem:$0x3FD9]  }
0x89: {  	s3 =	sld [smem:$0x3FFE];
	_ =	sdelay $0x1  }
0x8a: {  	s1 =	srdreg.scid  }
0x8b: {  	s0 =	sand.u32 $0x1, s1  }
0x8c: {  	s16 =	sshll.u32 s0, $0xA;
	s2 =	sadd.s32 s3, s2  }
0x8d: {  	s2 =	sadd.s32 s2, s16  }
0x8e: {  	[smem:$0x3FB9] =	sst s2  }
0x8f: {  	_ = 	snop  }
0x90: {  	(tm) =	ssettm $0x1  }
0x91: {  	s17 =	sld [smem:$0x3FFB];
	_ =	sdelay $0x3  }
0x92: {  	_ =	strace s17  }
0x93: {  	s2 =	sld [smem:$0x3FFC];
	_ =	sdelay $0x3  }
0x94: {  	_ =	strace s2  }
0x95: {  	s2 =	sld [smem:$0x3FFD];
	_ =	sdelay $0x3  }
0x96: {  	_ =	strace s2  }
0x97: {  	_ =	strace $0x8FFFFFFF  }
0x98: {  	s18 =	sld [smem:$0x3FDB];
	_ =	sdelay $0x1  }
0x99: {  	s19 =	simm.s32 $_scs_section_size  }
0x9a: {  	s4 =	simm.s32 $_size__tile_overlayer_lowered;
	s5 =	simm.s32 $_tile_overlayer_lowered  }
0x9b: {  	s22 =	simm.s32 $0x1BFF;
	s21 =	sshll.u32 s5, $0x1;
	s2 =	sadd.s32 s19, s18  }
0x9c: {  	s6 =	simm.s32 $0x0;
	s20 =	sshll.u32 s4, $0x1;
	s4 =	sadd.s32 s21, s2  }
0x9d: {  	[timem:s6], [sflag:s22] =	dma.local [hbm:s4], s20  }
0x9e: {  	_ =	swait.ge [sflag:s22], s20  }
0x9f: {  	s3 =	ssub.s32 $0x0, s20;
	[sflag:s22] =	ssyncset.done $0x0  }
0xa0: {  	[sflag:s22] =	ssyncadd.s32 s3;
	_ =	sdelay $0x1  }
0xa1: {  	s23 =	simm.s32 $0x1B8B  }
0xa2: {  	_ =	swait.ge [sflag:s23], $0x1  }
0xa3: {  	[sflag:s23] =	ssyncset.done $0x0  }
0xa4: {  	s25 =	simm.s32 $0x1B8E;
	s24 =	sld [smem:$0x3FFE];
	[sflag:s23] =	ssyncadd.s32 $0xFFFFFFFF  }
0xa5: {  	s26 =	simm.s32 $execute0_lowered;
	[smem:$0x3FD2] =	sst s25  }
0xa6: {  	s4 =	sshll.u32 s26, $0x1;
	_ =	strace $0x8000004C;
	[dreg:$0x1] =	wrdreg $0xFFFFFFFF  }
0xa7: {  	s28 =	simm.s32 $_size_execute0_lowered;
	s2 =	sadd.s32 s2, s4;
	[dreg:$0x0] =	wrdreg $0x0  }
0xa8: {  	s4 =	sshll.u32 s28, $0x1;
	[dreg:$0x2] =	wrdreg s2  }
0xa9: {  	[dreg:$0x3] =	wrdreg s4  }
0xaa: {  	[dreg:$0x4] =	wrdreg $0xC0  }
0xab: {  	_ =	task [dreg:s6], $0x5FFFF  }
0xac: {  	[dreg:$0x1] =	wrdreg $0xFFFFFFFF  }
0xad: {  	[dreg:$0x0] =	wrdreg $0x60  }
0xae: {  	[dreg:$0x2] =	wrdreg s24  }
0xaf: {  	[dreg:$0x3] =	wrdreg $0xA0000  }
0xb0: {  	[dreg:$0x4] =	wrdreg $0x9  }
0xb1: {  	_ =	task.clear_ibuf [dreg:s6], $0x5FFFF;
	_ =	strace $0x9000004C  }
0xb2: {  	s29 =	simm.s32 $0x9;
	_ =	strace $0x8000004E  }
0xb3: {  	_ =	swait.ge [sflag:s29], $0x1  }
0xb4: {  	[sflag:s29] =	ssyncadd.s32 $0xFFFFFFFF  }
0xb5: {  	_ =	strace $0x9000004E  }
0xb6: {  	_ =	sfence  }
0xb7: {  	s30 =	sld [smem:$0x0];
	_ =	sdelay $0x2  }
0xb8: {  	s31 =	sshll.u32 s1, $0xD;
	s1 =	sshrl.u32 s1, $0x2  }
0xb9: {  	s3 =	sand.u32 $0x4000, s31;
	s1 =	sadd.s32 s1, s30  }
0xba: {  	s0 =	sor.u32 s3, s0;
	s1 =	sshll.u32 s1, $0x11  }
0xbb: {  	s0 =	sor.u32 s1, s0  }
0xbc: {  	s0 =	sadd.s32 $0x8F2B, s0  }
0xbd: {  	[sflag:s0] =	ssyncadd.remote.s32 $0x1  }
0xbe: {  	_ =	sfence.sel $0xFFFF  }
0xbf: {  	[dreg:$0x0] =	wrdreg $0xFFFFFFFF;
	(pc) =	sbr.abs _section_cstart, $3  }
0xc0: {  	[dreg:$0x1] =	wrdreg $0xFFFFFFFF  }
0xc1: {  	_ =	task.clear_ibuf [dreg:s6], $0x2FFFF;
	_ =	strace $0x9FFFFFFF  }
0xc2: {  	(tm) =	ssettm $0x7FFFFFFF  }
0xc3: {  	_ =	shalt  }
tec
execute0_lowered:
.L_overlay_start_1:
0x0: {  	(tag) =	ssettag $0x1  }
0x1: {  	s6 =	rddreg [dreg:$0x0]  }
0x2: {  	s1 =	rddreg [dreg:$0x1];
	s2 =	simm.s32 $0x0  }
0x3: {  	s5 =	srdreg.scid;
	s0 =	stileid.u32;
	s18 =	simm.s32 $0x64  }
0x4: {  	s19 =	simm.s32 $0x3800;
	s20 =	simm.s32 $0x1;
	s21 =	simm.s32 $0x6C00  }
0x5: {  	s28 =	simm.s32 $0x3500;
	s29 =	simm.s32 $0x3580;
	s30 =	simm.s32 $0x0  }
0x6: {  	[smem:$0x7FF] =	sst s2;
	s4 =	sadd.s32 $0x27A00, s6;
	s8 =	sadd.s32 $0x1AA00, s6  }
0x7: {  	s9 =	sadd.s32 $0x3600, s6;
	s7 =	sand.u32 $0x1, s5;
	s22 =	sshll.u32 s0, $0x1  }
0x8: {  	s12 =	smul.u32 $0x4E000, s0;
	s5 =	sadd.s32 $0x10600, s6;
	s14 =	sadd.s32 $0x4EC00, s6  }
0x9: {  	s16 =	sadd.s32 $0x124800, s1;
	s17 =	smul.u32 $0x13800, s0;
	p0 =	seq.s32 s0, $0xF  }
0xa: {  	_ =	strace $0x8000004D;
	s10 =	ssub.s32 $0x2, s7;
	s11 =	sor.u32 s7, s22  }
0xb: {  	s25 =	smul.u32 $0x138800, s7;
	s22 =	simm.s32 $0x2;
	s13 =	sshrl.u32 s10, $0x1  }
0xc: {  	s11 =	smul.u32 $0x3400, s11;
	s23 =	sshrl.u32 s12, $0x2;
	s13 =	ssub.s32 s10, s13  }
0xd: {  	s15 =	sadd.s32 s23, s1;
	s31 =	sadd.s32 s17, s25;
	s17 =	simm.s32 $0x1C00  }
0xe: {  	s23 =	simm.s32 $0x1780;
	s24 =	sshrl.u32 s11, $0x3;
	s11 =	sshrl.u32 s25, $0x3  }
0xf: {  	s10 =	sshrl.u32 s31, $0x3;
	s12 =	smax.u32 s13, $0x1;
	s13 =	sshrl.u32 @p0 s16, $0x3  }
0x10: {  	s15 =	sshrl.u32 @!p0 s15, $0x3;
	s16 =	simm.s32 $0x3;
	s25 =	simm.s32 $0x3380  }
0x11: {  	s26 =	sadd.s32 $0x300, s24;
	s6 =	sadd.s32 s8, s24;
	s7 =	sadd.s32 s9, s24  }
0x12: {  	s11 =	sadd.s32 s14, s11;
	s10 =	sadd.s32 s14, s10;
	s14 =	sshll.u32 @!p0 s0, $0x6  }
0x13: {  	s24 =	simm.s32 $0x3300;
	s8 =	sadd.s32 s8, s26;
	s9 =	sadd.s32 s9, s26  }
0x14: {  	s11 =	sadd.s32 $0x24900, s11;
	s14 =	sor.u32 @!p0 $0x1C03, s14;
	s26 =	simm.s32 $0x1980  }
.LBB2_1:
0x15: {  	s31 =	simm.s32 @p0 $0x1FC3  }
0x16: {  	[spmem:s13], [sflag:s31] =	dma.local @p0 [hbm:s5], $0x2800  }
0x17: {  	s31 =	simm.s32 @p0 $0x3  }
0x18: {  	_ =	swait.ge @p0 [sflag:s31], $0x2800  }
0x19: {  	[sflag:s31] =	ssyncset.done @p0 $0x0  }
0x1a: {  	[sflag:s31] =	ssyncadd.s32 @p0 $0xFFFFD800;
	s31 =	simm.s32 @!p0 $0x3  }
0x1b: {  	[spmem:s15], [sflag:s14] =	dma.local @!p0 [hbm:s5], $0x2700  }
0x1c: {  	_ =	swait.ge @!p0 [sflag:s31], $0x2700  }
0x1d: {  	[sflag:s31] =	ssyncset.done @!p0 $0x0  }
0x1e: {  	[sflag:s31] =	ssyncadd.s32 @!p0 $0xFFFFD900  }
0x1f: {  	[bflag:$0x0] =	sbarrier.arrive $0xFFFF  }
0x20: {  	[tilespmem:s2], [sflag:$0x3] =	stream.linear.gather [hbm4b:s6+s2], $0x1800, $0x38;
	[tilespmem:$0x1D880] =	vst v63  }
0x21: {  	_ =	swait.ge [sflag:s16], $0x1800  }
0x22: {  	[sflag:s16] =	ssyncset.done $0x0  }
0x23: {  	[sflag:s16] =	ssyncadd.s32 $0xFFFFE800  }
0x24: {  	[tilespmem:s17], [sflag:$0x3] =	stream.linear.gather [hbm4b:s7+s2], $0x1800, $0x38;
	[tilespmem:$0x1D880] =	vst v63  }
0x25: {  	_ =	swait.ge [sflag:s16], $0x1800  }
0x26: {  	[sflag:s16] =	ssyncset.done $0x0  }
0x27: {  	[sflag:s16] =	ssyncadd.s32 $0xFFFFE800  }
0x28: {  	[tilespmem:s19], [sflag:$0x1] =	stream.indirect.gather [hbm4b:s4+s18], $0x80, s2, s18, $0xb8;
	[tilespmem:$0x1D880] =	vst v63  }
0x29: {  	_ =	swait.ge [sflag:s20], $0x3200  }
0x2a: {  	[sflag:s20] =	ssyncset.done $0x0  }
0x2b: {  	s31 =	simm.s32 $0x80;
	[sflag:s20] =	ssyncadd.s32 $0xFFFFCE00  }
0x2c: {  	[tilespmem:s21], [sflag:$0x2] =	stream.indirect.gather [hbm4b:s4+s18], $0x80, s31, s18, $0xb8;
	[tilespmem:$0x1D880] =	vst v63  }
0x2d: {  	s31 =	simm.s32 $0x1C00  }
0x2e: {  	[spmem:s1] =	stream.indirect.scatter.add.f32 [tilespmem:s19], [sflag:$0x3], $0x80, s31, s18, $0xb8;
	[tilespmem:$0x1D880] =	vst v63  }
0x2f: {  	_ =	swait.ge [sflag:s16], $0x3200  }
0x30: {  	[sflag:s16] =	ssyncset.done $0x0  }
0x31: {  	[sflag:s16] =	ssyncadd.s32 $0xFFFFCE00  }
0x32: {  	_ =	swait.ge [sflag:s22], $0x3200  }
0x33: {  	[sflag:s22] =	ssyncset.done $0x0  }
0x34: {  	s31 =	simm.s32 $0x100;
	[sflag:s22] =	ssyncadd.s32 $0xFFFFCE00  }
0x35: {  	[tilespmem:s19], [sflag:$0x1] =	stream.indirect.gather [hbm4b:s4+s18], $0x80, s31, s18, $0xb8;
	[tilespmem:$0x1D880] =	vst v63  }
0x36: {  	s31 =	simm.s32 $0x1C80  }
0x37: {  	[spmem:s1] =	stream.indirect.scatter.add.f32 [tilespmem:s21], [sflag:$0x3], $0x80, s31, s18, $0xb8;
	[tilespmem:$0x1D880] =	vst v63  }
0x38: {  	_ =	swait.ge [sflag:s16], $0x3200  }
0x39: {  	s31 =	simm.s32 $0x400;
	[sflag:s16] =	ssyncset.done $0x0  }
.LBB2_2:
0x3a: {  	p1 =	sne.s32 s31, $0x5800  }
0x3b: {  	[sflag:s16] =	ssyncadd.s32 $0xFFFFCE00;
	s0 =	smov.u32 s31;
	s31 =	sadd.s32 $0x400, s31  }
0x3c: {  	_ = 	snop  }
0x3d: {  	_ =	swait.ge [sflag:s20], $0x3200  }
0x3e: {  	s0 =	sshra.s32 s0, $0x2;
	[sflag:s20] =	ssyncset.done $0x0  }
0x3f: {  	s3 =	sadd.s32 $0x80, s0;
	[sflag:s20] =	ssyncadd.s32 $0xFFFFCE00  }
0x40: {  	[tilespmem:s21], [sflag:$0x2] =	stream.indirect.gather [hbm4b:s4+s18], $0x80, s3, s18, $0xb8;
	[tilespmem:$0x1D880] =	vst v63  }
0x41: {  	s3 =	sadd.s32 $0x1C00, s0  }
0x42: {  	[spmem:s1] =	stream.indirect.scatter.add.f32 [tilespmem:s19], [sflag:$0x3], $0x80, s3, s18, $0xb8;
	[tilespmem:$0x1D880] =	vst v63  }
0x43: {  	_ =	swait.ge [sflag:s16], $0x3200  }
0x44: {  	[sflag:s16] =	ssyncset.done $0x0  }
0x45: {  	[sflag:s16] =	ssyncadd.s32 $0xFFFFCE00  }
0x46: {  	_ =	swait.ge [sflag:s22], $0x3200  }
0x47: {  	[sflag:s22] =	ssyncset.done $0x0  }
0x48: {  	s3 =	sadd.s32 $0x100, s0;
	[sflag:s22] =	ssyncadd.s32 $0xFFFFCE00  }
0x49: {  	[tilespmem:s19], [sflag:$0x1] =	stream.indirect.gather [hbm4b:s4+s18], $0x80, s3, s18, $0xb8;
	[tilespmem:$0x1D880] =	vst v63  }
.Ltmp0:
0x4a: {  	_ = 	snop;
	(pc) =	sbr.rel @p1 .LBB2_2-.Ltmp0, $4  }
0x4b: {  	s0 =	sadd.s32 $0x1C80, s0  }
0x4c: {  	[spmem:s1] =	stream.indirect.scatter.add.f32 [tilespmem:s21], [sflag:$0x3], $0x80, s0, s18, $0xb8;
	[tilespmem:$0x1D880] =	vst v63  }
0x4d: {  	_ =	swait.ge [sflag:s16], $0x3200  }
0x4e: {  	[sflag:s16] =	ssyncset.done $0x0  }
0x4f: {  	[sflag:s16] =	ssyncadd.s32 $0xFFFFCE00  }
0x50: {  	_ =	swait.ge [sflag:s20], $0x3200  }
0x51: {  	[sflag:s20] =	ssyncset.done $0x0  }
0x52: {  	[sflag:s20] =	ssyncadd.s32 $0xFFFFCE00  }
0x53: {  	[tilespmem:s21], [sflag:$0x2] =	stream.indirect.gather [hbm4b:s4+s18], $0x80, s23, s18, $0xb8;
	[tilespmem:$0x1D880] =	vst v63  }
0x54: {  	_ = 	snop  }
0x55: {  	[spmem:s1] =	stream.indirect.scatter.add.f32 [tilespmem:s19], [sflag:$0x3], $0x80, s24, s18, $0xb8;
	[tilespmem:$0x1D880] =	vst v63  }
0x56: {  	_ =	swait.ge [sflag:s16], $0x3200  }
0x57: {  	[sflag:s16] =	ssyncset.done $0x0  }
0x58: {  	[sflag:s16] =	ssyncadd.s32 $0xFFFFCE00  }
0x59: {  	_ =	swait.ge [sflag:s22], $0x3200  }
0x5a: {  	[sflag:s22] =	ssyncset.done $0x0  }
0x5b: {  	[sflag:s22] =	ssyncadd.s32 $0xFFFFCE00  }
0x5c: {  	[spmem:s1] =	stream.indirect.scatter.add.f32 [tilespmem:s21], [sflag:$0x3], $0x80, s25, s18, $0xb8;
	[tilespmem:$0x1D880] =	vst v63  }
0x5d: {  	_ =	swait.ge [sflag:s16], $0x3200  }
0x5e: {  	[sflag:s16] =	ssyncset.done $0x0  }
0x5f: {  	s0 =	simm.s32 $0x0;
	[sflag:s16] =	ssyncadd.s32 $0xFFFFCE00  }
0x60: {  	[tilespmem:s0], [sflag:$0x3] =	stream.linear.gather [hbm4b:s8+s0], $0x1A00, $0x38;
	[tilespmem:$0x1D880] =	vst v63  }
0x61: {  	_ =	swait.ge [sflag:s16], $0x1A00  }
0x62: {  	[sflag:s16] =	ssyncset.done $0x0  }
0x63: {  	[sflag:s16] =	ssyncadd.s32 $0xFFFFE600  }
0x64: {  	[tilespmem:s17], [sflag:$0x3] =	stream.linear.gather [hbm4b:s9+s0], $0x1A00, $0x38;
	[tilespmem:$0x1D880] =	vst v63  }
0x65: {  	_ =	swait.ge [sflag:s16], $0x1A00  }
0x66: {  	[sflag:s16] =	ssyncset.done $0x0  }
0x67: {  	[sflag:s16] =	ssyncadd.s32 $0xFFFFE600  }
0x68: {  	[tilespmem:s19], [sflag:$0x1] =	stream.indirect.gather [hbm4b:s4+s18], $0x80, s0, s18, $0xb8;
	[tilespmem:$0x1D880] =	vst v63  }
0x69: {  	_ =	swait.ge [sflag:s20], $0x3200  }
0x6a: {  	[sflag:s20] =	ssyncset.done $0x0  }
0x6b: {  	s3 =	simm.s32 $0x80;
	[sflag:s20] =	ssyncadd.s32 $0xFFFFCE00  }
0x6c: {  	[tilespmem:s21], [sflag:$0x2] =	stream.indirect.gather [hbm4b:s4+s18], $0x80, s3, s18, $0xb8;
	[tilespmem:$0x1D880] =	vst v63  }
0x6d: {  	s3 =	simm.s32 $0x1C00  }
0x6e: {  	[spmem:s1] =	stream.indirect.scatter.add.f32 [tilespmem:s19], [sflag:$0x3], $0x80, s3, s18, $0xb8;
	[tilespmem:$0x1D880] =	vst v63  }
0x6f: {  	_ =	swait.ge [sflag:s16], $0x3200  }
0x70: {  	[sflag:s16] =	ssyncset.done $0x0  }
0x71: {  	[sflag:s16] =	ssyncadd.s32 $0xFFFFCE00  }
0x72: {  	_ =	swait.ge [sflag:s22], $0x3200  }
0x73: {  	[sflag:s22] =	ssyncset.done $0x0  }
0x74: {  	s3 =	simm.s32 $0x100;
	[sflag:s22] =	ssyncadd.s32 $0xFFFFCE00  }
0x75: {  	[tilespmem:s19], [sflag:$0x1] =	stream.indirect.gather [hbm4b:s4+s18], $0x80, s3, s18, $0xb8;
	[tilespmem:$0x1D880] =	vst v63  }
0x76: {  	s3 =	simm.s32 $0x1C80  }
0x77: {  	[spmem:s1] =	stream.indirect.scatter.add.f32 [tilespmem:s21], [sflag:$0x3], $0x80, s3, s18, $0xb8;
	[tilespmem:$0x1D880] =	vst v63  }
0x78: {  	_ =	swait.ge [sflag:s16], $0x3200  }
0x79: {  	s31 =	simm.s32 $0x400;
	[sflag:s16] =	ssyncset.done $0x0  }
.LBB2_4:
0x7a: {  	p1 =	sne.s32 s31, $0x6000  }
0x7b: {  	[sflag:s16] =	ssyncadd.s32 $0xFFFFCE00;
	s0 =	smov.u32 s31;
	s31 =	sadd.s32 $0x400, s31  }
0x7c: {  	_ = 	snop  }
0x7d: {  	_ =	swait.ge [sflag:s20], $0x3200  }
0x7e: {  	s0 =	sshra.s32 s0, $0x2;
	[sflag:s20] =	ssyncset.done $0x0  }
0x7f: {  	s3 =	sadd.s32 $0x80, s0;
	[sflag:s20] =	ssyncadd.s32 $0xFFFFCE00  }
0x80: {  	[tilespmem:s21], [sflag:$0x2] =	stream.indirect.gather [hbm4b:s4+s18], $0x80, s3, s18, $0xb8;
	[tilespmem:$0x1D880] =	vst v63  }
0x81: {  	s3 =	sadd.s32 $0x1C00, s0  }
0x82: {  	[spmem:s1] =	stream.indirect.scatter.add.f32 [tilespmem:s19], [sflag:$0x3], $0x80, s3, s18, $0xb8;
	[tilespmem:$0x1D880] =	vst v63  }
0x83: {  	_ =	swait.ge [sflag:s16], $0x3200  }
0x84: {  	[sflag:s16] =	ssyncset.done $0x0  }
0x85: {  	[sflag:s16] =	ssyncadd.s32 $0xFFFFCE00  }
0x86: {  	_ =	swait.ge [sflag:s22], $0x3200  }
0x87: {  	[sflag:s22] =	ssyncset.done $0x0  }
0x88: {  	s3 =	sadd.s32 $0x100, s0;
	[sflag:s22] =	ssyncadd.s32 $0xFFFFCE00  }
0x89: {  	[tilespmem:s19], [sflag:$0x1] =	stream.indirect.gather [hbm4b:s4+s18], $0x80, s3, s18, $0xb8;
	[tilespmem:$0x1D880] =	vst v63  }
.Ltmp1:
0x8a: {  	_ = 	snop;
	(pc) =	sbr.rel @p1 .LBB2_4-.Ltmp1, $4  }
0x8b: {  	s0 =	sadd.s32 $0x1C80, s0  }
0x8c: {  	[spmem:s1] =	stream.indirect.scatter.add.f32 [tilespmem:s21], [sflag:$0x3], $0x80, s0, s18, $0xb8;
	[tilespmem:$0x1D880] =	vst v63  }
0x8d: {  	_ =	swait.ge [sflag:s16], $0x3200  }
0x8e: {  	[sflag:s16] =	ssyncset.done $0x0  }
0x8f: {  	[sflag:s16] =	ssyncadd.s32 $0xFFFFCE00  }
0x90: {  	_ =	swait.ge [sflag:s20], $0x3200  }
0x91: {  	[sflag:s20] =	ssyncset.done $0x0  }
0x92: {  	[sflag:s20] =	ssyncadd.s32 $0xFFFFCE00  }
0x93: {  	[tilespmem:s21], [sflag:$0x2] =	stream.indirect.gather [hbm4b:s4+s18], $0x80, s26, s18, $0xb8;
	[tilespmem:$0x1D880] =	vst v63  }
0x94: {  	_ = 	snop  }
0x95: {  	[spmem:s1] =	stream.indirect.scatter.add.f32 [tilespmem:s19], [sflag:$0x3], $0x80, s28, s18, $0xb8;
	[tilespmem:$0x1D880] =	vst v63  }
0x96: {  	_ =	swait.ge [sflag:s16], $0x3200  }
0x97: {  	[sflag:s16] =	ssyncset.done $0x0  }
0x98: {  	[sflag:s16] =	ssyncadd.s32 $0xFFFFCE00  }
0x99: {  	_ =	swait.ge [sflag:s22], $0x3200  }
0x9a: {  	[sflag:s22] =	ssyncset.done $0x0  }
0x9b: {  	[sflag:s22] =	ssyncadd.s32 $0xFFFFCE00  }
0x9c: {  	[spmem:s1] =	stream.indirect.scatter.add.f32 [tilespmem:s21], [sflag:$0x3], $0x80, s29, s18, $0xb8;
	[tilespmem:$0x1D880] =	vst v63  }
0x9d: {  	_ =	swait.ge [sflag:s16], $0x3200  }
0x9e: {  	[sflag:s16] =	ssyncset.done $0x0  }
0x9f: {  	[sflag:s16] =	ssyncadd.s32 $0xFFFFCE00  }
0xa0: {  	s0 =	simm.s32 @p0 $0x1FC3;
	[bflag:$0x0] =	sbarrier.arrive $0xFFFF  }
0xa1: {  	[hbm:s11], [sflag:s0] =	dma.local @p0 [spmem:s13], $0x2800  }
0xa2: {  	s0 =	simm.s32 @p0 $0x3  }
0xa3: {  	s30 =	sadd.s32 $0x1, s30;
	_ =	swait.ge @p0 [sflag:s0], $0x2800  }
0xa4: {  	p1 =	sne.s32 s30, s12;
	[sflag:s0] =	ssyncset.done @p0 $0x0  }
.Ltmp2:
0xa5: {  	[sflag:s0] =	ssyncadd.s32 @p0 $0xFFFFD800;
	s0 =	simm.s32 @!p0 $0x3;
	(pc) =	sbr.rel @p1 .LBB2_1-.Ltmp2, $4  }
0xa6: {  	[hbm:s10], [sflag:s14] =	dma.local @!p0 [spmem:s15], $0x2700  }
0xa7: {  	_ =	swait.ge @!p0 [sflag:s0], $0x2700  }
0xa8: {  	[sflag:s0] =	ssyncset.done @!p0 $0x0  }
0xa9: {  	[sflag:s0] =	ssyncadd.s32 @!p0 $0xFFFFD900  }
0xaa: {  	_ =	sfence.sel $0x180000  }
0xab: {  	[bflag:$0x0] =	sbarrier.arrive $0xFFFF  }
0xac: {  	_ =	strace $0x9000004D  }
0xad: {  	s0 =	stileid.u32;
	[bflag:$0x2] =	sbarrier.arrive $0xFFFF  }
0xae: {  	p0 =	sne.s32 s0, $0x0;
	s0 =	rddreg [dreg:$0x2]  }
0xaf: {  	s0 =	sadd.s32 @!p0 $0x100000, s0  }
0xb0: {  	[sflag:s0] =	ssyncadd.tile.s32 @!p0 $0x1;
	_ =	shalt  }
.Lfunc_end2:
_tile_overlayer_lowered:
.L_overlay_start_2:
0xb1: {  	(tag) =	ssettag $0x2  }
0xb2: {  	s0 =	rddreg [dreg:$0x0];
	s2 =	stileid.u32  }
0xb3: {  	s1 =	rddreg [dreg:$0x1];
	p0 =	sne.s32 s2, $0x0  }
0xb4: {  	s3 =	rddreg [dreg:$0x2];
	[bflag:$0x3] =	sbarrier.arrive $0xFFFF;
	s2 =	simm.s32 @!p0 $0x1C03  }
0xb5: {  	[timem:s3], [sflag:s2] =	dma.local @!p0 [hbm:s0], s1  }
0xb6: {  	s0 =	simm.s32 @!p0 $0x3  }
0xb7: {  	_ =	swait.ge @!p0 [sflag:s0], s1  }
0xb8: {  	s1 =	ssub.s32 @!p0 $0x0, s1;
	[sflag:s0] =	ssyncset.done @!p0 $0x0  }
0xb9: {  	[sflag:s0] =	ssyncadd.s32 @!p0 s1  }
0xba: {  	[bflag:$0x3] =	sbarrier.arrive $0xFFFF  }
0xbb: {  	_ =	shalt  }

// kernel: kernel.20.cloned.1.call-start
scs
__scs_entry_jumppad:
0x0: {  	(pc) =	sbr.rel $0x88, $3  }
0x1: {  	(tag) =	ssettag $0x0;
	lr =	simm.s32 $0x1  }
0x2: {  	[smem:$0x3F92] =	sst lr;
	_ =	strace $0xD0000000  }
0x3: {  	_ = 	snop  }
0x4: {  	_ = 	snop  }
0x5: {  	_ = 	snop  }
0x6: {  	_ = 	snop  }
0x7: {  	_ = 	snop  }
__scs_overlays_trampoline_lowered:
0x8: {  	[smem:$0x3FA1] =	sst s0  }
0x9: {  	[smem:$0x3FA2] =	sst s1  }
0xa: {  	[smem:$0x3FA3] =	sst s2  }
0xb: {  	[smem:$0x3FA4] =	sst s3  }
0xc: {  	[smem:$0x3FA5] =	sst s4  }
0xd: {  	[smem:$0x3FA6] =	sst s5  }
0xe: {  	[smem:$0x3FA7] =	sst s6  }
0xf: {  	[smem:$0x3FA8] =	sst s7  }
0x10: {  	[smem:$0x3FA9] =	sst s8  }
0x11: {  	[smem:$0x3FAA] =	sst s9;
	s0 =	simm.s32 @!p0 $0x0  }
0x12: {  	s1 =	sld [smem:$0x3F90];
	s0 =	simm.s32 @p0 $0x1  }
0x13: {  	[smem:$0x3FAB] =	sst s0;
	s0 =	simm.s32 @!p1 $0x0  }
0x14: {  	s2 =	sld [smem:$0x3F8F];
	s0 =	simm.s32 @p1 $0x1  }
0x15: {  	[smem:$0x3FAC] =	sst s0;
	s0 =	simm.s32 @!p2 $0x0  }
0x16: {  	s3 =	sld [smem:$0x3FDB];
	s0 =	simm.s32 @p2 $0x1  }
0x17: {  	s4 =	simm.s32 $0x1BF5;
	[smem:$0x3FAE] =	sst s0  }
0x18: {  	s0 =	sld [smem:$0x3F91];
	_ =	swait.ge [sflag:s4], $0x0  }
0x19: {  	s7 =	sld [smem:$0x3F92]  }
0x1a: {  	s8 =	sadd.s32 $0xFFFFE003, lr  }
0x1b: {  	s9 =	sadd.s32 $0xFFFFFEF7, lr;
	s5 =	simm.s32 $0xFFFFFFFF;
	p2 =	slt.u32 s8, $0xFFFFF086  }
0x1c: {  	p1 =	slt.u32 s9, $0xF7A;
	s5 =	simm.s32 @!p2 $0x0  }
0x1d: {  	s5 =	simm.s32 @p1 $0x1;
	p0 =	seq.s32 s7, s2  }
0x1e: {  	s7 =	smul.u32 @!p0 $0xF7A, s2;
	p2 =	seq.s32 @!p0 s5, $0x0  }
0x1f: {  	s9 =	smul.u32 $0xF7A, s1;
	s8 =	simm.s32 @!p0 $0x1BF5;
	p2 =	por !p2, p0  }
0x20: {  	[sflag:s8] =	ssyncset.s32 @!p0 $0xFFFFF086;
	s6 =	sadd.s32 @!p0 s3, s7;
	s7 =	simm.s32 @!p0 $0x108  }
0x21: {  	s3 =	sadd.s32 s3, s9;
	s6 =	sadd.s32 @!p0 $0x88, s6;
	s7 =	simm.s32 @p2 $0x1082  }
0x22: {  	[simem:s7], [sflag:s8] =	dma.local @!p0 [hbm:s6], $0xF7A  }
0x23: {  	s9 =	sor.u32 $0xD0000000, s2;
	s6 =	simm.s32 $0x108;
	_ =	swait.ge @!p0 [sflag:s8], $0x0  }
0x24: {  	s3 =	sadd.s32 $0x88, s3;
	s6 =	simm.s32 @!p1 $0x1082;
	[sflag:s4] =	ssyncset.s32 $0xFFFFF086  }
0x25: {  	[simem:s6], [sflag:s4] =	dma.local [hbm:s3], $0xF7A  }
0x26: {  	[smem:$0x3F92] =	sst s1;
	(tag) =	ssettag s2;
	_ =	strace s9  }
0x27: {  	s1 =	sld [smem:$0x3FA2]  }
0x28: {  	s2 =	sld [smem:$0x3FA3]  }
0x29: {  	s4 =	sld [smem:$0x3FA5]  }
0x2a: {  	p0 =	seq.s32 s5, $0x0;
	s5 =	sld [smem:$0x3FA6]  }
0x2b: {  	s6 =	sld [smem:$0x3FA7]  }
0x2c: {  	s7 =	sld [smem:$0x3FA8]  }
0x2d: {  	s3 =	simm.s32 $0x108;
	s8 =	sld [smem:$0x3FA9]  }
0x2e: {  	s3 =	simm.s32 @!p0 $0x1082;
	s9 =	sld [smem:$0x3FAA]  }
0x2f: {  	lr =	sadd.s32 s0, s3;
	s0 =	sld [smem:$0x3FA1]  }
0x30: {  	s3 =	sld [smem:$0x3FA4]  }
0x31: {  	[smem:$0x3FAD] =	sst s10  }
0x32: {  	s10 =	sld [smem:$0x3FAB];
	_ =	sdelay $0x3  }
0x33: {  	p0 =	seq.s32 s10, $0x1;
	s10 =	sld [smem:$0x3FAD];
	_ =	sdelay $0x3  }
0x34: {  	[smem:$0x3FAD] =	sst s10  }
0x35: {  	s10 =	sld [smem:$0x3FAC];
	_ =	sdelay $0x3  }
0x36: {  	p1 =	seq.s32 s10, $0x1;
	s10 =	sld [smem:$0x3FAD];
	_ =	sdelay $0x3  }
0x37: {  	[smem:$0x3FAD] =	sst s10  }
0x38: {  	s10 =	sld [smem:$0x3FAE]  }
0x39: {  	_ = 	snop;
	(pc) =	sbr.ind lr, $3  }
0x3a: {  	_ = 	snop  }
0x3b: {  	_ = 	snop  }
0x3c: {  	p2 =	seq.s32 s10, $0x1;
	s10 =	sld [smem:$0x3FAD]  }
0x3d: {  	_ =	shalt  }
0x3e: {  	_ =	shalt  }
0x3f: {  	_ =	shalt  }
0x40: {  	_ =	shalt  }
0x41: {  	_ =	shalt  }
0x42: {  	_ =	shalt  }
0x43: {  	_ =	shalt  }
0x44: {  	_ =	shalt  }
0x45: {  	_ =	shalt  }
0x46: {  	_ =	shalt  }
0x47: {  	_ =	shalt  }
0x48: {  	_ =	shalt  }
0x49: {  	_ =	shalt  }
0x4a: {  	_ =	shalt  }
0x4b: {  	_ =	shalt  }
0x4c: {  	_ =	shalt  }
0x4d: {  	_ =	shalt  }
0x4e: {  	_ =	shalt  }
0x4f: {  	_ =	shalt  }
0x50: {  	_ =	shalt  }
0x51: {  	_ =	shalt  }
0x52: {  	_ =	shalt  }
0x53: {  	_ =	shalt  }
0x54: {  	_ =	shalt  }
0x55: {  	_ =	shalt  }
0x56: {  	_ =	shalt  }
0x57: {  	_ =	shalt  }
0x58: {  	_ =	shalt  }
0x59: {  	_ =	shalt  }
0x5a: {  	_ =	shalt  }
0x5b: {  	_ =	shalt  }
0x5c: {  	_ =	shalt  }
0x5d: {  	_ =	shalt  }
0x5e: {  	_ =	shalt  }
0x5f: {  	_ =	shalt  }
0x60: {  	_ =	shalt  }
0x61: {  	_ =	shalt  }
0x62: {  	_ =	shalt  }
0x63: {  	_ =	shalt  }
0x64: {  	_ =	shalt  }
0x65: {  	_ =	shalt  }
0x66: {  	_ =	shalt  }
0x67: {  	_ =	shalt  }
0x68: {  	_ =	shalt  }
0x69: {  	_ =	shalt  }
0x6a: {  	_ =	shalt  }
0x6b: {  	_ =	shalt  }
0x6c: {  	_ =	shalt  }
0x6d: {  	_ =	shalt  }
0x6e: {  	_ =	shalt  }
0x6f: {  	_ =	shalt  }
0x70: {  	_ =	shalt  }
0x71: {  	_ =	shalt  }
0x72: {  	_ =	shalt  }
0x73: {  	_ =	shalt  }
0x74: {  	_ =	shalt  }
0x75: {  	_ =	shalt  }
0x76: {  	_ =	shalt  }
0x77: {  	_ =	shalt  }
0x78: {  	_ =	shalt  }
0x79: {  	_ =	shalt  }
0x7a: {  	_ =	shalt  }
0x7b: {  	_ =	shalt  }
0x7c: {  	_ =	shalt  }
0x7d: {  	_ =	shalt  }
0x7e: {  	_ =	shalt  }
0x7f: {  	_ =	shalt  }
0x80: {  	_ =	shalt  }
0x81: {  	_ =	shalt  }
0x82: {  	_ =	shalt  }
0x83: {  	_ =	shalt  }
0x84: {  	_ =	shalt  }
0x85: {  	_ =	shalt  }
0x86: {  	_ =	shalt  }
0x87: {  	_ =	shalt  }
.Lfunc_end0:
.L_simem_size_0:
called_computation.3_lowered:
.L_overlay_start_0:
0x88: {  	s2 =	sld [smem:$0x3FD9]  }
0x89: {  	s3 =	sld [smem:$0x3FFE];
	_ =	sdelay $0x1  }
0x8a: {  	s1 =	srdreg.scid  }
0x8b: {  	s0 =	sand.u32 $0x1, s1  }
0x8c: {  	s16 =	sshll.u32 s0, $0xA;
	s2 =	sadd.s32 s3, s2  }
0x8d: {  	s2 =	sadd.s32 s2, s16  }
0x8e: {  	[smem:$0x3FB9] =	sst s2  }
0x8f: {  	_ = 	snop  }
0x90: {  	(tm) =	ssettm $0x1  }
0x91: {  	s17 =	sld [smem:$0x3FFB];
	_ =	sdelay $0x3  }
0x92: {  	_ =	strace s17  }
0x93: {  	s2 =	sld [smem:$0x3FFC];
	_ =	sdelay $0x3  }
0x94: {  	_ =	strace s2  }
0x95: {  	s2 =	sld [smem:$0x3FFD];
	_ =	sdelay $0x3  }
0x96: {  	_ =	strace s2  }
0x97: {  	_ =	strace $0x8FFFFFFF  }
0x98: {  	s18 =	sld [smem:$0x3FDB];
	_ =	sdelay $0x1  }
0x99: {  	s19 =	simm.s32 $_scs_section_size  }
0x9a: {  	s4 =	simm.s32 $_size__tile_overlayer_lowered;
	s5 =	simm.s32 $_tile_overlayer_lowered  }
0x9b: {  	s22 =	simm.s32 $0x1BFF;
	s21 =	sshll.u32 s5, $0x1;
	s2 =	sadd.s32 s19, s18  }
0x9c: {  	s6 =	simm.s32 $0x0;
	s20 =	sshll.u32 s4, $0x1;
	s4 =	sadd.s32 s21, s2  }
0x9d: {  	[timem:s6], [sflag:s22] =	dma.local [hbm:s4], s20  }
0x9e: {  	_ =	swait.ge [sflag:s22], s20  }
0x9f: {  	s3 =	ssub.s32 $0x0, s20;
	[sflag:s22] =	ssyncset.done $0x0  }
0xa0: {  	[sflag:s22] =	ssyncadd.s32 s3;
	_ =	sdelay $0x1  }
0xa1: {  	s23 =	simm.s32 $0x1B8B  }
0xa2: {  	_ =	swait.ge [sflag:s23], $0x1  }
0xa3: {  	[sflag:s23] =	ssyncset.done $0x0  }
0xa4: {  	s25 =	simm.s32 $0x1B8E;
	s24 =	sld [smem:$0x3FFE];
	[sflag:s23] =	ssyncadd.s32 $0xFFFFFFFF  }
0xa5: {  	s26 =	simm.s32 $execute0_lowered;
	[smem:$0x3FD2] =	sst s25  }
0xa6: {  	s4 =	sshll.u32 s26, $0x1;
	_ =	strace $0x8000004F;
	[dreg:$0x1] =	wrdreg $0xFFFFFFFF  }
0xa7: {  	s28 =	simm.s32 $_size_execute0_lowered;
	s2 =	sadd.s32 s2, s4;
	[dreg:$0x0] =	wrdreg $0x0  }
0xa8: {  	s4 =	sshll.u32 s28, $0x1;
	[dreg:$0x2] =	wrdreg s2  }
0xa9: {  	[dreg:$0x3] =	wrdreg s4  }
0xaa: {  	[dreg:$0x4] =	wrdreg $0xC0  }
0xab: {  	_ =	task [dreg:s6], $0x5FFFF  }
0xac: {  	[dreg:$0x1] =	wrdreg $0xFFFFFFFF  }
0xad: {  	[dreg:$0x0] =	wrdreg $0x60  }
0xae: {  	[dreg:$0x2] =	wrdreg s24  }
0xaf: {  	[dreg:$0x3] =	wrdreg $0xA0000  }
0xb0: {  	[dreg:$0x4] =	wrdreg $0x9  }
0xb1: {  	_ =	task.clear_ibuf [dreg:s6], $0x5FFFF;
	_ =	strace $0x9000004F  }
0xb2: {  	s29 =	simm.s32 $0x9;
	_ =	strace $0x80000051  }
0xb3: {  	_ =	swait.ge [sflag:s29], $0x1  }
0xb4: {  	[sflag:s29] =	ssyncadd.s32 $0xFFFFFFFF  }
0xb5: {  	_ =	strace $0x90000051  }
0xb6: {  	_ =	sfence  }
0xb7: {  	s30 =	sld [smem:$0x0];
	_ =	sdelay $0x2  }
0xb8: {  	s31 =	sshll.u32 s1, $0xD;
	s1 =	sshrl.u32 s1, $0x2  }
0xb9: {  	s3 =	sand.u32 $0x4000, s31;
	s1 =	sadd.s32 s1, s30  }
0xba: {  	s0 =	sor.u32 s3, s0;
	s1 =	sshll.u32 s1, $0x11  }
0xbb: {  	s0 =	sor.u32 s1, s0  }
0xbc: {  	s0 =	sadd.s32 $0x8F2B, s0  }
0xbd: {  	[sflag:s0] =	ssyncadd.remote.s32 $0x1  }
0xbe: {  	_ =	sfence.sel $0xFFFF  }
0xbf: {  	[dreg:$0x0] =	wrdreg $0xFFFFFFFF;
	(pc) =	sbr.abs _section_cstart, $3  }
0xc0: {  	[dreg:$0x1] =	wrdreg $0xFFFFFFFF  }
0xc1: {  	_ =	task.clear_ibuf [dreg:s6], $0x2FFFF;
	_ =	strace $0x9FFFFFFF  }
0xc2: {  	(tm) =	ssettm $0x7FFFFFFF  }
0xc3: {  	_ =	shalt  }
tec
execute0_lowered:
.L_overlay_start_1:
0x0: {  	(tag) =	ssettag $0x1  }
0x1: {  	s6 =	rddreg [dreg:$0x0]  }
0x2: {  	s1 =	rddreg [dreg:$0x1];
	s2 =	simm.s32 $0x0  }
0x3: {  	s5 =	srdreg.scid;
	s0 =	stileid.u32;
	s18 =	simm.s32 $0x64  }
0x4: {  	s19 =	simm.s32 $0x3800;
	s20 =	simm.s32 $0x1;
	s21 =	simm.s32 $0x6C00  }
0x5: {  	s28 =	simm.s32 $0x3500;
	s29 =	simm.s32 $0x3580;
	s30 =	simm.s32 $0x0  }
0x6: {  	[smem:$0x7FF] =	sst s2;
	s4 =	sadd.s32 $0x27A00, s6;
	s8 =	sadd.s32 $0x1AA00, s6  }
0x7: {  	s9 =	sadd.s32 $0x3600, s6;
	s7 =	sand.u32 $0x1, s5;
	s22 =	sshll.u32 s0, $0x1  }
0x8: {  	s12 =	smul.u32 $0x4E000, s0;
	s5 =	sadd.s32 $0x10600, s6;
	s14 =	sadd.s32 $0x4EC00, s6  }
0x9: {  	s16 =	sadd.s32 $0x124800, s1;
	s17 =	smul.u32 $0x13800, s0;
	p0 =	seq.s32 s0, $0xF  }
0xa: {  	_ =	strace $0x80000050;
	s10 =	ssub.s32 $0x2, s7;
	s11 =	sor.u32 s7, s22  }
0xb: {  	s25 =	smul.u32 $0x138800, s7;
	s22 =	simm.s32 $0x2;
	s13 =	sshrl.u32 s10, $0x1  }
0xc: {  	s11 =	smul.u32 $0x3400, s11;
	s23 =	sshrl.u32 s12, $0x2;
	s13 =	ssub.s32 s10, s13  }
0xd: {  	s15 =	sadd.s32 s23, s1;
	s31 =	sadd.s32 s17, s25;
	s17 =	simm.s32 $0x1C00  }
0xe: {  	s23 =	simm.s32 $0x1780;
	s24 =	sshrl.u32 s11, $0x3;
	s11 =	sshrl.u32 s25, $0x3  }
0xf: {  	s10 =	sshrl.u32 s31, $0x3;
	s12 =	smax.u32 s13, $0x1;
	s13 =	sshrl.u32 @p0 s16, $0x3  }
0x10: {  	s15 =	sshrl.u32 @!p0 s15, $0x3;
	s16 =	simm.s32 $0x3;
	s25 =	simm.s32 $0x3380  }
0x11: {  	s26 =	sadd.s32 $0x300, s24;
	s6 =	sadd.s32 s8, s24;
	s7 =	sadd.s32 s9, s24  }
0x12: {  	s11 =	sadd.s32 s14, s11;
	s10 =	sadd.s32 s14, s10;
	s14 =	sshll.u32 @!p0 s0, $0x6  }
0x13: {  	s24 =	simm.s32 $0x3300;
	s8 =	sadd.s32 s8, s26;
	s9 =	sadd.s32 s9, s26  }
0x14: {  	s11 =	sadd.s32 $0x24900, s11;
	s14 =	sor.u32 @!p0 $0x1C03, s14;
	s26 =	simm.s32 $0x1980  }
.LBB2_1:
0x15: {  	s31 =	simm.s32 @p0 $0x1FC3  }
0x16: {  	[spmem:s13], [sflag:s31] =	dma.local @p0 [hbm:s5], $0x2800  }
0x17: {  	s31 =	simm.s32 @p0 $0x3  }
0x18: {  	_ =	swait.ge @p0 [sflag:s31], $0x2800  }
0x19: {  	[sflag:s31] =	ssyncset.done @p0 $0x0  }
0x1a: {  	[sflag:s31] =	ssyncadd.s32 @p0 $0xFFFFD800;
	s31 =	simm.s32 @!p0 $0x3  }
0x1b: {  	[spmem:s15], [sflag:s14] =	dma.local @!p0 [hbm:s5], $0x2700  }
0x1c: {  	_ =	swait.ge @!p0 [sflag:s31], $0x2700  }
0x1d: {  	[sflag:s31] =	ssyncset.done @!p0 $0x0  }
0x1e: {  	[sflag:s31] =	ssyncadd.s32 @!p0 $0xFFFFD900  }
0x1f: {  	[bflag:$0x0] =	sbarrier.arrive $0xFFFF  }
0x20: {  	[tilespmem:s2], [sflag:$0x3] =	stream.linear.gather [hbm4b:s6+s2], $0x1800, $0x38;
	[tilespmem:$0x1D880] =	vst v63  }
0x21: {  	_ =	swait.ge [sflag:s16], $0x1800  }
0x22: {  	[sflag:s16] =	ssyncset.done $0x0  }
0x23: {  	[sflag:s16] =	ssyncadd.s32 $0xFFFFE800  }
0x24: {  	[tilespmem:s17], [sflag:$0x3] =	stream.linear.gather [hbm4b:s7+s2], $0x1800, $0x38;
	[tilespmem:$0x1D880] =	vst v63  }
0x25: {  	_ =	swait.ge [sflag:s16], $0x1800  }
0x26: {  	[sflag:s16] =	ssyncset.done $0x0  }
0x27: {  	[sflag:s16] =	ssyncadd.s32 $0xFFFFE800  }
0x28: {  	[tilespmem:s19], [sflag:$0x1] =	stream.indirect.gather [hbm4b:s4+s18], $0x80, s2, s18, $0xb8;
	[tilespmem:$0x1D880] =	vst v63  }
0x29: {  	_ =	swait.ge [sflag:s20], $0x3200  }
0x2a: {  	[sflag:s20] =	ssyncset.done $0x0  }
0x2b: {  	s31 =	simm.s32 $0x80;
	[sflag:s20] =	ssyncadd.s32 $0xFFFFCE00  }
0x2c: {  	[tilespmem:s21], [sflag:$0x2] =	stream.indirect.gather [hbm4b:s4+s18], $0x80, s31, s18, $0xb8;
	[tilespmem:$0x1D880] =	vst v63  }
0x2d: {  	s31 =	simm.s32 $0x1C00  }
0x2e: {  	[spmem:s1] =	stream.indirect.scatter.add.f32 [tilespmem:s19], [sflag:$0x3], $0x80, s31, s18, $0xb8;
	[tilespmem:$0x1D880] =	vst v63  }
0x2f: {  	_ =	swait.ge [sflag:s16], $0x3200  }
0x30: {  	[sflag:s16] =	ssyncset.done $0x0  }
0x31: {  	[sflag:s16] =	ssyncadd.s32 $0xFFFFCE00  }
0x32: {  	_ =	swait.ge [sflag:s22], $0x3200  }
0x33: {  	[sflag:s22] =	ssyncset.done $0x0  }
0x34: {  	s31 =	simm.s32 $0x100;
	[sflag:s22] =	ssyncadd.s32 $0xFFFFCE00  }
0x35: {  	[tilespmem:s19], [sflag:$0x1] =	stream.indirect.gather [hbm4b:s4+s18], $0x80, s31, s18, $0xb8;
	[tilespmem:$0x1D880] =	vst v63  }
0x36: {  	s31 =	simm.s32 $0x1C80  }
0x37: {  	[spmem:s1] =	stream.indirect.scatter.add.f32 [tilespmem:s21], [sflag:$0x3], $0x80, s31, s18, $0xb8;
	[tilespmem:$0x1D880] =	vst v63  }
0x38: {  	_ =	swait.ge [sflag:s16], $0x3200  }
0x39: {  	s31 =	simm.s32 $0x400;
	[sflag:s16] =	ssyncset.done $0x0  }
.LBB2_2:
0x3a: {  	p1 =	sne.s32 s31, $0x5800  }
0x3b: {  	[sflag:s16] =	ssyncadd.s32 $0xFFFFCE00;
	s0 =	smov.u32 s31;
	s31 =	sadd.s32 $0x400, s31  }
0x3c: {  	_ = 	snop  }
0x3d: {  	_ =	swait.ge [sflag:s20], $0x3200  }
0x3e: {  	s0 =	sshra.s32 s0, $0x2;
	[sflag:s20] =	ssyncset.done $0x0  }
0x3f: {  	s3 =	sadd.s32 $0x80, s0;
	[sflag:s20] =	ssyncadd.s32 $0xFFFFCE00  }
0x40: {  	[tilespmem:s21], [sflag:$0x2] =	stream.indirect.gather [hbm4b:s4+s18], $0x80, s3, s18, $0xb8;
	[tilespmem:$0x1D880] =	vst v63  }
0x41: {  	s3 =	sadd.s32 $0x1C00, s0  }
0x42: {  	[spmem:s1] =	stream.indirect.scatter.add.f32 [tilespmem:s19], [sflag:$0x3], $0x80, s3, s18, $0xb8;
	[tilespmem:$0x1D880] =	vst v63  }
0x43: {  	_ =	swait.ge [sflag:s16], $0x3200  }
0x44: {  	[sflag:s16] =	ssyncset.done $0x0  }
0x45: {  	[sflag:s16] =	ssyncadd.s32 $0xFFFFCE00  }
0x46: {  	_ =	swait.ge [sflag:s22], $0x3200  }
0x47: {  	[sflag:s22] =	ssyncset.done $0x0  }
0x48: {  	s3 =	sadd.s32 $0x100, s0;
	[sflag:s22] =	ssyncadd.s32 $0xFFFFCE00  }
0x49: {  	[tilespmem:s19], [sflag:$0x1] =	stream.indirect.gather [hbm4b:s4+s18], $0x80, s3, s18, $0xb8;
	[tilespmem:$0x1D880] =	vst v63  }
.Ltmp0:
0x4a: {  	_ = 	snop;
	(pc) =	sbr.rel @p1 .LBB2_2-.Ltmp0, $4  }
0x4b: {  	s0 =	sadd.s32 $0x1C80, s0  }
0x4c: {  	[spmem:s1] =	stream.indirect.scatter.add.f32 [tilespmem:s21], [sflag:$0x3], $0x80, s0, s18, $0xb8;
	[tilespmem:$0x1D880] =	vst v63  }
0x4d: {  	_ =	swait.ge [sflag:s16], $0x3200  }
0x4e: {  	[sflag:s16] =	ssyncset.done $0x0  }
0x4f: {  	[sflag:s16] =	ssyncadd.s32 $0xFFFFCE00  }
0x50: {  	_ =	swait.ge [sflag:s20], $0x3200  }
0x51: {  	[sflag:s20] =	ssyncset.done $0x0  }
0x52: {  	[sflag:s20] =	ssyncadd.s32 $0xFFFFCE00  }
0x53: {  	[tilespmem:s21], [sflag:$0x2] =	stream.indirect.gather [hbm4b:s4+s18], $0x80, s23, s18, $0xb8;
	[tilespmem:$0x1D880] =	vst v63  }
0x54: {  	_ = 	snop  }
0x55: {  	[spmem:s1] =	stream.indirect.scatter.add.f32 [tilespmem:s19], [sflag:$0x3], $0x80, s24, s18, $0xb8;
	[tilespmem:$0x1D880] =	vst v63  }
0x56: {  	_ =	swait.ge [sflag:s16], $0x3200  }
0x57: {  	[sflag:s16] =	ssyncset.done $0x0  }
0x58: {  	[sflag:s16] =	ssyncadd.s32 $0xFFFFCE00  }
0x59: {  	_ =	swait.ge [sflag:s22], $0x3200  }
0x5a: {  	[sflag:s22] =	ssyncset.done $0x0  }
0x5b: {  	[sflag:s22] =	ssyncadd.s32 $0xFFFFCE00  }
0x5c: {  	[spmem:s1] =	stream.indirect.scatter.add.f32 [tilespmem:s21], [sflag:$0x3], $0x80, s25, s18, $0xb8;
	[tilespmem:$0x1D880] =	vst v63  }
0x5d: {  	_ =	swait.ge [sflag:s16], $0x3200  }
0x5e: {  	[sflag:s16] =	ssyncset.done $0x0  }
0x5f: {  	s0 =	simm.s32 $0x0;
	[sflag:s16] =	ssyncadd.s32 $0xFFFFCE00  }
0x60: {  	[tilespmem:s0], [sflag:$0x3] =	stream.linear.gather [hbm4b:s8+s0], $0x1A00, $0x38;
	[tilespmem:$0x1D880] =	vst v63  }
0x61: {  	_ =	swait.ge [sflag:s16], $0x1A00  }
0x62: {  	[sflag:s16] =	ssyncset.done $0x0  }
0x63: {  	[sflag:s16] =	ssyncadd.s32 $0xFFFFE600  }
0x64: {  	[tilespmem:s17], [sflag:$0x3] =	stream.linear.gather [hbm4b:s9+s0], $0x1A00, $0x38;
	[tilespmem:$0x1D880] =	vst v63  }
0x65: {  	_ =	swait.ge [sflag:s16], $0x1A00  }
0x66: {  	[sflag:s16] =	ssyncset.done $0x0  }
0x67: {  	[sflag:s16] =	ssyncadd.s32 $0xFFFFE600  }
0x68: {  	[tilespmem:s19], [sflag:$0x1] =	stream.indirect.gather [hbm4b:s4+s18], $0x80, s0, s18, $0xb8;
	[tilespmem:$0x1D880] =	vst v63  }
0x69: {  	_ =	swait.ge [sflag:s20], $0x3200  }
0x6a: {  	[sflag:s20] =	ssyncset.done $0x0  }
0x6b: {  	s3 =	simm.s32 $0x80;
	[sflag:s20] =	ssyncadd.s32 $0xFFFFCE00  }
0x6c: {  	[tilespmem:s21], [sflag:$0x2] =	stream.indirect.gather [hbm4b:s4+s18], $0x80, s3, s18, $0xb8;
	[tilespmem:$0x1D880] =	vst v63  }
0x6d: {  	s3 =	simm.s32 $0x1C00  }
0x6e: {  	[spmem:s1] =	stream.indirect.scatter.add.f32 [tilespmem:s19], [sflag:$0x3], $0x80, s3, s18, $0xb8;
	[tilespmem:$0x1D880] =	vst v63  }
0x6f: {  	_ =	swait.ge [sflag:s16], $0x3200  }
0x70: {  	[sflag:s16] =	ssyncset.done $0x0  }
0x71: {  	[sflag:s16] =	ssyncadd.s32 $0xFFFFCE00  }
0x72: {  	_ =	swait.ge [sflag:s22], $0x3200  }
0x73: {  	[sflag:s22] =	ssyncset.done $0x0  }
0x74: {  	s3 =	simm.s32 $0x100;
	[sflag:s22] =	ssyncadd.s32 $0xFFFFCE00  }
0x75: {  	[tilespmem:s19], [sflag:$0x1] =	stream.indirect.gather [hbm4b:s4+s18], $0x80, s3, s18, $0xb8;
	[tilespmem:$0x1D880] =	vst v63  }
0x76: {  	s3 =	simm.s32 $0x1C80  }
0x77: {  	[spmem:s1] =	stream.indirect.scatter.add.f32 [tilespmem:s21], [sflag:$0x3], $0x80, s3, s18, $0xb8;
	[tilespmem:$0x1D880] =	vst v63  }
0x78: {  	_ =	swait.ge [sflag:s16], $0x3200  }
0x79: {  	s31 =	simm.s32 $0x400;
	[sflag:s16] =	ssyncset.done $0x0  }
.LBB2_4:
0x7a: {  	p1 =	sne.s32 s31, $0x6000  }
0x7b: {  	[sflag:s16] =	ssyncadd.s32 $0xFFFFCE00;
	s0 =	smov.u32 s31;
	s31 =	sadd.s32 $0x400, s31  }
0x7c: {  	_ = 	snop  }
0x7d: {  	_ =	swait.ge [sflag:s20], $0x3200  }
0x7e: {  	s0 =	sshra.s32 s0, $0x2;
	[sflag:s20] =	ssyncset.done $0x0  }
0x7f: {  	s3 =	sadd.s32 $0x80, s0;
	[sflag:s20] =	ssyncadd.s32 $0xFFFFCE00  }
0x80: {  	[tilespmem:s21], [sflag:$0x2] =	stream.indirect.gather [hbm4b:s4+s18], $0x80, s3, s18, $0xb8;
	[tilespmem:$0x1D880] =	vst v63  }
0x81: {  	s3 =	sadd.s32 $0x1C00, s0  }
0x82: {  	[spmem:s1] =	stream.indirect.scatter.add.f32 [tilespmem:s19], [sflag:$0x3], $0x80, s3, s18, $0xb8;
	[tilespmem:$0x1D880] =	vst v63  }
0x83: {  	_ =	swait.ge [sflag:s16], $0x3200  }
0x84: {  	[sflag:s16] =	ssyncset.done $0x0  }
0x85: {  	[sflag:s16] =	ssyncadd.s32 $0xFFFFCE00  }
0x86: {  	_ =	swait.ge [sflag:s22], $0x3200  }
0x87: {  	[sflag:s22] =	ssyncset.done $0x0  }
0x88: {  	s3 =	sadd.s32 $0x100, s0;
	[sflag:s22] =	ssyncadd.s32 $0xFFFFCE00  }
0x89: {  	[tilespmem:s19], [sflag:$0x1] =	stream.indirect.gather [hbm4b:s4+s18], $0x80, s3, s18, $0xb8;
	[tilespmem:$0x1D880] =	vst v63  }
.Ltmp1:
0x8a: {  	_ = 	snop;
	(pc) =	sbr.rel @p1 .LBB2_4-.Ltmp1, $4  }
0x8b: {  	s0 =	sadd.s32 $0x1C80, s0  }
0x8c: {  	[spmem:s1] =	stream.indirect.scatter.add.f32 [tilespmem:s21], [sflag:$0x3], $0x80, s0, s18, $0xb8;
	[tilespmem:$0x1D880] =	vst v63  }
0x8d: {  	_ =	swait.ge [sflag:s16], $0x3200  }
0x8e: {  	[sflag:s16] =	ssyncset.done $0x0  }
0x8f: {  	[sflag:s16] =	ssyncadd.s32 $0xFFFFCE00  }
0x90: {  	_ =	swait.ge [sflag:s20], $0x3200  }
0x91: {  	[sflag:s20] =	ssyncset.done $0x0  }
0x92: {  	[sflag:s20] =	ssyncadd.s32 $0xFFFFCE00  }
0x93: {  	[tilespmem:s21], [sflag:$0x2] =	stream.indirect.gather [hbm4b:s4+s18], $0x80, s26, s18, $0xb8;
	[tilespmem:$0x1D880] =	vst v63  }
0x94: {  	_ = 	snop  }
0x95: {  	[spmem:s1] =	stream.indirect.scatter.add.f32 [tilespmem:s19], [sflag:$0x3], $0x80, s28, s18, $0xb8;
	[tilespmem:$0x1D880] =	vst v63  }
0x96: {  	_ =	swait.ge [sflag:s16], $0x3200  }
0x97: {  	[sflag:s16] =	ssyncset.done $0x0  }
0x98: {  	[sflag:s16] =	ssyncadd.s32 $0xFFFFCE00  }
0x99: {  	_ =	swait.ge [sflag:s22], $0x3200  }
0x9a: {  	[sflag:s22] =	ssyncset.done $0x0  }
0x9b: {  	[sflag:s22] =	ssyncadd.s32 $0xFFFFCE00  }
0x9c: {  	[spmem:s1] =	stream.indirect.scatter.add.f32 [tilespmem:s21], [sflag:$0x3], $0x80, s29, s18, $0xb8;
	[tilespmem:$0x1D880] =	vst v63  }
0x9d: {  	_ =	swait.ge [sflag:s16], $0x3200  }
0x9e: {  	[sflag:s16] =	ssyncset.done $0x0  }
0x9f: {  	[sflag:s16] =	ssyncadd.s32 $0xFFFFCE00  }
0xa0: {  	s0 =	simm.s32 @p0 $0x1FC3;
	[bflag:$0x0] =	sbarrier.arrive $0xFFFF  }
0xa1: {  	[hbm:s11], [sflag:s0] =	dma.local @p0 [spmem:s13], $0x2800  }
0xa2: {  	s0 =	simm.s32 @p0 $0x3  }
0xa3: {  	s30 =	sadd.s32 $0x1, s30;
	_ =	swait.ge @p0 [sflag:s0], $0x2800  }
0xa4: {  	p1 =	sne.s32 s30, s12;
	[sflag:s0] =	ssyncset.done @p0 $0x0  }
.Ltmp2:
0xa5: {  	[sflag:s0] =	ssyncadd.s32 @p0 $0xFFFFD800;
	s0 =	simm.s32 @!p0 $0x3;
	(pc) =	sbr.rel @p1 .LBB2_1-.Ltmp2, $4  }
0xa6: {  	[hbm:s10], [sflag:s14] =	dma.local @!p0 [spmem:s15], $0x2700  }
0xa7: {  	_ =	swait.ge @!p0 [sflag:s0], $0x2700  }
0xa8: {  	[sflag:s0] =	ssyncset.done @!p0 $0x0  }
0xa9: {  	[sflag:s0] =	ssyncadd.s32 @!p0 $0xFFFFD900  }
0xaa: {  	_ =	sfence.sel $0x180000  }
0xab: {  	[bflag:$0x0] =	sbarrier.arrive $0xFFFF  }
0xac: {  	_ =	strace $0x90000050  }
0xad: {  	s0 =	stileid.u32;
	[bflag:$0x2] =	sbarrier.arrive $0xFFFF  }
0xae: {  	p0 =	sne.s32 s0, $0x0;
	s0 =	rddreg [dreg:$0x2]  }
0xaf: {  	s0 =	sadd.s32 @!p0 $0x100000, s0  }
0xb0: {  	[sflag:s0] =	ssyncadd.tile.s32 @!p0 $0x1;
	_ =	shalt  }
.Lfunc_end2:
_tile_overlayer_lowered:
.L_overlay_start_2:
0xb1: {  	(tag) =	ssettag $0x2  }
0xb2: {  	s0 =	rddreg [dreg:$0x0];
	s2 =	stileid.u32  }
0xb3: {  	s1 =	rddreg [dreg:$0x1];
	p0 =	sne.s32 s2, $0x0  }
0xb4: {  	s3 =	rddreg [dreg:$0x2];
	[bflag:$0x3] =	sbarrier.arrive $0xFFFF;
	s2 =	simm.s32 @!p0 $0x1C03  }
0xb5: {  	[timem:s3], [sflag:s2] =	dma.local @!p0 [hbm:s0], s1  }
0xb6: {  	s0 =	simm.s32 @!p0 $0x3  }
0xb7: {  	_ =	swait.ge @!p0 [sflag:s0], s1  }
0xb8: {  	s1 =	ssub.s32 @!p0 $0x0, s1;
	[sflag:s0] =	ssyncset.done @!p0 $0x0  }
0xb9: {  	[sflag:s0] =	ssyncadd.s32 @!p0 s1  }
0xba: {  	[bflag:$0x3] =	sbarrier.arrive $0xFFFF  }
0xbb: {  	_ =	shalt  }

</sc_bundles>
